<compile_context>
chip_gen: v7x
topology: tpu7x:2x2x1
jax: 0.10.2.dev20260603
libtpu: 0.0.44.dev20260713+nightly
codegen_flags: <defaults>
</compile_context>

<pallas_src>
import functools

import jax
import jax.numpy as jnp
from jax import lax
from jax.experimental import pallas as pl
from jax.experimental.pallas import tpu as pltpu
from jax.experimental.pallas import tpu_sc as plsc

F32 = jnp.float32
NC, NS = 2, 16
NW = NC * NS
CHUNK = 128
LN_EPS = 1e-5


def _sc_mesh():
    return plsc.VectorSubcoreMesh(core_axis_name="c", subcore_axis_name="s")


def _tc_precompute(x, w_s, w_d):
    n, d = x.shape
    blk = 2000
    h = w_s.shape[1]

    def body(x_ref, ws_ref, wd_ref, xs_ref, xd_ref):
        xb = x_ref[...]
        xs_ref[...] = jnp.dot(xb, ws_ref[...], preferred_element_type=F32)
        xd_ref[...] = jnp.dot(xb, wd_ref[...], preferred_element_type=F32)

    return pl.pallas_call(
        body,
        grid=(n // blk,),
        in_specs=[
            pl.BlockSpec((blk, d), lambda i: (i, 0)),
            pl.BlockSpec((d, h), lambda i: (0, 0)),
            pl.BlockSpec((d, h), lambda i: (0, 0)),
        ],
        out_specs=[
            pl.BlockSpec((blk, h), lambda i: (i, 0)),
            pl.BlockSpec((blk, h), lambda i: (i, 0)),
        ],
        out_shape=[
            jax.ShapeDtypeStruct((n, h), F32),
            jax.ShapeDtypeStruct((n, h), F32),
        ],
    )(x, w_s, w_d)


def _sc_gather(xs, xd, rowg, colg, epad):
    h = xs.shape[1]
    per_w = epad // NW
    gchunk = 2 * CHUNK
    nchunks = per_w // gchunk

    @functools.partial(
        pl.kernel,
        out_type=(
            jax.ShapeDtypeStruct((epad, h), F32),
            jax.ShapeDtypeStruct((epad, h), F32),
        ),
        mesh=_sc_mesh(),
        scratch_types=[
            pltpu.VMEM((gchunk,), jnp.int32),
            pltpu.VMEM((gchunk,), jnp.int32),
            pltpu.VMEM((gchunk, h), F32),
            pltpu.VMEM((gchunk, h), F32),
        ] + [pltpu.SemaphoreType.DMA] * 6,
    )
    def k(xs_hbm, xd_hbm, row_hbm, col_hbm, gs_hbm, gd_hbm,
          ia, ib, ra, rb, s0, s1, s4, s5, s8, s9):
        wid = lax.axis_index("s") * NC + lax.axis_index("c")
        base_w = wid * per_w

        def drain_writes(b0):
            pltpu.make_async_copy(ra, gs_hbm.at[pl.ds(b0, gchunk)], s8).wait()
            pltpu.make_async_copy(rb, gd_hbm.at[pl.ds(b0, gchunk)], s9).wait()

        def body(j, carry):
            b0 = base_w + j * gchunk
            c1 = pltpu.async_copy(row_hbm.at[pl.ds(b0, gchunk)], ia, s0)
            c2 = pltpu.async_copy(col_hbm.at[pl.ds(b0, gchunk)], ib, s1)

            @pl.when(j > 0)
            def _():
                drain_writes(b0)

            c1.wait()
            g1 = pltpu.async_copy(xs_hbm.at[ia], ra, s4)
            c2.wait()
            g2 = pltpu.async_copy(xd_hbm.at[ib], rb, s5)
            g1.wait()
            pltpu.async_copy(ra, gs_hbm.at[pl.ds(b0, gchunk)], s8)
            g2.wait()
            pltpu.async_copy(rb, gd_hbm.at[pl.ds(b0, gchunk)], s9)
            return carry

        lax.fori_loop(0, nchunks, body, 0)
        drain_writes(base_w)

    return k(xs, xd, rowg, colg)


def _tc_edge(gs, gd, ea, w1e, b1, g, b, w2, b2):
    epad, h = gs.shape
    ed = ea.shape[1]
    blk = 2048

    def body(gs_ref, gd_ref, ea_ref, w1e_ref, b1_ref, g_ref, b_ref,
             w2_ref, b2_ref, out_ref):
        pre = (gs_ref[...] + gd_ref[...]
               + jnp.dot(ea_ref[...], w1e_ref[...], preferred_element_type=F32)
               + b1_ref[...])
        hh = jnp.maximum(pre, 0.0)
        m = jnp.mean(hh, axis=-1, keepdims=True)
        c = hh - m
        v = jnp.mean(c * c, axis=-1, keepdims=True)
        hn = c * lax.rsqrt(v + LN_EPS) * g_ref[...] + b_ref[...]
        out_ref[...] = (jnp.dot(hn, w2_ref[...], preferred_element_type=F32)
                        + b2_ref[...])

    return pl.pallas_call(
        body,
        grid=(epad // blk,),
        in_specs=[
            pl.BlockSpec((blk, h), lambda i: (i, 0)),
            pl.BlockSpec((blk, h), lambda i: (i, 0)),
            pl.BlockSpec((blk, ed), lambda i: (i, 0)),
            pl.BlockSpec((ed, h), lambda i: (0, 0)),
            pl.BlockSpec((1, h), lambda i: (0, 0)),
            pl.BlockSpec((1, h), lambda i: (0, 0)),
            pl.BlockSpec((1, h), lambda i: (0, 0)),
            pl.BlockSpec((h, h), lambda i: (0, 0)),
            pl.BlockSpec((1, h), lambda i: (0, 0)),
        ],
        out_specs=pl.BlockSpec((blk, h), lambda i: (i, 0)),
        out_shape=jax.ShapeDtypeStruct((epad, h), F32),
    )(gs, gd, ea, w1e, b1, g, b, w2, b2)


def _row_spans(rows_per_tile):
    spans = []
    off = 0
    while off < rows_per_tile:
        c = min(CHUNK, rows_per_tile - off)
        spans.append((off, c))
        off += c
    return spans


def _sc_scatter_agg(ean, cols, zeros_agg, npad):
    epad, h = ean.shape
    per_w = epad // NW
    schunk = CHUNK
    nchunks = per_w // schunk
    rows_per_tile = npad // NS
    spans = _row_spans(rows_per_tile)

    @functools.partial(
        pl.kernel,
        out_type=jax.ShapeDtypeStruct((NC, npad, h), F32),
        mesh=_sc_mesh(),
        scratch_types=[
            pltpu.VMEM((schunk,), jnp.int32),
            pltpu.VMEM((schunk,), jnp.int32),
            pltpu.VMEM((schunk, h), F32),
            pltpu.VMEM((schunk, h), F32),
            pltpu.VMEM_SHARED((npad, h), F32),
        ] + [pltpu.SemaphoreType.DMA] * 6,
    )
    def k(ean_hbm, col_hbm, za_hbm, agg_hbm, idx0, idx1, rows0, rows1,
          sh_agg, s0, s1, s2, s3, s4, s5):
        cid = lax.axis_index("c")
        sid = lax.axis_index("s")
        wid = sid * NC + cid

        pltpu.sync_copy(za_hbm, rows0)
        for joff, jlen in spans:
            zbase = sid * rows_per_tile + joff
            pltpu.sync_copy(rows0.at[pl.ds(0, jlen)],
                            sh_agg.at[pl.ds(zbase, jlen)])
        plsc.subcore_barrier()

        base_w = wid * per_w

        def drain_adds():
            pltpu.make_async_copy(rows0, sh_agg.at[idx0], s4).wait()
            pltpu.make_async_copy(rows1, sh_agg.at[idx1], s5).wait()

        def body(j, carry):
            b0 = base_w + (2 * j) * schunk
            b1 = b0 + schunk
            @pl.when(j > 0)
            def _():
                drain_adds()

            c0 = pltpu.async_copy(col_hbm.at[pl.ds(b0, schunk)], idx0, s0)
            c1 = pltpu.async_copy(col_hbm.at[pl.ds(b1, schunk)], idx1, s1)
            r0 = pltpu.async_copy(ean_hbm.at[pl.ds(b0, schunk)], rows0, s2)
            r1 = pltpu.async_copy(ean_hbm.at[pl.ds(b1, schunk)], rows1, s3)
            c0.wait()
            r0.wait()
            pltpu.async_copy(rows0, sh_agg.at[idx0], s4, add=True)
            c1.wait()
            r1.wait()
            pltpu.async_copy(rows1, sh_agg.at[idx1], s5, add=True)
            return carry

        lax.fori_loop(0, nchunks // 2, body, 0)
        drain_adds()
        plsc.subcore_barrier()

        def copy_out(c):
            for joff, jlen in spans:
                obase = sid * rows_per_tile + joff
                pltpu.sync_copy(sh_agg.at[pl.ds(obase, jlen)],
                                rows0.at[pl.ds(0, jlen)])
                pltpu.sync_copy(rows0.at[pl.ds(0, jlen)],
                                agg_hbm.at[c, pl.ds(obase, jlen)])

        @pl.when(cid == 0)
        def _():
            copy_out(0)

        @pl.when(cid == 1)
        def _():
            copy_out(1)

    return k(ean, cols, zeros_agg)


def _sc_scatter_cnt(cols, zeros1, ones1, epad, npad):
    per_w = epad // NW
    nchunks = per_w // CHUNK
    rows_per_tile = npad // NS
    spans = _row_spans(rows_per_tile)

    @functools.partial(
        pl.kernel,
        out_type=jax.ShapeDtypeStruct((NC * npad,), F32),
        mesh=_sc_mesh(),
        scratch_types=[
            pltpu.VMEM((CHUNK,), jnp.int32),
            pltpu.VMEM((CHUNK,), F32),
            pltpu.VMEM((CHUNK,), F32),
            pltpu.VMEM_SHARED((npad,), F32),
        ],
    )
    def k(col_hbm, z_hbm, ones_hbm, cnt_hbm, idx_v, stage_v, ones_v, sh_cnt):
        cid = lax.axis_index("c")
        sid = lax.axis_index("s")
        wid = sid * NC + cid

        pltpu.sync_copy(z_hbm, stage_v)
        for joff, jlen in spans:
            zbase = sid * rows_per_tile + joff
            pltpu.sync_copy(stage_v.at[pl.ds(0, jlen)],
                            sh_cnt.at[pl.ds(zbase, jlen)])
        pltpu.sync_copy(ones_hbm, ones_v)
        plsc.subcore_barrier()

        base_w = wid * per_w

        def body(i, carry):
            base = base_w + i * CHUNK
            pltpu.sync_copy(col_hbm.at[pl.ds(base, CHUNK)], idx_v)
            pltpu.sync_copy(ones_v, sh_cnt.at[idx_v], add=True)
            return carry

        lax.fori_loop(0, nchunks, body, 0)
        plsc.subcore_barrier()

        def copy_out(c):
            for joff, jlen in spans:
                obase = sid * rows_per_tile + joff
                pltpu.sync_copy(sh_cnt.at[pl.ds(obase, jlen)],
                                stage_v.at[pl.ds(0, jlen)])
                pltpu.sync_copy(stage_v.at[pl.ds(0, jlen)],
                                cnt_hbm.at[pl.ds(c * npad + obase, jlen)])

        @pl.when(cid == 0)
        def _():
            copy_out(0)

        @pl.when(cid == 1)
        def _():
            copy_out(1)

    return k(cols, zeros1, ones1)


def _tc_node(x, agg_p, c0, c1, w1x, w1a, b1, g, b, w2, b2):
    n, d = x.shape
    h = w1x.shape[1]
    cw = c0.shape[1]
    blk = 2000

    def body(x_ref, a_ref, c0_ref, c1_ref, w1x_ref, w1a_ref,
             b1_ref, g_ref, b_ref, w2_ref, b2_ref, out_ref):
        cnt = c0_ref[...][:, :1] + c1_ref[...][:, :1]
        inv = 1.0 / jnp.maximum(cnt, 1.0)
        agg = (a_ref[0] + a_ref[1]) * inv
        gg = (jnp.dot(x_ref[...], w1x_ref[...], preferred_element_type=F32)
              + jnp.dot(agg, w1a_ref[...], preferred_element_type=F32)
              + b1_ref[...])
        hh_ = jnp.maximum(gg, 0.0)
        m = jnp.mean(hh_, axis=-1, keepdims=True)
        c = hh_ - m
        v = jnp.mean(c * c, axis=-1, keepdims=True)
        hn = c * lax.rsqrt(v + LN_EPS) * g_ref[...] + b_ref[...]
        out_ref[...] = (jnp.dot(hn, w2_ref[...], preferred_element_type=F32)
                        + b2_ref[...])

    return pl.pallas_call(
        body,
        grid=(n // blk,),
        in_specs=[
            pl.BlockSpec((blk, d), lambda i: (i, 0)),
            pl.BlockSpec((NC, blk, h), lambda i: (0, i, 0)),
            pl.BlockSpec((blk, cw), lambda i: (i, 0)),
            pl.BlockSpec((blk, cw), lambda i: (i, 0)),
            pl.BlockSpec((d, h), lambda i: (0, 0)),
            pl.BlockSpec((h, h), lambda i: (0, 0)),
            pl.BlockSpec((1, h), lambda i: (0, 0)),
            pl.BlockSpec((1, h), lambda i: (0, 0)),
            pl.BlockSpec((1, h), lambda i: (0, 0)),
            pl.BlockSpec((h, h), lambda i: (0, 0)),
            pl.BlockSpec((1, h), lambda i: (0, 0)),
        ],
        out_specs=pl.BlockSpec((blk, h), lambda i: (i, 0)),
        out_shape=jax.ShapeDtypeStruct((n, h), F32),
    )(x, agg_p, c0, c1, w1x, w1a, b1, g, b, w2, b2)


def kernel(x, edge_index, edge_attr, e_W1, e_b1, e_ln_g, e_ln_b, e_W2, e_b2,
           n_W1, n_b1, n_ln_g, n_ln_b, n_W2, n_b2):
    n, d = x.shape
    e, ed = edge_attr.shape
    h = e_W2.shape[1]

    per_w_chunks = -(-e // (NW * CHUNK))
    per_w_chunks += per_w_chunks % 2
    epad = NW * CHUNK * per_w_chunks
    pad = epad - e

    row = edge_index[0]
    col = edge_index[1]
    pad_g = jnp.arange(pad, dtype=jnp.int32) % jnp.int32(128)
    rowg = jnp.concatenate([row, pad_g])
    colg = jnp.concatenate([col, pad_g])
    pad_s = jnp.int32(n) + jnp.arange(pad, dtype=jnp.int32) % jnp.int32(16)
    cols = jnp.concatenate([col, pad_s])
    ea_pad = jnp.concatenate([edge_attr, jnp.zeros((pad, ed), F32)], axis=0)

    w1s = e_W1[:d]
    w1d = e_W1[d:2 * d]
    w1e = e_W1[2 * d:]

    npad = -(-(n + 16) // 128) * 128

    xs, xd = _tc_precompute(x, w1s, w1d)
    gs, gd = _sc_gather(xs, xd, rowg, colg, epad)
    cnt1d = _sc_scatter_cnt(cols, jnp.zeros((CHUNK,), F32),
                            jnp.ones((CHUNK,), F32), epad, npad)
    ean_pad = _tc_edge(gs, gd, ea_pad, w1e,
                       e_b1.reshape(1, -1), e_ln_g.reshape(1, -1),
                       e_ln_b.reshape(1, -1), e_W2, e_b2.reshape(1, -1))
    edge_attr_new = ean_pad[:e]

    agg_p = _sc_scatter_agg(ean_pad, cols, jnp.zeros((CHUNK, h), F32), npad)
    c0 = cnt1d[:npad].reshape(npad, 1)
    c1 = cnt1d[npad:].reshape(npad, 1)

    x_new = _tc_node(x, agg_p, c0, c1,
                     n_W1[:d], n_W1[d:],
                     n_b1.reshape(1, -1), n_ln_g.reshape(1, -1),
                     n_ln_b.reshape(1, -1), n_W2, n_b2.reshape(1, -1))
    return (x_new, edge_attr_new)

# --- scband reference (transcript-rebuilt; emitter-appended) ---
"""Pipeline reference for scband-mesh-graph-net-block-66649302499638 (READ-ONLY COPY).

The authoritative reference and input builder live on the scoring server;
editing this copy changes nothing except your own understanding.
"""

import jax, jax.numpy as jnp
import numpy as np

N, E = 10000, 320000
NODE_DIM, EDGE_DIM, HIDDEN = 128, 16, 128


def layer_norm(h, g, b, eps=1e-5):
    m = jnp.mean(h, axis=-1, keepdims=True)
    v = jnp.var(h, axis=-1, keepdims=True)
    return (h - m) / jnp.sqrt(v + eps) * g + b


def _init_linear(key, fan_in, fan_out):
    k1, k2 = jax.random.split(key)
    bound = 1.0 / np.sqrt(fan_in)
    W = jax.random.uniform(k1, (fan_in, fan_out), jnp.float32, -bound, bound)
    b = jax.random.uniform(k2, (fan_out,), jnp.float32, -bound, bound)
    return W, b


def setup_inputs(seed: int = 0) -> dict:
    key = jax.random.key(seed)
    ks = jax.random.split(key, 8)
    x = jax.random.normal(ks[0], (N, NODE_DIM), jnp.float32)
    edge_index = jax.random.randint(ks[1], (2, E), 0, N, jnp.int32)
    edge_attr = jax.random.normal(ks[2], (E, EDGE_DIM), jnp.float32)
    # EdgeModel MLP: Linear(2*node+edge -> hidden), ReLU, LayerNorm, Linear(hidden->hidden)
    e_W1, e_b1 = _init_linear(ks[3], 2 * NODE_DIM + EDGE_DIM, HIDDEN)
    e_ln_g = jnp.ones((HIDDEN,), jnp.float32)
    e_ln_b = jnp.zeros((HIDDEN,), jnp.float32)
    e_W2, e_b2 = _init_linear(ks[4], HIDDEN, HIDDEN)
    # NodeModel MLP: Linear(node + hidden -> hidden), ReLU, LayerNorm, Linear(hidden->hidden)
    n_W1, n_b1 = _init_linear(ks[5], NODE_DIM + HIDDEN, HIDDEN)
    n_ln_g = jnp.ones((HIDDEN,), jnp.float32)
    n_ln_b = jnp.zeros((HIDDEN,), jnp.float32)
    n_W2, n_b2 = _init_linear(ks[6], HIDDEN, HIDDEN)
    return {
        "x": x, "edge_index": edge_index, "edge_attr": edge_attr,
        "e_W1": e_W1, "e_b1": e_b1, "e_ln_g": e_ln_g, "e_ln_b": e_ln_b,
        "e_W2": e_W2, "e_b2": e_b2,
        "n_W1": n_W1, "n_b1": n_b1, "n_ln_g": n_ln_g, "n_ln_b": n_ln_b,
        "n_W2": n_W2, "n_b2": n_b2,
    }


def reference(x, edge_index, edge_attr,
              e_W1, e_b1, e_ln_g, e_ln_b, e_W2, e_b2,
              n_W1, n_b1, n_ln_g, n_ln_b, n_W2, n_b2):
    row = edge_index[0]
    col = edge_index[1]
    num_nodes = x.shape[0]
    # Edge model: cat([x[row], x[col], edge_attr]) -> MLP
    src = jnp.take(x, row, axis=0)
    dst = jnp.take(x, col, axis=0)
    h = jnp.concatenate([src, dst, edge_attr], axis=-1)
    h = h @ e_W1 + e_b1
    h = jax.nn.relu(h)
    h = layer_norm(h, e_ln_g, e_ln_b)
    edge_attr_new = h @ e_W2 + e_b2
    # Node model: scatter-mean of edge messages onto dst nodes (col)
    agg_sum = jax.ops.segment_sum(edge_attr_new, col, num_segments=num_nodes)
    cnt = jax.ops.segment_sum(jnp.ones((edge_attr_new.shape[0], 1), jnp.float32), col, num_segments=num_nodes)
    agg = agg_sum / jnp.maximum(cnt, 1.0)
    g = jnp.concatenate([x, agg], axis=-1)
    g = g @ n_W1 + n_b1
    g = jax.nn.relu(g)
    g = layer_norm(g, n_ln_g, n_ln_b)
    x_new = g @ n_W2 + n_b2
    return (x_new, edge_attr_new)

if __name__ == "__main__":
    import jax
    _d = setup_inputs()
    print(jax.jit(kernel)(*tuple(_d.values())))

</pallas_src>

<mosaic_0001>
#map = affine_map<(d0, d1) -> (0, 0)>
#map1 = affine_map<(d0, d1) -> (0)>
#map2 = affine_map<(d0, d1) -> (0, 0, 0)>
module attributes {stable_mosaic.version = 14 : i64} {
  func.func @k(%arg0: i32, %arg1: i32, %arg2: memref<327680x128xf32, #tpu.memory_space<hbm>>, %arg3: memref<327680xi32, #tpu.memory_space<hbm>>, %arg4: memref<128x128xf32, #tpu.memory_space<hbm>>, %arg5: memref<2x10112x128xf32, #tpu.memory_space<hbm>>, %arg6: memref<128xi32, #tpu.memory_space<vmem>>, %arg7: memref<128xi32, #tpu.memory_space<vmem>>, %arg8: memref<128x128xf32, #tpu.memory_space<vmem>>, %arg9: memref<128x128xf32, #tpu.memory_space<vmem>>, %arg10: memref<10112x128xf32, #tpu.memory_space<vmem_shared>>, %arg11: memref<!tpu.dma_semaphore, #tpu.memory_space<semaphore_mem>>, %arg12: memref<!tpu.dma_semaphore, #tpu.memory_space<semaphore_mem>>, %arg13: memref<!tpu.dma_semaphore, #tpu.memory_space<semaphore_mem>>, %arg14: memref<!tpu.dma_semaphore, #tpu.memory_space<semaphore_mem>>, %arg15: memref<!tpu.dma_semaphore, #tpu.memory_space<semaphore_mem>>, %arg16: memref<!tpu.dma_semaphore, #tpu.memory_space<semaphore_mem>>) attributes {dimension_semantics = [#tpu.dimension_semantics<core_parallel>, #tpu.dimension_semantics<subcore_parallel>], iteration_bounds = array<i64: 2, 16>, scalar_prefetch = 0 : i64, scratch_operands = 11 : i64, tpu.core_type = #tpu.core_type<sc_vector_subcore>, window_params = [{transform_indices = #map}, {transform_indices = #map1}, {transform_indices = #map}, {transform_indices = #map2}]} {
    %mul3A = arith.constant 2 : i32
    %mul3A_0 = arith.muli %arg1, %mul3A : i32
    %add3A = arith.addi %mul3A_0, %arg0 : i32
    "tpu.region"() ({
      %run_scoped3A = tpu.sem_alloc : memref<!tpu.dma_semaphore, #tpu.memory_space<semaphore_mem>>
      tpu.enqueue_dma source(%arg4 : memref<128x128xf32, #tpu.memory_space<hbm>>) target(%arg8 : memref<128x128xf32, #tpu.memory_space<vmem>>) target_semaphore(%run_scoped3A : memref<!tpu.dma_semaphore, #tpu.memory_space<semaphore_mem>>)
      tpu.wait_dma2 semaphore(%run_scoped3A : memref<!tpu.dma_semaphore, #tpu.memory_space<semaphore_mem>>) src(%arg4 : memref<128x128xf32, #tpu.memory_space<hbm>>) dst(%arg8 : memref<128x128xf32, #tpu.memory_space<vmem>>)
      tpu.yield
    }) : () -> ()
    %mul3A_1 = arith.constant 632 : i32
    %mul3A_2 = arith.muli %arg1, %mul3A_1 : i32
    %add3A_3 = arith.constant 0 : i32
    %add3A_4 = arith.addi %mul3A_2, %add3A_3 : i32
    "tpu.region"() ({
      %run_scoped3A = tpu.sem_alloc : memref<!tpu.dma_semaphore, #tpu.memory_space<semaphore_mem>>
      %dma_start3A = arith.constant 0 : i32
      %dma_start3A_41 = arith.constant 0 : i32
      %dma_start3A_42 = tpu.memref_slice %arg8[%dma_start3A, %dma_start3A_41] : memref<128x128xf32, #tpu.memory_space<vmem>> -> memref<128x128xf32, #tpu.memory_space<vmem>>
      %dma_start3A_43 = arith.constant 0 : i32
      %dma_start3A_44 = tpu.memref_slice %arg10[%add3A_4, %dma_start3A_43] : memref<10112x128xf32, #tpu.memory_space<vmem_shared>> -> memref<128x128xf32, #tpu.memory_space<vmem_shared>>
      %dma_start3A_45 = arith.constant 0 : i32
      %dma_start3A_46 = tpu.memref_slice %arg10[%add3A_4, %dma_start3A_45] : memref<10112x128xf32, #tpu.memory_space<vmem_shared>> -> memref<128x128xf32, #tpu.memory_space<vmem_shared>>
      %dma_start3A_47 = arith.constant 0 : i32
      %dma_start3A_48 = arith.constant 0 : i32
      %dma_start3A_49 = tpu.memref_slice %arg8[%dma_start3A_47, %dma_start3A_48] : memref<128x128xf32, #tpu.memory_space<vmem>> -> memref<128x128xf32, #tpu.memory_space<vmem>>
      tpu.enqueue_dma source(%dma_start3A_49 : memref<128x128xf32, #tpu.memory_space<vmem>>) target(%dma_start3A_46 : memref<128x128xf32, #tpu.memory_space<vmem_shared>>) target_semaphore(%run_scoped3A : memref<!tpu.dma_semaphore, #tpu.memory_space<semaphore_mem>>)
      %dma_wait3A_50 = arith.constant 0 : i32
      %dma_wait3A_51 = arith.constant 0 : i32
      %dma_wait3A_52 = tpu.memref_slice %arg8[%dma_wait3A_50, %dma_wait3A_51] : memref<128x128xf32, #tpu.memory_space<vmem>> -> memref<128x128xf32, #tpu.memory_space<vmem>>
      %dma_wait3A_53 = arith.constant 0 : i32
      %dma_wait3A_54 = tpu.memref_slice %arg10[%add3A_4, %dma_wait3A_53] : memref<10112x128xf32, #tpu.memory_space<vmem_shared>> -> memref<128x128xf32, #tpu.memory_space<vmem_shared>>
      %dma_wait3A_55 = arith.constant 0 : i32
      %dma_wait3A_56 = tpu.memref_slice %arg10[%add3A_4, %dma_wait3A_55] : memref<10112x128xf32, #tpu.memory_space<vmem_shared>> -> memref<128x128xf32, #tpu.memory_space<vmem_shared>>
      %dma_wait3A_57 = arith.constant 0 : i32
      %dma_wait3A_58 = arith.constant 0 : i32
      %dma_wait3A_59 = tpu.memref_slice %arg8[%dma_wait3A_57, %dma_wait3A_58] : memref<128x128xf32, #tpu.memory_space<vmem>> -> memref<128x128xf32, #tpu.memory_space<vmem>>
      tpu.wait_dma2 semaphore(%run_scoped3A : memref<!tpu.dma_semaphore, #tpu.memory_space<semaphore_mem>>) src(%dma_wait3A_59 : memref<128x128xf32, #tpu.memory_space<vmem>>) dst(%dma_wait3A_56 : memref<128x128xf32, #tpu.memory_space<vmem_shared>>)
      tpu.yield
    }) : () -> ()
    %mul3A_5 = arith.constant 632 : i32
    %mul3A_6 = arith.muli %arg1, %mul3A_5 : i32
    %add3A_7 = arith.constant 128 : i32
    %add3A_8 = arith.addi %mul3A_6, %add3A_7 : i32
    "tpu.region"() ({
      %run_scoped3A = tpu.sem_alloc : memref<!tpu.dma_semaphore, #tpu.memory_space<semaphore_mem>>
      %dma_start3A = arith.constant 0 : i32
      %dma_start3A_41 = arith.constant 0 : i32
      %dma_start3A_42 = tpu.memref_slice %arg8[%dma_start3A, %dma_start3A_41] : memref<128x128xf32, #tpu.memory_space<vmem>> -> memref<128x128xf32, #tpu.memory_space<vmem>>
      %dma_start3A_43 = arith.constant 0 : i32
      %dma_start3A_44 = tpu.memref_slice %arg10[%add3A_8, %dma_start3A_43] : memref<10112x128xf32, #tpu.memory_space<vmem_shared>> -> memref<128x128xf32, #tpu.memory_space<vmem_shared>>
      %dma_start3A_45 = arith.constant 0 : i32
      %dma_start3A_46 = tpu.memref_slice %arg10[%add3A_8, %dma_start3A_45] : memref<10112x128xf32, #tpu.memory_space<vmem_shared>> -> memref<128x128xf32, #tpu.memory_space<vmem_shared>>
      %dma_start3A_47 = arith.constant 0 : i32
      %dma_start3A_48 = arith.constant 0 : i32
      %dma_start3A_49 = tpu.memref_slice %arg8[%dma_start3A_47, %dma_start3A_48] : memref<128x128xf32, #tpu.memory_space<vmem>> -> memref<128x128xf32, #tpu.memory_space<vmem>>
      tpu.enqueue_dma source(%dma_start3A_49 : memref<128x128xf32, #tpu.memory_space<vmem>>) target(%dma_start3A_46 : memref<128x128xf32, #tpu.memory_space<vmem_shared>>) target_semaphore(%run_scoped3A : memref<!tpu.dma_semaphore, #tpu.memory_space<semaphore_mem>>)
      %dma_wait3A_50 = arith.constant 0 : i32
      %dma_wait3A_51 = arith.constant 0 : i32
      %dma_wait3A_52 = tpu.memref_slice %arg8[%dma_wait3A_50, %dma_wait3A_51] : memref<128x128xf32, #tpu.memory_space<vmem>> -> memref<128x128xf32, #tpu.memory_space<vmem>>
      %dma_wait3A_53 = arith.constant 0 : i32
      %dma_wait3A_54 = tpu.memref_slice %arg10[%add3A_8, %dma_wait3A_53] : memref<10112x128xf32, #tpu.memory_space<vmem_shared>> -> memref<128x128xf32, #tpu.memory_space<vmem_shared>>
      %dma_wait3A_55 = arith.constant 0 : i32
      %dma_wait3A_56 = tpu.memref_slice %arg10[%add3A_8, %dma_wait3A_55] : memref<10112x128xf32, #tpu.memory_space<vmem_shared>> -> memref<128x128xf32, #tpu.memory_space<vmem_shared>>
      %dma_wait3A_57 = arith.constant 0 : i32
      %dma_wait3A_58 = arith.constant 0 : i32
      %dma_wait3A_59 = tpu.memref_slice %arg8[%dma_wait3A_57, %dma_wait3A_58] : memref<128x128xf32, #tpu.memory_space<vmem>> -> memref<128x128xf32, #tpu.memory_space<vmem>>
      tpu.wait_dma2 semaphore(%run_scoped3A : memref<!tpu.dma_semaphore, #tpu.memory_space<semaphore_mem>>) src(%dma_wait3A_59 : memref<128x128xf32, #tpu.memory_space<vmem>>) dst(%dma_wait3A_56 : memref<128x128xf32, #tpu.memory_space<vmem_shared>>)
      tpu.yield
    }) : () -> ()
    %mul3A_9 = arith.constant 632 : i32
    %mul3A_10 = arith.muli %arg1, %mul3A_9 : i32
    %add3A_11 = arith.constant 256 : i32
    %add3A_12 = arith.addi %mul3A_10, %add3A_11 : i32
    "tpu.region"() ({
      %run_scoped3A = tpu.sem_alloc : memref<!tpu.dma_semaphore, #tpu.memory_space<semaphore_mem>>
      %dma_start3A = arith.constant 0 : i32
      %dma_start3A_41 = arith.constant 0 : i32
      %dma_start3A_42 = tpu.memref_slice %arg8[%dma_start3A, %dma_start3A_41] : memref<128x128xf32, #tpu.memory_space<vmem>> -> memref<128x128xf32, #tpu.memory_space<vmem>>
      %dma_start3A_43 = arith.constant 0 : i32
      %dma_start3A_44 = tpu.memref_slice %arg10[%add3A_12, %dma_start3A_43] : memref<10112x128xf32, #tpu.memory_space<vmem_shared>> -> memref<128x128xf32, #tpu.memory_space<vmem_shared>>
      %dma_start3A_45 = arith.constant 0 : i32
      %dma_start3A_46 = tpu.memref_slice %arg10[%add3A_12, %dma_start3A_45] : memref<10112x128xf32, #tpu.memory_space<vmem_shared>> -> memref<128x128xf32, #tpu.memory_space<vmem_shared>>
      %dma_start3A_47 = arith.constant 0 : i32
      %dma_start3A_48 = arith.constant 0 : i32
      %dma_start3A_49 = tpu.memref_slice %arg8[%dma_start3A_47, %dma_start3A_48] : memref<128x128xf32, #tpu.memory_space<vmem>> -> memref<128x128xf32, #tpu.memory_space<vmem>>
      tpu.enqueue_dma source(%dma_start3A_49 : memref<128x128xf32, #tpu.memory_space<vmem>>) target(%dma_start3A_46 : memref<128x128xf32, #tpu.memory_space<vmem_shared>>) target_semaphore(%run_scoped3A : memref<!tpu.dma_semaphore, #tpu.memory_space<semaphore_mem>>)
      %dma_wait3A_50 = arith.constant 0 : i32
      %dma_wait3A_51 = arith.constant 0 : i32
      %dma_wait3A_52 = tpu.memref_slice %arg8[%dma_wait3A_50, %dma_wait3A_51] : memref<128x128xf32, #tpu.memory_space<vmem>> -> memref<128x128xf32, #tpu.memory_space<vmem>>
      %dma_wait3A_53 = arith.constant 0 : i32
      %dma_wait3A_54 = tpu.memref_slice %arg10[%add3A_12, %dma_wait3A_53] : memref<10112x128xf32, #tpu.memory_space<vmem_shared>> -> memref<128x128xf32, #tpu.memory_space<vmem_shared>>
      %dma_wait3A_55 = arith.constant 0 : i32
      %dma_wait3A_56 = tpu.memref_slice %arg10[%add3A_12, %dma_wait3A_55] : memref<10112x128xf32, #tpu.memory_space<vmem_shared>> -> memref<128x128xf32, #tpu.memory_space<vmem_shared>>
      %dma_wait3A_57 = arith.constant 0 : i32
      %dma_wait3A_58 = arith.constant 0 : i32
      %dma_wait3A_59 = tpu.memref_slice %arg8[%dma_wait3A_57, %dma_wait3A_58] : memref<128x128xf32, #tpu.memory_space<vmem>> -> memref<128x128xf32, #tpu.memory_space<vmem>>
      tpu.wait_dma2 semaphore(%run_scoped3A : memref<!tpu.dma_semaphore, #tpu.memory_space<semaphore_mem>>) src(%dma_wait3A_59 : memref<128x128xf32, #tpu.memory_space<vmem>>) dst(%dma_wait3A_56 : memref<128x128xf32, #tpu.memory_space<vmem_shared>>)
      tpu.yield
    }) : () -> ()
    %mul3A_13 = arith.constant 632 : i32
    %mul3A_14 = arith.muli %arg1, %mul3A_13 : i32
    %add3A_15 = arith.constant 384 : i32
    %add3A_16 = arith.addi %mul3A_14, %add3A_15 : i32
    "tpu.region"() ({
      %run_scoped3A = tpu.sem_alloc : memref<!tpu.dma_semaphore, #tpu.memory_space<semaphore_mem>>
      %dma_start3A = arith.constant 0 : i32
      %dma_start3A_41 = arith.constant 0 : i32
      %dma_start3A_42 = tpu.memref_slice %arg8[%dma_start3A, %dma_start3A_41] : memref<128x128xf32, #tpu.memory_space<vmem>> -> memref<128x128xf32, #tpu.memory_space<vmem>>
      %dma_start3A_43 = arith.constant 0 : i32
      %dma_start3A_44 = tpu.memref_slice %arg10[%add3A_16, %dma_start3A_43] : memref<10112x128xf32, #tpu.memory_space<vmem_shared>> -> memref<128x128xf32, #tpu.memory_space<vmem_shared>>
      %dma_start3A_45 = arith.constant 0 : i32
      %dma_start3A_46 = tpu.memref_slice %arg10[%add3A_16, %dma_start3A_45] : memref<10112x128xf32, #tpu.memory_space<vmem_shared>> -> memref<128x128xf32, #tpu.memory_space<vmem_shared>>
      %dma_start3A_47 = arith.constant 0 : i32
      %dma_start3A_48 = arith.constant 0 : i32
      %dma_start3A_49 = tpu.memref_slice %arg8[%dma_start3A_47, %dma_start3A_48] : memref<128x128xf32, #tpu.memory_space<vmem>> -> memref<128x128xf32, #tpu.memory_space<vmem>>
      tpu.enqueue_dma source(%dma_start3A_49 : memref<128x128xf32, #tpu.memory_space<vmem>>) target(%dma_start3A_46 : memref<128x128xf32, #tpu.memory_space<vmem_shared>>) target_semaphore(%run_scoped3A : memref<!tpu.dma_semaphore, #tpu.memory_space<semaphore_mem>>)
      %dma_wait3A_50 = arith.constant 0 : i32
      %dma_wait3A_51 = arith.constant 0 : i32
      %dma_wait3A_52 = tpu.memref_slice %arg8[%dma_wait3A_50, %dma_wait3A_51] : memref<128x128xf32, #tpu.memory_space<vmem>> -> memref<128x128xf32, #tpu.memory_space<vmem>>
      %dma_wait3A_53 = arith.constant 0 : i32
      %dma_wait3A_54 = tpu.memref_slice %arg10[%add3A_16, %dma_wait3A_53] : memref<10112x128xf32, #tpu.memory_space<vmem_shared>> -> memref<128x128xf32, #tpu.memory_space<vmem_shared>>
      %dma_wait3A_55 = arith.constant 0 : i32
      %dma_wait3A_56 = tpu.memref_slice %arg10[%add3A_16, %dma_wait3A_55] : memref<10112x128xf32, #tpu.memory_space<vmem_shared>> -> memref<128x128xf32, #tpu.memory_space<vmem_shared>>
      %dma_wait3A_57 = arith.constant 0 : i32
      %dma_wait3A_58 = arith.constant 0 : i32
      %dma_wait3A_59 = tpu.memref_slice %arg8[%dma_wait3A_57, %dma_wait3A_58] : memref<128x128xf32, #tpu.memory_space<vmem>> -> memref<128x128xf32, #tpu.memory_space<vmem>>
      tpu.wait_dma2 semaphore(%run_scoped3A : memref<!tpu.dma_semaphore, #tpu.memory_space<semaphore_mem>>) src(%dma_wait3A_59 : memref<128x128xf32, #tpu.memory_space<vmem>>) dst(%dma_wait3A_56 : memref<128x128xf32, #tpu.memory_space<vmem_shared>>)
      tpu.yield
    }) : () -> ()
    %mul3A_17 = arith.constant 632 : i32
    %mul3A_18 = arith.muli %arg1, %mul3A_17 : i32
    %add3A_19 = arith.constant 512 : i32
    %add3A_20 = arith.addi %mul3A_18, %add3A_19 : i32
    "tpu.region"() ({
      %run_scoped3A = tpu.sem_alloc : memref<!tpu.dma_semaphore, #tpu.memory_space<semaphore_mem>>
      %dma_start3A = arith.constant 0 : i32
      %dma_start3A_41 = arith.constant 0 : i32
      %dma_start3A_42 = tpu.memref_slice %arg8[%dma_start3A, %dma_start3A_41] : memref<128x128xf32, #tpu.memory_space<vmem>> -> memref<120x128xf32, #tpu.memory_space<vmem>>
      %dma_start3A_43 = arith.constant 0 : i32
      %dma_start3A_44 = tpu.memref_slice %arg10[%add3A_20, %dma_start3A_43] : memref<10112x128xf32, #tpu.memory_space<vmem_shared>> -> memref<120x128xf32, #tpu.memory_space<vmem_shared>>
      %dma_start3A_45 = arith.constant 0 : i32
      %dma_start3A_46 = tpu.memref_slice %arg10[%add3A_20, %dma_start3A_45] : memref<10112x128xf32, #tpu.memory_space<vmem_shared>> -> memref<120x128xf32, #tpu.memory_space<vmem_shared>>
      %dma_start3A_47 = arith.constant 0 : i32
      %dma_start3A_48 = arith.constant 0 : i32
      %dma_start3A_49 = tpu.memref_slice %arg8[%dma_start3A_47, %dma_start3A_48] : memref<128x128xf32, #tpu.memory_space<vmem>> -> memref<120x128xf32, #tpu.memory_space<vmem>>
      tpu.enqueue_dma source(%dma_start3A_49 : memref<120x128xf32, #tpu.memory_space<vmem>>) target(%dma_start3A_46 : memref<120x128xf32, #tpu.memory_space<vmem_shared>>) target_semaphore(%run_scoped3A : memref<!tpu.dma_semaphore, #tpu.memory_space<semaphore_mem>>)
      %dma_wait3A_50 = arith.constant 0 : i32
      %dma_wait3A_51 = arith.constant 0 : i32
      %dma_wait3A_52 = tpu.memref_slice %arg8[%dma_wait3A_50, %dma_wait3A_51] : memref<128x128xf32, #tpu.memory_space<vmem>> -> memref<120x128xf32, #tpu.memory_space<vmem>>
      %dma_wait3A_53 = arith.constant 0 : i32
      %dma_wait3A_54 = tpu.memref_slice %arg10[%add3A_20, %dma_wait3A_53] : memref<10112x128xf32, #tpu.memory_space<vmem_shared>> -> memref<120x128xf32, #tpu.memory_space<vmem_shared>>
      %dma_wait3A_55 = arith.constant 0 : i32
      %dma_wait3A_56 = tpu.memref_slice %arg10[%add3A_20, %dma_wait3A_55] : memref<10112x128xf32, #tpu.memory_space<vmem_shared>> -> memref<120x128xf32, #tpu.memory_space<vmem_shared>>
      %dma_wait3A_57 = arith.constant 0 : i32
      %dma_wait3A_58 = arith.constant 0 : i32
      %dma_wait3A_59 = tpu.memref_slice %arg8[%dma_wait3A_57, %dma_wait3A_58] : memref<128x128xf32, #tpu.memory_space<vmem>> -> memref<120x128xf32, #tpu.memory_space<vmem>>
      tpu.wait_dma2 semaphore(%run_scoped3A : memref<!tpu.dma_semaphore, #tpu.memory_space<semaphore_mem>>) src(%dma_wait3A_59 : memref<120x128xf32, #tpu.memory_space<vmem>>) dst(%dma_wait3A_56 : memref<120x128xf32, #tpu.memory_space<vmem_shared>>)
      tpu.yield
    }) : () -> ()
    %barrier3A = arith.constant 0 : index
    tpu.barrier barrier_id(%barrier3A)
    %mul3A_21 = arith.constant 10240 : i32
    %mul3A_22 = arith.muli %add3A, %mul3A_21 : i32
    %scan3A = arith.constant 0 : i32
    %scan3A_23 = arith.constant 0 : i32
    %scan3A_24 = arith.constant 40 : i32
    %scan3A_25 = arith.addi %scan3A_23, %scan3A_24 : i32
    %scan3A_26 = arith.constant 1 : i32
    scf.for %scan3A_41 = %scan3A_23 to %scan3A_25 step %scan3A_26  : i32 {
      %mul3A_42 = arith.constant 2 : i32
      %mul3A_43 = arith.muli %mul3A_42, %scan3A_41 : i32
      %mul3A_44 = arith.constant 128 : i32
      %mul3A_45 = arith.muli %mul3A_43, %mul3A_44 : i32
      %add3A_46 = arith.addi %mul3A_22, %mul3A_45 : i32
      %add3A_47 = arith.constant 128 : i32
      %add3A_48 = arith.addi %add3A_46, %add3A_47 : i32
      %gt3A = arith.constant 0 : i32
      %gt3A_49 = arith.cmpi sgt, %scan3A_41, %gt3A : i32
      %convert_element_type3A_50 = arith.extui %gt3A_49 : i1 to i32
      %cond3A_51 = arith.constant 0 : i32
      %cond3A_52 = arith.cmpi ne, %convert_element_type3A_50, %cond3A_51 : i32
      scf.if %cond3A_52 {
        %dma_wait3A_82 = arith.constant 0 : i32
        %dma_wait3A_83 = arith.constant 0 : i32
        %dma_wait3A_84 = tpu.memref_slice %arg10[%dma_wait3A_82, %dma_wait3A_83] : memref<10112x128xf32, #tpu.memory_space<vmem_shared>> -> memref<10112x128xf32, #tpu.memory_space<vmem_shared>>
        tpu.wait_indirect_dma semaphore(%arg15 : memref<!tpu.dma_semaphore, #tpu.memory_space<semaphore_mem>>) src(%arg8 : memref<128x128xf32, #tpu.memory_space<vmem>>) dst(%dma_wait3A_84 : memref<10112x128xf32, #tpu.memory_space<vmem_shared>>)
        %dma_wait3A_85 = arith.constant 0 : i32
        %dma_wait3A_86 = arith.constant 0 : i32
        %dma_wait3A_87 = tpu.memref_slice %arg10[%dma_wait3A_85, %dma_wait3A_86] : memref<10112x128xf32, #tpu.memory_space<vmem_shared>> -> memref<10112x128xf32, #tpu.memory_space<vmem_shared>>
        tpu.wait_indirect_dma semaphore(%arg16 : memref<!tpu.dma_semaphore, #tpu.memory_space<semaphore_mem>>) src(%arg9 : memref<128x128xf32, #tpu.memory_space<vmem>>) dst(%dma_wait3A_87 : memref<10112x128xf32, #tpu.memory_space<vmem_shared>>)
      } else {
      }
      %dma_start3A = tpu.memref_slice %arg3[%add3A_46] : memref<327680xi32, #tpu.memory_space<hbm>> -> memref<128xi32, #tpu.memory_space<hbm>>
      %dma_start3A_53 = tpu.memref_slice %arg3[%add3A_46] : memref<327680xi32, #tpu.memory_space<hbm>> -> memref<128xi32, #tpu.memory_space<hbm>>
      tpu.enqueue_dma source(%dma_start3A_53 : memref<128xi32, #tpu.memory_space<hbm>>) target(%arg6 : memref<128xi32, #tpu.memory_space<vmem>>) target_semaphore(%arg11 : memref<!tpu.dma_semaphore, #tpu.memory_space<semaphore_mem>>)
      %dma_start3A_54 = tpu.memref_slice %arg3[%add3A_48] : memref<327680xi32, #tpu.memory_space<hbm>> -> memref<128xi32, #tpu.memory_space<hbm>>
      %dma_start3A_55 = tpu.memref_slice %arg3[%add3A_48] : memref<327680xi32, #tpu.memory_space<hbm>> -> memref<128xi32, #tpu.memory_space<hbm>>
      tpu.enqueue_dma source(%dma_start3A_55 : memref<128xi32, #tpu.memory_space<hbm>>) target(%arg7 : memref<128xi32, #tpu.memory_space<vmem>>) target_semaphore(%arg12 : memref<!tpu.dma_semaphore, #tpu.memory_space<semaphore_mem>>)
      %dma_start3A_56 = arith.constant 0 : i32
      %dma_start3A_57 = tpu.memref_slice %arg2[%add3A_46, %dma_start3A_56] : memref<327680x128xf32, #tpu.memory_space<hbm>> -> memref<128x128xf32, #tpu.memory_space<hbm>>
      %dma_start3A_58 = arith.constant 0 : i32
      %dma_start3A_59 = tpu.memref_slice %arg2[%add3A_46, %dma_start3A_58] : memref<327680x128xf32, #tpu.memory_space<hbm>> -> memref<128x128xf32, #tpu.memory_space<hbm>>
      tpu.enqueue_dma source(%dma_start3A_59 : memref<128x128xf32, #tpu.memory_space<hbm>>) target(%arg8 : memref<128x128xf32, #tpu.memory_space<vmem>>) target_semaphore(%arg13 : memref<!tpu.dma_semaphore, #tpu.memory_space<semaphore_mem>>)
      %dma_start3A_60 = arith.constant 0 : i32
      %dma_start3A_61 = tpu.memref_slice %arg2[%add3A_48, %dma_start3A_60] : memref<327680x128xf32, #tpu.memory_space<hbm>> -> memref<128x128xf32, #tpu.memory_space<hbm>>
      %dma_start3A_62 = arith.constant 0 : i32
      %dma_start3A_63 = tpu.memref_slice %arg2[%add3A_48, %dma_start3A_62] : memref<327680x128xf32, #tpu.memory_space<hbm>> -> memref<128x128xf32, #tpu.memory_space<hbm>>
      tpu.enqueue_dma source(%dma_start3A_63 : memref<128x128xf32, #tpu.memory_space<hbm>>) target(%arg9 : memref<128x128xf32, #tpu.memory_space<vmem>>) target_semaphore(%arg14 : memref<!tpu.dma_semaphore, #tpu.memory_space<semaphore_mem>>)
      %dma_wait3A_64 = tpu.memref_slice %arg3[%add3A_46] : memref<327680xi32, #tpu.memory_space<hbm>> -> memref<128xi32, #tpu.memory_space<hbm>>
      %dma_wait3A_65 = tpu.memref_slice %arg3[%add3A_46] : memref<327680xi32, #tpu.memory_space<hbm>> -> memref<128xi32, #tpu.memory_space<hbm>>
      tpu.wait_dma2 semaphore(%arg11 : memref<!tpu.dma_semaphore, #tpu.memory_space<semaphore_mem>>) src(%dma_wait3A_65 : memref<128xi32, #tpu.memory_space<hbm>>) dst(%arg6 : memref<128xi32, #tpu.memory_space<vmem>>)
      %dma_wait3A_66 = arith.constant 0 : i32
      %dma_wait3A_67 = tpu.memref_slice %arg2[%add3A_46, %dma_wait3A_66] : memref<327680x128xf32, #tpu.memory_space<hbm>> -> memref<128x128xf32, #tpu.memory_space<hbm>>
      %dma_wait3A_68 = arith.constant 0 : i32
      %dma_wait3A_69 = tpu.memref_slice %arg2[%add3A_46, %dma_wait3A_68] : memref<327680x128xf32, #tpu.memory_space<hbm>> -> memref<128x128xf32, #tpu.memory_space<hbm>>
      tpu.wait_dma2 semaphore(%arg13 : memref<!tpu.dma_semaphore, #tpu.memory_space<semaphore_mem>>) src(%dma_wait3A_69 : memref<128x128xf32, #tpu.memory_space<hbm>>) dst(%arg8 : memref<128x128xf32, #tpu.memory_space<vmem>>)
      %dma_start3A_70 = arith.constant 0 : i32
      %dma_start3A_71 = arith.constant 0 : i32
      %dma_start3A_72 = tpu.memref_slice %arg10[%dma_start3A_70, %dma_start3A_71] : memref<10112x128xf32, #tpu.memory_space<vmem_shared>> -> memref<10112x128xf32, #tpu.memory_space<vmem_shared>>
      tpu.enqueue_indirect_dma source(%arg8 : memref<128x128xf32, #tpu.memory_space<vmem>>) target(%dma_start3A_72 : memref<10112x128xf32, #tpu.memory_space<vmem_shared>>) offsets(%arg6 : memref<128xi32, #tpu.memory_space<vmem>>) semaphore(%arg15 : memref<!tpu.dma_semaphore, #tpu.memory_space<semaphore_mem>>) {add = true}
      %dma_wait3A_73 = tpu.memref_slice %arg3[%add3A_48] : memref<327680xi32, #tpu.memory_space<hbm>> -> memref<128xi32, #tpu.memory_space<hbm>>
      %dma_wait3A_74 = tpu.memref_slice %arg3[%add3A_48] : memref<327680xi32, #tpu.memory_space<hbm>> -> memref<128xi32, #tpu.memory_space<hbm>>
      tpu.wait_dma2 semaphore(%arg12 : memref<!tpu.dma_semaphore, #tpu.memory_space<semaphore_mem>>) src(%dma_wait3A_74 : memref<128xi32, #tpu.memory_space<hbm>>) dst(%arg7 : memref<128xi32, #tpu.memory_space<vmem>>)
      %dma_wait3A_75 = arith.constant 0 : i32
      %dma_wait3A_76 = tpu.memref_slice %arg2[%add3A_48, %dma_wait3A_75] : memref<327680x128xf32, #tpu.memory_space<hbm>> -> memref<128x128xf32, #tpu.memory_space<hbm>>
      %dma_wait3A_77 = arith.constant 0 : i32
      %dma_wait3A_78 = tpu.memref_slice %arg2[%add3A_48, %dma_wait3A_77] : memref<327680x128xf32, #tpu.memory_space<hbm>> -> memref<128x128xf32, #tpu.memory_space<hbm>>
      tpu.wait_dma2 semaphore(%arg14 : memref<!tpu.dma_semaphore, #tpu.memory_space<semaphore_mem>>) src(%dma_wait3A_78 : memref<128x128xf32, #tpu.memory_space<hbm>>) dst(%arg9 : memref<128x128xf32, #tpu.memory_space<vmem>>)
      %dma_start3A_79 = arith.constant 0 : i32
      %dma_start3A_80 = arith.constant 0 : i32
      %dma_start3A_81 = tpu.memref_slice %arg10[%dma_start3A_79, %dma_start3A_80] : memref<10112x128xf32, #tpu.memory_space<vmem_shared>> -> memref<10112x128xf32, #tpu.memory_space<vmem_shared>>
      tpu.enqueue_indirect_dma source(%arg9 : memref<128x128xf32, #tpu.memory_space<vmem>>) target(%dma_start3A_81 : memref<10112x128xf32, #tpu.memory_space<vmem_shared>>) offsets(%arg7 : memref<128xi32, #tpu.memory_space<vmem>>) semaphore(%arg16 : memref<!tpu.dma_semaphore, #tpu.memory_space<semaphore_mem>>) {add = true}
    }
    %scan3A_27 = arith.constant 40 : i32
    %dma_wait3A = arith.constant 0 : i32
    %dma_wait3A_28 = arith.constant 0 : i32
    %dma_wait3A_29 = tpu.memref_slice %arg10[%dma_wait3A, %dma_wait3A_28] : memref<10112x128xf32, #tpu.memory_space<vmem_shared>> -> memref<10112x128xf32, #tpu.memory_space<vmem_shared>>
    tpu.wait_indirect_dma semaphore(%arg15 : memref<!tpu.dma_semaphore, #tpu.memory_space<semaphore_mem>>) src(%arg8 : memref<128x128xf32, #tpu.memory_space<vmem>>) dst(%dma_wait3A_29 : memref<10112x128xf32, #tpu.memory_space<vmem_shared>>)
    %dma_wait3A_30 = arith.constant 0 : i32
    %dma_wait3A_31 = arith.constant 0 : i32
    %dma_wait3A_32 = tpu.memref_slice %arg10[%dma_wait3A_30, %dma_wait3A_31] : memref<10112x128xf32, #tpu.memory_space<vmem_shared>> -> memref<10112x128xf32, #tpu.memory_space<vmem_shared>>
    tpu.wait_indirect_dma semaphore(%arg16 : memref<!tpu.dma_semaphore, #tpu.memory_space<semaphore_mem>>) src(%arg9 : memref<128x128xf32, #tpu.memory_space<vmem>>) dst(%dma_wait3A_32 : memref<10112x128xf32, #tpu.memory_space<vmem_shared>>)
    %barrier3A_33 = arith.constant 0 : index
    tpu.barrier barrier_id(%barrier3A_33)
    %eq3A = arith.constant 0 : i32
    %eq3A_34 = arith.cmpi eq, %arg0, %eq3A : i32
    %convert_element_type3A = arith.extui %eq3A_34 : i1 to i32
    %cond3A = arith.constant 0 : i32
    %cond3A_35 = arith.cmpi ne, %convert_element_type3A, %cond3A : i32
    scf.if %cond3A_35 {
      %mul3A_41 = arith.constant 632 : i32
      %mul3A_42 = arith.muli %arg1, %mul3A_41 : i32
      %add3A_43 = arith.constant 0 : i32
      %add3A_44 = arith.addi %mul3A_42, %add3A_43 : i32
      "tpu.region"() ({
        %run_scoped3A_65 = tpu.sem_alloc : memref<!tpu.dma_semaphore, #tpu.memory_space<semaphore_mem>>
        %dma_start3A = arith.constant 0 : i32
        %dma_start3A_66 = arith.constant 0 : i32
        %dma_start3A_67 = tpu.memref_slice %arg8[%dma_start3A, %dma_start3A_66] : memref<128x128xf32, #tpu.memory_space<vmem>> -> memref<128x128xf32, #tpu.memory_space<vmem>>
        %dma_start3A_68 = arith.constant 0 : i32
        %dma_start3A_69 = tpu.memref_slice %arg10[%add3A_44, %dma_start3A_68] : memref<10112x128xf32, #tpu.memory_space<vmem_shared>> -> memref<128x128xf32, #tpu.memory_space<vmem_shared>>
        %dma_start3A_70 = arith.constant 0 : i32
        %dma_start3A_71 = arith.constant 0 : i32
        %dma_start3A_72 = tpu.memref_slice %arg8[%dma_start3A_70, %dma_start3A_71] : memref<128x128xf32, #tpu.memory_space<vmem>> -> memref<128x128xf32, #tpu.memory_space<vmem>>
        %dma_start3A_73 = arith.constant 0 : i32
        %dma_start3A_74 = tpu.memref_slice %arg10[%add3A_44, %dma_start3A_73] : memref<10112x128xf32, #tpu.memory_space<vmem_shared>> -> memref<128x128xf32, #tpu.memory_space<vmem_shared>>
        tpu.enqueue_dma source(%dma_start3A_74 : memref<128x128xf32, #tpu.memory_space<vmem_shared>>) target(%dma_start3A_72 : memref<128x128xf32, #tpu.memory_space<vmem>>) target_semaphore(%run_scoped3A_65 : memref<!tpu.dma_semaphore, #tpu.memory_space<semaphore_mem>>)
        %dma_wait3A_75 = arith.constant 0 : i32
        %dma_wait3A_76 = arith.constant 0 : i32
        %dma_wait3A_77 = tpu.memref_slice %arg8[%dma_wait3A_75, %dma_wait3A_76] : memref<128x128xf32, #tpu.memory_space<vmem>> -> memref<128x128xf32, #tpu.memory_space<vmem>>
        %dma_wait3A_78 = arith.constant 0 : i32
        %dma_wait3A_79 = tpu.memref_slice %arg10[%add3A_44, %dma_wait3A_78] : memref<10112x128xf32, #tpu.memory_space<vmem_shared>> -> memref<128x128xf32, #tpu.memory_space<vmem_shared>>
        %dma_wait3A_80 = arith.constant 0 : i32
        %dma_wait3A_81 = arith.constant 0 : i32
        %dma_wait3A_82 = tpu.memref_slice %arg8[%dma_wait3A_80, %dma_wait3A_81] : memref<128x128xf32, #tpu.memory_space<vmem>> -> memref<128x128xf32, #tpu.memory_space<vmem>>
        %dma_wait3A_83 = arith.constant 0 : i32
        %dma_wait3A_84 = tpu.memref_slice %arg10[%add3A_44, %dma_wait3A_83] : memref<10112x128xf32, #tpu.memory_space<vmem_shared>> -> memref<128x128xf32, #tpu.memory_space<vmem_shared>>
        tpu.wait_dma2 semaphore(%run_scoped3A_65 : memref<!tpu.dma_semaphore, #tpu.memory_space<semaphore_mem>>) src(%dma_wait3A_84 : memref<128x128xf32, #tpu.memory_space<vmem_shared>>) dst(%dma_wait3A_82 : memref<128x128xf32, #tpu.memory_space<vmem>>)
        tpu.yield
      }) : () -> ()
      %run_scoped3A = arith.constant 0 : i32
      "tpu.region"() ({
        %run_scoped3A_65 = tpu.sem_alloc : memref<!tpu.dma_semaphore, #tpu.memory_space<semaphore_mem>>
        %dma_start3A = arith.constant 0 : i32
        %dma_start3A_66 = arith.constant 0 : i32
        %dma_start3A_67 = tpu.memref_slice %arg8[%dma_start3A, %dma_start3A_66] : memref<128x128xf32, #tpu.memory_space<vmem>> -> memref<128x128xf32, #tpu.memory_space<vmem>>
        %dma_start3A_68 = arith.constant 0 : i32
        %dma_start3A_69 = tpu.memref_slice %arg5[%run_scoped3A, %add3A_44, %dma_start3A_68] : memref<2x10112x128xf32, #tpu.memory_space<hbm>> -> memref<1x128x128xf32, #tpu.memory_space<hbm>>
        %dma_start3A_70 = tpu.memref_squeeze %dma_start3A_69 : memref<1x128x128xf32, #tpu.memory_space<hbm>> -> memref<128x128xf32, #tpu.memory_space<hbm>>
        %dma_start3A_71 = arith.constant 0 : i32
        %dma_start3A_72 = tpu.memref_slice %arg5[%run_scoped3A, %add3A_44, %dma_start3A_71] : memref<2x10112x128xf32, #tpu.memory_space<hbm>> -> memref<1x128x128xf32, #tpu.memory_space<hbm>>
        %dma_start3A_73 = tpu.memref_squeeze %dma_start3A_72 : memref<1x128x128xf32, #tpu.memory_space<hbm>> -> memref<128x128xf32, #tpu.memory_space<hbm>>
        %dma_start3A_74 = arith.constant 0 : i32
        %dma_start3A_75 = arith.constant 0 : i32
        %dma_start3A_76 = tpu.memref_slice %arg8[%dma_start3A_74, %dma_start3A_75] : memref<128x128xf32, #tpu.memory_space<vmem>> -> memref<128x128xf32, #tpu.memory_space<vmem>>
        tpu.enqueue_dma source(%dma_start3A_76 : memref<128x128xf32, #tpu.memory_space<vmem>>) target(%dma_start3A_73 : memref<128x128xf32, #tpu.memory_space<hbm>>) target_semaphore(%run_scoped3A_65 : memref<!tpu.dma_semaphore, #tpu.memory_space<semaphore_mem>>)
        %dma_wait3A_77 = arith.constant 0 : i32
        %dma_wait3A_78 = arith.constant 0 : i32
        %dma_wait3A_79 = tpu.memref_slice %arg8[%dma_wait3A_77, %dma_wait3A_78] : memref<128x128xf32, #tpu.memory_space<vmem>> -> memref<128x128xf32, #tpu.memory_space<vmem>>
        %dma_wait3A_80 = arith.constant 0 : i32
        %dma_wait3A_81 = tpu.memref_slice %arg5[%run_scoped3A, %add3A_44, %dma_wait3A_80] : memref<2x10112x128xf32, #tpu.memory_space<hbm>> -> memref<1x128x128xf32, #tpu.memory_space<hbm>>
        %dma_wait3A_82 = tpu.memref_squeeze %dma_wait3A_81 : memref<1x128x128xf32, #tpu.memory_space<hbm>> -> memref<128x128xf32, #tpu.memory_space<hbm>>
        %dma_wait3A_83 = arith.constant 0 : i32
        %dma_wait3A_84 = tpu.memref_slice %arg5[%run_scoped3A, %add3A_44, %dma_wait3A_83] : memref<2x10112x128xf32, #tpu.memory_space<hbm>> -> memref<1x128x128xf32, #tpu.memory_space<hbm>>
        %dma_wait3A_85 = tpu.memref_squeeze %dma_wait3A_84 : memref<1x128x128xf32, #tpu.memory_space<hbm>> -> memref<128x128xf32, #tpu.memory_space<hbm>>
        %dma_wait3A_86 = arith.constant 0 : i32
        %dma_wait3A_87 = arith.constant 0 : i32
        %dma_wait3A_88 = tpu.memref_slice %arg8[%dma_wait3A_86, %dma_wait3A_87] : memref<128x128xf32, #tpu.memory_space<vmem>> -> memref<128x128xf32, #tpu.memory_space<vmem>>
        tpu.wait_dma2 semaphore(%run_scoped3A_65 : memref<!tpu.dma_semaphore, #tpu.memory_space<semaphore_mem>>) src(%dma_wait3A_88 : memref<128x128xf32, #tpu.memory_space<vmem>>) dst(%dma_wait3A_85 : memref<128x128xf32, #tpu.memory_space<hbm>>)
        tpu.yield
      }) : () -> ()
      %mul3A_45 = arith.constant 632 : i32
      %mul3A_46 = arith.muli %arg1, %mul3A_45 : i32
      %add3A_47 = arith.constant 128 : i32
      %add3A_48 = arith.addi %mul3A_46, %add3A_47 : i32
      "tpu.region"() ({
        %run_scoped3A_65 = tpu.sem_alloc : memref<!tpu.dma_semaphore, #tpu.memory_space<semaphore_mem>>
        %dma_start3A = arith.constant 0 : i32
        %dma_start3A_66 = arith.constant 0 : i32
        %dma_start3A_67 = tpu.memref_slice %arg8[%dma_start3A, %dma_start3A_66] : memref<128x128xf32, #tpu.memory_space<vmem>> -> memref<128x128xf32, #tpu.memory_space<vmem>>
        %dma_start3A_68 = arith.constant 0 : i32
        %dma_start3A_69 = tpu.memref_slice %arg10[%add3A_48, %dma_start3A_68] : memref<10112x128xf32, #tpu.memory_space<vmem_shared>> -> memref<128x128xf32, #tpu.memory_space<vmem_shared>>
        %dma_start3A_70 = arith.constant 0 : i32
        %dma_start3A_71 = arith.constant 0 : i32
        %dma_start3A_72 = tpu.memref_slice %arg8[%dma_start3A_70, %dma_start3A_71] : memref<128x128xf32, #tpu.memory_space<vmem>> -> memref<128x128xf32, #tpu.memory_space<vmem>>
        %dma_start3A_73 = arith.constant 0 : i32
        %dma_start3A_74 = tpu.memref_slice %arg10[%add3A_48, %dma_start3A_73] : memref<10112x128xf32, #tpu.memory_space<vmem_shared>> -> memref<128x128xf32, #tpu.memory_space<vmem_shared>>
        tpu.enqueue_dma source(%dma_start3A_74 : memref<128x128xf32, #tpu.memory_space<vmem_shared>>) target(%dma_start3A_72 : memref<128x128xf32, #tpu.memory_space<vmem>>) target_semaphore(%run_scoped3A_65 : memref<!tpu.dma_semaphore, #tpu.memory_space<semaphore_mem>>)
        %dma_wait3A_75 = arith.constant 0 : i32
        %dma_wait3A_76 = arith.constant 0 : i32
        %dma_wait3A_77 = tpu.memref_slice %arg8[%dma_wait3A_75, %dma_wait3A_76] : memref<128x128xf32, #tpu.memory_space<vmem>> -> memref<128x128xf32, #tpu.memory_space<vmem>>
        %dma_wait3A_78 = arith.constant 0 : i32
        %dma_wait3A_79 = tpu.memref_slice %arg10[%add3A_48, %dma_wait3A_78] : memref<10112x128xf32, #tpu.memory_space<vmem_shared>> -> memref<128x128xf32, #tpu.memory_space<vmem_shared>>
        %dma_wait3A_80 = arith.constant 0 : i32
        %dma_wait3A_81 = arith.constant 0 : i32
        %dma_wait3A_82 = tpu.memref_slice %arg8[%dma_wait3A_80, %dma_wait3A_81] : memref<128x128xf32, #tpu.memory_space<vmem>> -> memref<128x128xf32, #tpu.memory_space<vmem>>
        %dma_wait3A_83 = arith.constant 0 : i32
        %dma_wait3A_84 = tpu.memref_slice %arg10[%add3A_48, %dma_wait3A_83] : memref<10112x128xf32, #tpu.memory_space<vmem_shared>> -> memref<128x128xf32, #tpu.memory_space<vmem_shared>>
        tpu.wait_dma2 semaphore(%run_scoped3A_65 : memref<!tpu.dma_semaphore, #tpu.memory_space<semaphore_mem>>) src(%dma_wait3A_84 : memref<128x128xf32, #tpu.memory_space<vmem_shared>>) dst(%dma_wait3A_82 : memref<128x128xf32, #tpu.memory_space<vmem>>)
        tpu.yield
      }) : () -> ()
      %run_scoped3A_49 = arith.constant 0 : i32
      "tpu.region"() ({
        %run_scoped3A_65 = tpu.sem_alloc : memref<!tpu.dma_semaphore, #tpu.memory_space<semaphore_mem>>
        %dma_start3A = arith.constant 0 : i32
        %dma_start3A_66 = arith.constant 0 : i32
        %dma_start3A_67 = tpu.memref_slice %arg8[%dma_start3A, %dma_start3A_66] : memref<128x128xf32, #tpu.memory_space<vmem>> -> memref<128x128xf32, #tpu.memory_space<vmem>>
        %dma_start3A_68 = arith.constant 0 : i32
        %dma_start3A_69 = tpu.memref_slice %arg5[%run_scoped3A_49, %add3A_48, %dma_start3A_68] : memref<2x10112x128xf32, #tpu.memory_space<hbm>> -> memref<1x128x128xf32, #tpu.memory_space<hbm>>
        %dma_start3A_70 = tpu.memref_squeeze %dma_start3A_69 : memref<1x128x128xf32, #tpu.memory_space<hbm>> -> memref<128x128xf32, #tpu.memory_space<hbm>>
        %dma_start3A_71 = arith.constant 0 : i32
        %dma_start3A_72 = tpu.memref_slice %arg5[%run_scoped3A_49, %add3A_48, %dma_start3A_71] : memref<2x10112x128xf32, #tpu.memory_space<hbm>> -> memref<1x128x128xf32, #tpu.memory_space<hbm>>
        %dma_start3A_73 = tpu.memref_squeeze %dma_start3A_72 : memref<1x128x128xf32, #tpu.memory_space<hbm>> -> memref<128x128xf32, #tpu.memory_space<hbm>>
        %dma_start3A_74 = arith.constant 0 : i32
        %dma_start3A_75 = arith.constant 0 : i32
        %dma_start3A_76 = tpu.memref_slice %arg8[%dma_start3A_74, %dma_start3A_75] : memref<128x128xf32, #tpu.memory_space<vmem>> -> memref<128x128xf32, #tpu.memory_space<vmem>>
        tpu.enqueue_dma source(%dma_start3A_76 : memref<128x128xf32, #tpu.memory_space<vmem>>) target(%dma_start3A_73 : memref<128x128xf32, #tpu.memory_space<hbm>>) target_semaphore(%run_scoped3A_65 : memref<!tpu.dma_semaphore, #tpu.memory_space<semaphore_mem>>)
        %dma_wait3A_77 = arith.constant 0 : i32
        %dma_wait3A_78 = arith.constant 0 : i32
        %dma_wait3A_79 = tpu.memref_slice %arg8[%dma_wait3A_77, %dma_wait3A_78] : memref<128x128xf32, #tpu.memory_space<vmem>> -> memref<128x128xf32, #tpu.memory_space<vmem>>
        %dma_wait3A_80 = arith.constant 0 : i32
        %dma_wait3A_81 = tpu.memref_slice %arg5[%run_scoped3A_49, %add3A_48, %dma_wait3A_80] : memref<2x10112x128xf32, #tpu.memory_space<hbm>> -> memref<1x128x128xf32, #tpu.memory_space<hbm>>
        %dma_wait3A_82 = tpu.memref_squeeze %dma_wait3A_81 : memref<1x128x128xf32, #tpu.memory_space<hbm>> -> memref<128x128xf32, #tpu.memory_space<hbm>>
        %dma_wait3A_83 = arith.constant 0 : i32
        %dma_wait3A_84 = tpu.memref_slice %arg5[%run_scoped3A_49, %add3A_48, %dma_wait3A_83] : memref<2x10112x128xf32, #tpu.memory_space<hbm>> -> memref<1x128x128xf32, #tpu.memory_space<hbm>>
        %dma_wait3A_85 = tpu.memref_squeeze %dma_wait3A_84 : memref<1x128x128xf32, #tpu.memory_space<hbm>> -> memref<128x128xf32, #tpu.memory_space<hbm>>
        %dma_wait3A_86 = arith.constant 0 : i32
        %dma_wait3A_87 = arith.constant 0 : i32
        %dma_wait3A_88 = tpu.memref_slice %arg8[%dma_wait3A_86, %dma_wait3A_87] : memref<128x128xf32, #tpu.memory_space<vmem>> -> memref<128x128xf32, #tpu.memory_space<vmem>>
        tpu.wait_dma2 semaphore(%run_scoped3A_65 : memref<!tpu.dma_semaphore, #tpu.memory_space<semaphore_mem>>) src(%dma_wait3A_88 : memref<128x128xf32, #tpu.memory_space<vmem>>) dst(%dma_wait3A_85 : memref<128x128xf32, #tpu.memory_space<hbm>>)
        tpu.yield
      }) : () -> ()
      %mul3A_50 = arith.constant 632 : i32
      %mul3A_51 = arith.muli %arg1, %mul3A_50 : i32
      %add3A_52 = arith.constant 256 : i32
      %add3A_53 = arith.addi %mul3A_51, %add3A_52 : i32
      "tpu.region"() ({
        %run_scoped3A_65 = tpu.sem_alloc : memref<!tpu.dma_semaphore, #tpu.memory_space<semaphore_mem>>
        %dma_start3A = arith.constant 0 : i32
        %dma_start3A_66 = arith.constant 0 : i32
        %dma_start3A_67 = tpu.memref_slice %arg8[%dma_start3A, %dma_start3A_66] : memref<128x128xf32, #tpu.memory_space<vmem>> -> memref<128x128xf32, #tpu.memory_space<vmem>>
        %dma_start3A_68 = arith.constant 0 : i32
        %dma_start3A_69 = tpu.memref_slice %arg10[%add3A_53, %dma_start3A_68] : memref<10112x128xf32, #tpu.memory_space<vmem_shared>> -> memref<128x128xf32, #tpu.memory_space<vmem_shared>>
        %dma_start3A_70 = arith.constant 0 : i32
        %dma_start3A_71 = arith.constant 0 : i32
        %dma_start3A_72 = tpu.memref_slice %arg8[%dma_start3A_70, %dma_start3A_71] : memref<128x128xf32, #tpu.memory_space<vmem>> -> memref<128x128xf32, #tpu.memory_space<vmem>>
        %dma_start3A_73 = arith.constant 0 : i32
        %dma_start3A_74 = tpu.memref_slice %arg10[%add3A_53, %dma_start3A_73] : memref<10112x128xf32, #tpu.memory_space<vmem_shared>> -> memref<128x128xf32, #tpu.memory_space<vmem_shared>>
        tpu.enqueue_dma source(%dma_start3A_74 : memref<128x128xf32, #tpu.memory_space<vmem_shared>>) target(%dma_start3A_72 : memref<128x128xf32, #tpu.memory_space<vmem>>) target_semaphore(%run_scoped3A_65 : memref<!tpu.dma_semaphore, #tpu.memory_space<semaphore_mem>>)
        %dma_wait3A_75 = arith.constant 0 : i32
        %dma_wait3A_76 = arith.constant 0 : i32
        %dma_wait3A_77 = tpu.memref_slice %arg8[%dma_wait3A_75, %dma_wait3A_76] : memref<128x128xf32, #tpu.memory_space<vmem>> -> memref<128x128xf32, #tpu.memory_space<vmem>>
        %dma_wait3A_78 = arith.constant 0 : i32
        %dma_wait3A_79 = tpu.memref_slice %arg10[%add3A_53, %dma_wait3A_78] : memref<10112x128xf32, #tpu.memory_space<vmem_shared>> -> memref<128x128xf32, #tpu.memory_space<vmem_shared>>
        %dma_wait3A_80 = arith.constant 0 : i32
        %dma_wait3A_81 = arith.constant 0 : i32
        %dma_wait3A_82 = tpu.memref_slice %arg8[%dma_wait3A_80, %dma_wait3A_81] : memref<128x128xf32, #tpu.memory_space<vmem>> -> memref<128x128xf32, #tpu.memory_space<vmem>>
        %dma_wait3A_83 = arith.constant 0 : i32
        %dma_wait3A_84 = tpu.memref_slice %arg10[%add3A_53, %dma_wait3A_83] : memref<10112x128xf32, #tpu.memory_space<vmem_shared>> -> memref<128x128xf32, #tpu.memory_space<vmem_shared>>
        tpu.wait_dma2 semaphore(%run_scoped3A_65 : memref<!tpu.dma_semaphore, #tpu.memory_space<semaphore_mem>>) src(%dma_wait3A_84 : memref<128x128xf32, #tpu.memory_space<vmem_shared>>) dst(%dma_wait3A_82 : memref<128x128xf32, #tpu.memory_space<vmem>>)
        tpu.yield
      }) : () -> ()
      %run_scoped3A_54 = arith.constant 0 : i32
      "tpu.region"() ({
        %run_scoped3A_65 = tpu.sem_alloc : memref<!tpu.dma_semaphore, #tpu.memory_space<semaphore_mem>>
        %dma_start3A = arith.constant 0 : i32
        %dma_start3A_66 = arith.constant 0 : i32
        %dma_start3A_67 = tpu.memref_slice %arg8[%dma_start3A, %dma_start3A_66] : memref<128x128xf32, #tpu.memory_space<vmem>> -> memref<128x128xf32, #tpu.memory_space<vmem>>
        %dma_start3A_68 = arith.constant 0 : i32
        %dma_start3A_69 = tpu.memref_slice %arg5[%run_scoped3A_54, %add3A_53, %dma_start3A_68] : memref<2x10112x128xf32, #tpu.memory_space<hbm>> -> memref<1x128x128xf32, #tpu.memory_space<hbm>>
        %dma_start3A_70 = tpu.memref_squeeze %dma_start3A_69 : memref<1x128x128xf32, #tpu.memory_space<hbm>> -> memref<128x128xf32, #tpu.memory_space<hbm>>
        %dma_start3A_71 = arith.constant 0 : i32
        %dma_start3A_72 = tpu.memref_slice %arg5[%run_scoped3A_54, %add3A_53, %dma_start3A_71] : memref<2x10112x128xf32, #tpu.memory_space<hbm>> -> memref<1x128x128xf32, #tpu.memory_space<hbm>>
        %dma_start3A_73 = tpu.memref_squeeze %dma_start3A_72 : memref<1x128x128xf32, #tpu.memory_space<hbm>> -> memref<128x128xf32, #tpu.memory_space<hbm>>
        %dma_start3A_74 = arith.constant 0 : i32
        %dma_start3A_75 = arith.constant 0 : i32
        %dma_start3A_76 = tpu.memref_slice %arg8[%dma_start3A_74, %dma_start3A_75] : memref<128x128xf32, #tpu.memory_space<vmem>> -> memref<128x128xf32, #tpu.memory_space<vmem>>
        tpu.enqueue_dma source(%dma_start3A_76 : memref<128x128xf32, #tpu.memory_space<vmem>>) target(%dma_start3A_73 : memref<128x128xf32, #tpu.memory_space<hbm>>) target_semaphore(%run_scoped3A_65 : memref<!tpu.dma_semaphore, #tpu.memory_space<semaphore_mem>>)
        %dma_wait3A_77 = arith.constant 0 : i32
        %dma_wait3A_78 = arith.constant 0 : i32
        %dma_wait3A_79 = tpu.memref_slice %arg8[%dma_wait3A_77, %dma_wait3A_78] : memref<128x128xf32, #tpu.memory_space<vmem>> -> memref<128x128xf32, #tpu.memory_space<vmem>>
        %dma_wait3A_80 = arith.constant 0 : i32
        %dma_wait3A_81 = tpu.memref_slice %arg5[%run_scoped3A_54, %add3A_53, %dma_wait3A_80] : memref<2x10112x128xf32, #tpu.memory_space<hbm>> -> memref<1x128x128xf32, #tpu.memory_space<hbm>>
        %dma_wait3A_82 = tpu.memref_squeeze %dma_wait3A_81 : memref<1x128x128xf32, #tpu.memory_space<hbm>> -> memref<128x128xf32, #tpu.memory_space<hbm>>
        %dma_wait3A_83 = arith.constant 0 : i32
        %dma_wait3A_84 = tpu.memref_slice %arg5[%run_scoped3A_54, %add3A_53, %dma_wait3A_83] : memref<2x10112x128xf32, #tpu.memory_space<hbm>> -> memref<1x128x128xf32, #tpu.memory_space<hbm>>
        %dma_wait3A_85 = tpu.memref_squeeze %dma_wait3A_84 : memref<1x128x128xf32, #tpu.memory_space<hbm>> -> memref<128x128xf32, #tpu.memory_space<hbm>>
        %dma_wait3A_86 = arith.constant 0 : i32
        %dma_wait3A_87 = arith.constant 0 : i32
        %dma_wait3A_88 = tpu.memref_slice %arg8[%dma_wait3A_86, %dma_wait3A_87] : memref<128x128xf32, #tpu.memory_space<vmem>> -> memref<128x128xf32, #tpu.memory_space<vmem>>
        tpu.wait_dma2 semaphore(%run_scoped3A_65 : memref<!tpu.dma_semaphore, #tpu.memory_space<semaphore_mem>>) src(%dma_wait3A_88 : memref<128x128xf32, #tpu.memory_space<vmem>>) dst(%dma_wait3A_85 : memref<128x128xf32, #tpu.memory_space<hbm>>)
        tpu.yield
      }) : () -> ()
      %mul3A_55 = arith.constant 632 : i32
      %mul3A_56 = arith.muli %arg1, %mul3A_55 : i32
      %add3A_57 = arith.constant 384 : i32
      %add3A_58 = arith.addi %mul3A_56, %add3A_57 : i32
      "tpu.region"() ({
        %run_scoped3A_65 = tpu.sem_alloc : memref<!tpu.dma_semaphore, #tpu.memory_space<semaphore_mem>>
        %dma_start3A = arith.constant 0 : i32
        %dma_start3A_66 = arith.constant 0 : i32
        %dma_start3A_67 = tpu.memref_slice %arg8[%dma_start3A, %dma_start3A_66] : memref<128x128xf32, #tpu.memory_space<vmem>> -> memref<128x128xf32, #tpu.memory_space<vmem>>
        %dma_start3A_68 = arith.constant 0 : i32
        %dma_start3A_69 = tpu.memref_slice %arg10[%add3A_58, %dma_start3A_68] : memref<10112x128xf32, #tpu.memory_space<vmem_shared>> -> memref<128x128xf32, #tpu.memory_space<vmem_shared>>
        %dma_start3A_70 = arith.constant 0 : i32
        %dma_start3A_71 = arith.constant 0 : i32
        %dma_start3A_72 = tpu.memref_slice %arg8[%dma_start3A_70, %dma_start3A_71] : memref<128x128xf32, #tpu.memory_space<vmem>> -> memref<128x128xf32, #tpu.memory_space<vmem>>
        %dma_start3A_73 = arith.constant 0 : i32
        %dma_start3A_74 = tpu.memref_slice %arg10[%add3A_58, %dma_start3A_73] : memref<10112x128xf32, #tpu.memory_space<vmem_shared>> -> memref<128x128xf32, #tpu.memory_space<vmem_shared>>
        tpu.enqueue_dma source(%dma_start3A_74 : memref<128x128xf32, #tpu.memory_space<vmem_shared>>) target(%dma_start3A_72 : memref<128x128xf32, #tpu.memory_space<vmem>>) target_semaphore(%run_scoped3A_65 : memref<!tpu.dma_semaphore, #tpu.memory_space<semaphore_mem>>)
        %dma_wait3A_75 = arith.constant 0 : i32
        %dma_wait3A_76 = arith.constant 0 : i32
        %dma_wait3A_77 = tpu.memref_slice %arg8[%dma_wait3A_75, %dma_wait3A_76] : memref<128x128xf32, #tpu.memory_space<vmem>> -> memref<128x128xf32, #tpu.memory_space<vmem>>
        %dma_wait3A_78 = arith.constant 0 : i32
        %dma_wait3A_79 = tpu.memref_slice %arg10[%add3A_58, %dma_wait3A_78] : memref<10112x128xf32, #tpu.memory_space<vmem_shared>> -> memref<128x128xf32, #tpu.memory_space<vmem_shared>>
        %dma_wait3A_80 = arith.constant 0 : i32
        %dma_wait3A_81 = arith.constant 0 : i32
        %dma_wait3A_82 = tpu.memref_slice %arg8[%dma_wait3A_80, %dma_wait3A_81] : memref<128x128xf32, #tpu.memory_space<vmem>> -> memref<128x128xf32, #tpu.memory_space<vmem>>
        %dma_wait3A_83 = arith.constant 0 : i32
        %dma_wait3A_84 = tpu.memref_slice %arg10[%add3A_58, %dma_wait3A_83] : memref<10112x128xf32, #tpu.memory_space<vmem_shared>> -> memref<128x128xf32, #tpu.memory_space<vmem_shared>>
        tpu.wait_dma2 semaphore(%run_scoped3A_65 : memref<!tpu.dma_semaphore, #tpu.memory_space<semaphore_mem>>) src(%dma_wait3A_84 : memref<128x128xf32, #tpu.memory_space<vmem_shared>>) dst(%dma_wait3A_82 : memref<128x128xf32, #tpu.memory_space<vmem>>)
        tpu.yield
      }) : () -> ()
      %run_scoped3A_59 = arith.constant 0 : i32
      "tpu.region"() ({
        %run_scoped3A_65 = tpu.sem_alloc : memref<!tpu.dma_semaphore, #tpu.memory_space<semaphore_mem>>
        %dma_start3A = arith.constant 0 : i32
        %dma_start3A_66 = arith.constant 0 : i32
        %dma_start3A_67 = tpu.memref_slice %arg8[%dma_start3A, %dma_start3A_66] : memref<128x128xf32, #tpu.memory_space<vmem>> -> memref<128x128xf32, #tpu.memory_space<vmem>>
        %dma_start3A_68 = arith.constant 0 : i32
        %dma_start3A_69 = tpu.memref_slice %arg5[%run_scoped3A_59, %add3A_58, %dma_start3A_68] : memref<2x10112x128xf32, #tpu.memory_space<hbm>> -> memref<1x128x128xf32, #tpu.memory_space<hbm>>
        %dma_start3A_70 = tpu.memref_squeeze %dma_start3A_69 : memref<1x128x128xf32, #tpu.memory_space<hbm>> -> memref<128x128xf32, #tpu.memory_space<hbm>>
        %dma_start3A_71 = arith.constant 0 : i32
        %dma_start3A_72 = tpu.memref_slice %arg5[%run_scoped3A_59, %add3A_58, %dma_start3A_71] : memref<2x10112x128xf32, #tpu.memory_space<hbm>> -> memref<1x128x128xf32, #tpu.memory_space<hbm>>
        %dma_start3A_73 = tpu.memref_squeeze %dma_start3A_72 : memref<1x128x128xf32, #tpu.memory_space<hbm>> -> memref<128x128xf32, #tpu.memory_space<hbm>>
        %dma_start3A_74 = arith.constant 0 : i32
        %dma_start3A_75 = arith.constant 0 : i32
        %dma_start3A_76 = tpu.memref_slice %arg8[%dma_start3A_74, %dma_start3A_75] : memref<128x128xf32, #tpu.memory_space<vmem>> -> memref<128x128xf32, #tpu.memory_space<vmem>>
        tpu.enqueue_dma source(%dma_start3A_76 : memref<128x128xf32, #tpu.memory_space<vmem>>) target(%dma_start3A_73 : memref<128x128xf32, #tpu.memory_space<hbm>>) target_semaphore(%run_scoped3A_65 : memref<!tpu.dma_semaphore, #tpu.memory_space<semaphore_mem>>)
        %dma_wait3A_77 = arith.constant 0 : i32
        %dma_wait3A_78 = arith.constant 0 : i32
        %dma_wait3A_79 = tpu.memref_slice %arg8[%dma_wait3A_77, %dma_wait3A_78] : memref<128x128xf32, #tpu.memory_space<vmem>> -> memref<128x128xf32, #tpu.memory_space<vmem>>
        %dma_wait3A_80 = arith.constant 0 : i32
        %dma_wait3A_81 = tpu.memref_slice %arg5[%run_scoped3A_59, %add3A_58, %dma_wait3A_80] : memref<2x10112x128xf32, #tpu.memory_space<hbm>> -> memref<1x128x128xf32, #tpu.memory_space<hbm>>
        %dma_wait3A_82 = tpu.memref_squeeze %dma_wait3A_81 : memref<1x128x128xf32, #tpu.memory_space<hbm>> -> memref<128x128xf32, #tpu.memory_space<hbm>>
        %dma_wait3A_83 = arith.constant 0 : i32
        %dma_wait3A_84 = tpu.memref_slice %arg5[%run_scoped3A_59, %add3A_58, %dma_wait3A_83] : memref<2x10112x128xf32, #tpu.memory_space<hbm>> -> memref<1x128x128xf32, #tpu.memory_space<hbm>>
        %dma_wait3A_85 = tpu.memref_squeeze %dma_wait3A_84 : memref<1x128x128xf32, #tpu.memory_space<hbm>> -> memref<128x128xf32, #tpu.memory_space<hbm>>
        %dma_wait3A_86 = arith.constant 0 : i32
        %dma_wait3A_87 = arith.constant 0 : i32
        %dma_wait3A_88 = tpu.memref_slice %arg8[%dma_wait3A_86, %dma_wait3A_87] : memref<128x128xf32, #tpu.memory_space<vmem>> -> memref<128x128xf32, #tpu.memory_space<vmem>>
        tpu.wait_dma2 semaphore(%run_scoped3A_65 : memref<!tpu.dma_semaphore, #tpu.memory_space<semaphore_mem>>) src(%dma_wait3A_88 : memref<128x128xf32, #tpu.memory_space<vmem>>) dst(%dma_wait3A_85 : memref<128x128xf32, #tpu.memory_space<hbm>>)
        tpu.yield
      }) : () -> ()
      %mul3A_60 = arith.constant 632 : i32
      %mul3A_61 = arith.muli %arg1, %mul3A_60 : i32
      %add3A_62 = arith.constant 512 : i32
      %add3A_63 = arith.addi %mul3A_61, %add3A_62 : i32
      "tpu.region"() ({
        %run_scoped3A_65 = tpu.sem_alloc : memref<!tpu.dma_semaphore, #tpu.memory_space<semaphore_mem>>
        %dma_start3A = arith.constant 0 : i32
        %dma_start3A_66 = arith.constant 0 : i32
        %dma_start3A_67 = tpu.memref_slice %arg8[%dma_start3A, %dma_start3A_66] : memref<128x128xf32, #tpu.memory_space<vmem>> -> memref<120x128xf32, #tpu.memory_space<vmem>>
        %dma_start3A_68 = arith.constant 0 : i32
        %dma_start3A_69 = tpu.memref_slice %arg10[%add3A_63, %dma_start3A_68] : memref<10112x128xf32, #tpu.memory_space<vmem_shared>> -> memref<120x128xf32, #tpu.memory_space<vmem_shared>>
        %dma_start3A_70 = arith.constant 0 : i32
        %dma_start3A_71 = arith.constant 0 : i32
        %dma_start3A_72 = tpu.memref_slice %arg8[%dma_start3A_70, %dma_start3A_71] : memref<128x128xf32, #tpu.memory_space<vmem>> -> memref<120x128xf32, #tpu.memory_space<vmem>>
        %dma_start3A_73 = arith.constant 0 : i32
        %dma_start3A_74 = tpu.memref_slice %arg10[%add3A_63, %dma_start3A_73] : memref<10112x128xf32, #tpu.memory_space<vmem_shared>> -> memref<120x128xf32, #tpu.memory_space<vmem_shared>>
        tpu.enqueue_dma source(%dma_start3A_74 : memref<120x128xf32, #tpu.memory_space<vmem_shared>>) target(%dma_start3A_72 : memref<120x128xf32, #tpu.memory_space<vmem>>) target_semaphore(%run_scoped3A_65 : memref<!tpu.dma_semaphore, #tpu.memory_space<semaphore_mem>>)
        %dma_wait3A_75 = arith.constant 0 : i32
        %dma_wait3A_76 = arith.constant 0 : i32
        %dma_wait3A_77 = tpu.memref_slice %arg8[%dma_wait3A_75, %dma_wait3A_76] : memref<128x128xf32, #tpu.memory_space<vmem>> -> memref<120x128xf32, #tpu.memory_space<vmem>>
        %dma_wait3A_78 = arith.constant 0 : i32
        %dma_wait3A_79 = tpu.memref_slice %arg10[%add3A_63, %dma_wait3A_78] : memref<10112x128xf32, #tpu.memory_space<vmem_shared>> -> memref<120x128xf32, #tpu.memory_space<vmem_shared>>
        %dma_wait3A_80 = arith.constant 0 : i32
        %dma_wait3A_81 = arith.constant 0 : i32
        %dma_wait3A_82 = tpu.memref_slice %arg8[%dma_wait3A_80, %dma_wait3A_81] : memref<128x128xf32, #tpu.memory_space<vmem>> -> memref<120x128xf32, #tpu.memory_space<vmem>>
        %dma_wait3A_83 = arith.constant 0 : i32
        %dma_wait3A_84 = tpu.memref_slice %arg10[%add3A_63, %dma_wait3A_83] : memref<10112x128xf32, #tpu.memory_space<vmem_shared>> -> memref<120x128xf32, #tpu.memory_space<vmem_shared>>
        tpu.wait_dma2 semaphore(%run_scoped3A_65 : memref<!tpu.dma_semaphore, #tpu.memory_space<semaphore_mem>>) src(%dma_wait3A_84 : memref<120x128xf32, #tpu.memory_space<vmem_shared>>) dst(%dma_wait3A_82 : memref<120x128xf32, #tpu.memory_space<vmem>>)
        tpu.yield
      }) : () -> ()
      %run_scoped3A_64 = arith.constant 0 : i32
      "tpu.region"() ({
        %run_scoped3A_65 = tpu.sem_alloc : memref<!tpu.dma_semaphore, #tpu.memory_space<semaphore_mem>>
        %dma_start3A = arith.constant 0 : i32
        %dma_start3A_66 = arith.constant 0 : i32
        %dma_start3A_67 = tpu.memref_slice %arg8[%dma_start3A, %dma_start3A_66] : memref<128x128xf32, #tpu.memory_space<vmem>> -> memref<120x128xf32, #tpu.memory_space<vmem>>
        %dma_start3A_68 = arith.constant 0 : i32
        %dma_start3A_69 = tpu.memref_slice %arg5[%run_scoped3A_64, %add3A_63, %dma_start3A_68] : memref<2x10112x128xf32, #tpu.memory_space<hbm>> -> memref<1x120x128xf32, #tpu.memory_space<hbm>>
        %dma_start3A_70 = tpu.memref_squeeze %dma_start3A_69 : memref<1x120x128xf32, #tpu.memory_space<hbm>> -> memref<120x128xf32, #tpu.memory_space<hbm>>
        %dma_start3A_71 = arith.constant 0 : i32
        %dma_start3A_72 = tpu.memref_slice %arg5[%run_scoped3A_64, %add3A_63, %dma_start3A_71] : memref<2x10112x128xf32, #tpu.memory_space<hbm>> -> memref<1x120x128xf32, #tpu.memory_space<hbm>>
        %dma_start3A_73 = tpu.memref_squeeze %dma_start3A_72 : memref<1x120x128xf32, #tpu.memory_space<hbm>> -> memref<120x128xf32, #tpu.memory_space<hbm>>
        %dma_start3A_74 = arith.constant 0 : i32
        %dma_start3A_75 = arith.constant 0 : i32
        %dma_start3A_76 = tpu.memref_slice %arg8[%dma_start3A_74, %dma_start3A_75] : memref<128x128xf32, #tpu.memory_space<vmem>> -> memref<120x128xf32, #tpu.memory_space<vmem>>
        tpu.enqueue_dma source(%dma_start3A_76 : memref<120x128xf32, #tpu.memory_space<vmem>>) target(%dma_start3A_73 : memref<120x128xf32, #tpu.memory_space<hbm>>) target_semaphore(%run_scoped3A_65 : memref<!tpu.dma_semaphore, #tpu.memory_space<semaphore_mem>>)
        %dma_wait3A_77 = arith.constant 0 : i32
        %dma_wait3A_78 = arith.constant 0 : i32
        %dma_wait3A_79 = tpu.memref_slice %arg8[%dma_wait3A_77, %dma_wait3A_78] : memref<128x128xf32, #tpu.memory_space<vmem>> -> memref<120x128xf32, #tpu.memory_space<vmem>>
        %dma_wait3A_80 = arith.constant 0 : i32
        %dma_wait3A_81 = tpu.memref_slice %arg5[%run_scoped3A_64, %add3A_63, %dma_wait3A_80] : memref<2x10112x128xf32, #tpu.memory_space<hbm>> -> memref<1x120x128xf32, #tpu.memory_space<hbm>>
        %dma_wait3A_82 = tpu.memref_squeeze %dma_wait3A_81 : memref<1x120x128xf32, #tpu.memory_space<hbm>> -> memref<120x128xf32, #tpu.memory_space<hbm>>
        %dma_wait3A_83 = arith.constant 0 : i32
        %dma_wait3A_84 = tpu.memref_slice %arg5[%run_scoped3A_64, %add3A_63, %dma_wait3A_83] : memref<2x10112x128xf32, #tpu.memory_space<hbm>> -> memref<1x120x128xf32, #tpu.memory_space<hbm>>
        %dma_wait3A_85 = tpu.memref_squeeze %dma_wait3A_84 : memref<1x120x128xf32, #tpu.memory_space<hbm>> -> memref<120x128xf32, #tpu.memory_space<hbm>>
        %dma_wait3A_86 = arith.constant 0 : i32
        %dma_wait3A_87 = arith.constant 0 : i32
        %dma_wait3A_88 = tpu.memref_slice %arg8[%dma_wait3A_86, %dma_wait3A_87] : memref<128x128xf32, #tpu.memory_space<vmem>> -> memref<120x128xf32, #tpu.memory_space<vmem>>
        tpu.wait_dma2 semaphore(%run_scoped3A_65 : memref<!tpu.dma_semaphore, #tpu.memory_space<semaphore_mem>>) src(%dma_wait3A_88 : memref<120x128xf32, #tpu.memory_space<vmem>>) dst(%dma_wait3A_85 : memref<120x128xf32, #tpu.memory_space<hbm>>)
        tpu.yield
      }) : () -> ()
    } else {
    }
    %eq3A_36 = arith.constant 1 : i32
    %eq3A_37 = arith.cmpi eq, %arg0, %eq3A_36 : i32
    %convert_element_type3A_38 = arith.extui %eq3A_37 : i1 to i32
    %cond3A_39 = arith.constant 0 : i32
    %cond3A_40 = arith.cmpi ne, %convert_element_type3A_38, %cond3A_39 : i32
    scf.if %cond3A_40 {
      %mul3A_41 = arith.constant 632 : i32
      %mul3A_42 = arith.muli %arg1, %mul3A_41 : i32
      %add3A_43 = arith.constant 0 : i32
      %add3A_44 = arith.addi %mul3A_42, %add3A_43 : i32
      "tpu.region"() ({
        %run_scoped3A_65 = tpu.sem_alloc : memref<!tpu.dma_semaphore, #tpu.memory_space<semaphore_mem>>
        %dma_start3A = arith.constant 0 : i32
        %dma_start3A_66 = arith.constant 0 : i32
        %dma_start3A_67 = tpu.memref_slice %arg8[%dma_start3A, %dma_start3A_66] : memref<128x128xf32, #tpu.memory_space<vmem>> -> memref<128x128xf32, #tpu.memory_space<vmem>>
        %dma_start3A_68 = arith.constant 0 : i32
        %dma_start3A_69 = tpu.memref_slice %arg10[%add3A_44, %dma_start3A_68] : memref<10112x128xf32, #tpu.memory_space<vmem_shared>> -> memref<128x128xf32, #tpu.memory_space<vmem_shared>>
        %dma_start3A_70 = arith.constant 0 : i32
        %dma_start3A_71 = arith.constant 0 : i32
        %dma_start3A_72 = tpu.memref_slice %arg8[%dma_start3A_70, %dma_start3A_71] : memref<128x128xf32, #tpu.memory_space<vmem>> -> memref<128x128xf32, #tpu.memory_space<vmem>>
        %dma_start3A_73 = arith.constant 0 : i32
        %dma_start3A_74 = tpu.memref_slice %arg10[%add3A_44, %dma_start3A_73] : memref<10112x128xf32, #tpu.memory_space<vmem_shared>> -> memref<128x128xf32, #tpu.memory_space<vmem_shared>>
        tpu.enqueue_dma source(%dma_start3A_74 : memref<128x128xf32, #tpu.memory_space<vmem_shared>>) target(%dma_start3A_72 : memref<128x128xf32, #tpu.memory_space<vmem>>) target_semaphore(%run_scoped3A_65 : memref<!tpu.dma_semaphore, #tpu.memory_space<semaphore_mem>>)
        %dma_wait3A_75 = arith.constant 0 : i32
        %dma_wait3A_76 = arith.constant 0 : i32
        %dma_wait3A_77 = tpu.memref_slice %arg8[%dma_wait3A_75, %dma_wait3A_76] : memref<128x128xf32, #tpu.memory_space<vmem>> -> memref<128x128xf32, #tpu.memory_space<vmem>>
        %dma_wait3A_78 = arith.constant 0 : i32
        %dma_wait3A_79 = tpu.memref_slice %arg10[%add3A_44, %dma_wait3A_78] : memref<10112x128xf32, #tpu.memory_space<vmem_shared>> -> memref<128x128xf32, #tpu.memory_space<vmem_shared>>
        %dma_wait3A_80 = arith.constant 0 : i32
        %dma_wait3A_81 = arith.constant 0 : i32
        %dma_wait3A_82 = tpu.memref_slice %arg8[%dma_wait3A_80, %dma_wait3A_81] : memref<128x128xf32, #tpu.memory_space<vmem>> -> memref<128x128xf32, #tpu.memory_space<vmem>>
        %dma_wait3A_83 = arith.constant 0 : i32
        %dma_wait3A_84 = tpu.memref_slice %arg10[%add3A_44, %dma_wait3A_83] : memref<10112x128xf32, #tpu.memory_space<vmem_shared>> -> memref<128x128xf32, #tpu.memory_space<vmem_shared>>
        tpu.wait_dma2 semaphore(%run_scoped3A_65 : memref<!tpu.dma_semaphore, #tpu.memory_space<semaphore_mem>>) src(%dma_wait3A_84 : memref<128x128xf32, #tpu.memory_space<vmem_shared>>) dst(%dma_wait3A_82 : memref<128x128xf32, #tpu.memory_space<vmem>>)
        tpu.yield
      }) : () -> ()
      %run_scoped3A = arith.constant 1 : i32
      "tpu.region"() ({
        %run_scoped3A_65 = tpu.sem_alloc : memref<!tpu.dma_semaphore, #tpu.memory_space<semaphore_mem>>
        %dma_start3A = arith.constant 0 : i32
        %dma_start3A_66 = arith.constant 0 : i32
        %dma_start3A_67 = tpu.memref_slice %arg8[%dma_start3A, %dma_start3A_66] : memref<128x128xf32, #tpu.memory_space<vmem>> -> memref<128x128xf32, #tpu.memory_space<vmem>>
        %dma_start3A_68 = arith.constant 0 : i32
        %dma_start3A_69 = tpu.memref_slice %arg5[%run_scoped3A, %add3A_44, %dma_start3A_68] : memref<2x10112x128xf32, #tpu.memory_space<hbm>> -> memref<1x128x128xf32, #tpu.memory_space<hbm>>
        %dma_start3A_70 = tpu.memref_squeeze %dma_start3A_69 : memref<1x128x128xf32, #tpu.memory_space<hbm>> -> memref<128x128xf32, #tpu.memory_space<hbm>>
        %dma_start3A_71 = arith.constant 0 : i32
        %dma_start3A_72 = tpu.memref_slice %arg5[%run_scoped3A, %add3A_44, %dma_start3A_71] : memref<2x10112x128xf32, #tpu.memory_space<hbm>> -> memref<1x128x128xf32, #tpu.memory_space<hbm>>
        %dma_start3A_73 = tpu.memref_squeeze %dma_start3A_72 : memref<1x128x128xf32, #tpu.memory_space<hbm>> -> memref<128x128xf32, #tpu.memory_space<hbm>>
        %dma_start3A_74 = arith.constant 0 : i32
        %dma_start3A_75 = arith.constant 0 : i32
        %dma_start3A_76 = tpu.memref_slice %arg8[%dma_start3A_74, %dma_start3A_75] : memref<128x128xf32, #tpu.memory_space<vmem>> -> memref<128x128xf32, #tpu.memory_space<vmem>>
        tpu.enqueue_dma source(%dma_start3A_76 : memref<128x128xf32, #tpu.memory_space<vmem>>) target(%dma_start3A_73 : memref<128x128xf32, #tpu.memory_space<hbm>>) target_semaphore(%run_scoped3A_65 : memref<!tpu.dma_semaphore, #tpu.memory_space<semaphore_mem>>)
        %dma_wait3A_77 = arith.constant 0 : i32
        %dma_wait3A_78 = arith.constant 0 : i32
        %dma_wait3A_79 = tpu.memref_slice %arg8[%dma_wait3A_77, %dma_wait3A_78] : memref<128x128xf32, #tpu.memory_space<vmem>> -> memref<128x128xf32, #tpu.memory_space<vmem>>
        %dma_wait3A_80 = arith.constant 0 : i32
        %dma_wait3A_81 = tpu.memref_slice %arg5[%run_scoped3A, %add3A_44, %dma_wait3A_80] : memref<2x10112x128xf32, #tpu.memory_space<hbm>> -> memref<1x128x128xf32, #tpu.memory_space<hbm>>
        %dma_wait3A_82 = tpu.memref_squeeze %dma_wait3A_81 : memref<1x128x128xf32, #tpu.memory_space<hbm>> -> memref<128x128xf32, #tpu.memory_space<hbm>>
        %dma_wait3A_83 = arith.constant 0 : i32
        %dma_wait3A_84 = tpu.memref_slice %arg5[%run_scoped3A, %add3A_44, %dma_wait3A_83] : memref<2x10112x128xf32, #tpu.memory_space<hbm>> -> memref<1x128x128xf32, #tpu.memory_space<hbm>>
        %dma_wait3A_85 = tpu.memref_squeeze %dma_wait3A_84 : memref<1x128x128xf32, #tpu.memory_space<hbm>> -> memref<128x128xf32, #tpu.memory_space<hbm>>
        %dma_wait3A_86 = arith.constant 0 : i32
        %dma_wait3A_87 = arith.constant 0 : i32
        %dma_wait3A_88 = tpu.memref_slice %arg8[%dma_wait3A_86, %dma_wait3A_87] : memref<128x128xf32, #tpu.memory_space<vmem>> -> memref<128x128xf32, #tpu.memory_space<vmem>>
        tpu.wait_dma2 semaphore(%run_scoped3A_65 : memref<!tpu.dma_semaphore, #tpu.memory_space<semaphore_mem>>) src(%dma_wait3A_88 : memref<128x128xf32, #tpu.memory_space<vmem>>) dst(%dma_wait3A_85 : memref<128x128xf32, #tpu.memory_space<hbm>>)
        tpu.yield
      }) : () -> ()
      %mul3A_45 = arith.constant 632 : i32
      %mul3A_46 = arith.muli %arg1, %mul3A_45 : i32
      %add3A_47 = arith.constant 128 : i32
      %add3A_48 = arith.addi %mul3A_46, %add3A_47 : i32
      "tpu.region"() ({
        %run_scoped3A_65 = tpu.sem_alloc : memref<!tpu.dma_semaphore, #tpu.memory_space<semaphore_mem>>
        %dma_start3A = arith.constant 0 : i32
        %dma_start3A_66 = arith.constant 0 : i32
        %dma_start3A_67 = tpu.memref_slice %arg8[%dma_start3A, %dma_start3A_66] : memref<128x128xf32, #tpu.memory_space<vmem>> -> memref<128x128xf32, #tpu.memory_space<vmem>>
        %dma_start3A_68 = arith.constant 0 : i32
        %dma_start3A_69 = tpu.memref_slice %arg10[%add3A_48, %dma_start3A_68] : memref<10112x128xf32, #tpu.memory_space<vmem_shared>> -> memref<128x128xf32, #tpu.memory_space<vmem_shared>>
        %dma_start3A_70 = arith.constant 0 : i32
        %dma_start3A_71 = arith.constant 0 : i32
        %dma_start3A_72 = tpu.memref_slice %arg8[%dma_start3A_70, %dma_start3A_71] : memref<128x128xf32, #tpu.memory_space<vmem>> -> memref<128x128xf32, #tpu.memory_space<vmem>>
        %dma_start3A_73 = arith.constant 0 : i32
        %dma_start3A_74 = tpu.memref_slice %arg10[%add3A_48, %dma_start3A_73] : memref<10112x128xf32, #tpu.memory_space<vmem_shared>> -> memref<128x128xf32, #tpu.memory_space<vmem_shared>>
        tpu.enqueue_dma source(%dma_start3A_74 : memref<128x128xf32, #tpu.memory_space<vmem_shared>>) target(%dma_start3A_72 : memref<128x128xf32, #tpu.memory_space<vmem>>) target_semaphore(%run_scoped3A_65 : memref<!tpu.dma_semaphore, #tpu.memory_space<semaphore_mem>>)
        %dma_wait3A_75 = arith.constant 0 : i32
        %dma_wait3A_76 = arith.constant 0 : i32
        %dma_wait3A_77 = tpu.memref_slice %arg8[%dma_wait3A_75, %dma_wait3A_76] : memref<128x128xf32, #tpu.memory_space<vmem>> -> memref<128x128xf32, #tpu.memory_space<vmem>>
        %dma_wait3A_78 = arith.constant 0 : i32
        %dma_wait3A_79 = tpu.memref_slice %arg10[%add3A_48, %dma_wait3A_78] : memref<10112x128xf32, #tpu.memory_space<vmem_shared>> -> memref<128x128xf32, #tpu.memory_space<vmem_shared>>
        %dma_wait3A_80 = arith.constant 0 : i32
        %dma_wait3A_81 = arith.constant 0 : i32
        %dma_wait3A_82 = tpu.memref_slice %arg8[%dma_wait3A_80, %dma_wait3A_81] : memref<128x128xf32, #tpu.memory_space<vmem>> -> memref<128x128xf32, #tpu.memory_space<vmem>>
        %dma_wait3A_83 = arith.constant 0 : i32
        %dma_wait3A_84 = tpu.memref_slice %arg10[%add3A_48, %dma_wait3A_83] : memref<10112x128xf32, #tpu.memory_space<vmem_shared>> -> memref<128x128xf32, #tpu.memory_space<vmem_shared>>
        tpu.wait_dma2 semaphore(%run_scoped3A_65 : memref<!tpu.dma_semaphore, #tpu.memory_space<semaphore_mem>>) src(%dma_wait3A_84 : memref<128x128xf32, #tpu.memory_space<vmem_shared>>) dst(%dma_wait3A_82 : memref<128x128xf32, #tpu.memory_space<vmem>>)
        tpu.yield
      }) : () -> ()
      %run_scoped3A_49 = arith.constant 1 : i32
      "tpu.region"() ({
        %run_scoped3A_65 = tpu.sem_alloc : memref<!tpu.dma_semaphore, #tpu.memory_space<semaphore_mem>>
        %dma_start3A = arith.constant 0 : i32
        %dma_start3A_66 = arith.constant 0 : i32
        %dma_start3A_67 = tpu.memref_slice %arg8[%dma_start3A, %dma_start3A_66] : memref<128x128xf32, #tpu.memory_space<vmem>> -> memref<128x128xf32, #tpu.memory_space<vmem>>
        %dma_start3A_68 = arith.constant 0 : i32
        %dma_start3A_69 = tpu.memref_slice %arg5[%run_scoped3A_49, %add3A_48, %dma_start3A_68] : memref<2x10112x128xf32, #tpu.memory_space<hbm>> -> memref<1x128x128xf32, #tpu.memory_space<hbm>>
        %dma_start3A_70 = tpu.memref_squeeze %dma_start3A_69 : memref<1x128x128xf32, #tpu.memory_space<hbm>> -> memref<128x128xf32, #tpu.memory_space<hbm>>
        %dma_start3A_71 = arith.constant 0 : i32
        %dma_start3A_72 = tpu.memref_slice %arg5[%run_scoped3A_49, %add3A_48, %dma_start3A_71] : memref<2x10112x128xf32, #tpu.memory_space<hbm>> -> memref<1x128x128xf32, #tpu.memory_space<hbm>>
        %dma_start3A_73 = tpu.memref_squeeze %dma_start3A_72 : memref<1x128x128xf32, #tpu.memory_space<hbm>> -> memref<128x128xf32, #tpu.memory_space<hbm>>
        %dma_start3A_74 = arith.constant 0 : i32
        %dma_start3A_75 = arith.constant 0 : i32
        %dma_start3A_76 = tpu.memref_slice %arg8[%dma_start3A_74, %dma_start3A_75] : memref<128x128xf32, #tpu.memory_space<vmem>> -> memref<128x128xf32, #tpu.memory_space<vmem>>
        tpu.enqueue_dma source(%dma_start3A_76 : memref<128x128xf32, #tpu.memory_space<vmem>>) target(%dma_start3A_73 : memref<128x128xf32, #tpu.memory_space<hbm>>) target_semaphore(%run_scoped3A_65 : memref<!tpu.dma_semaphore, #tpu.memory_space<semaphore_mem>>)
        %dma_wait3A_77 = arith.constant 0 : i32
        %dma_wait3A_78 = arith.constant 0 : i32
        %dma_wait3A_79 = tpu.memref_slice %arg8[%dma_wait3A_77, %dma_wait3A_78] : memref<128x128xf32, #tpu.memory_space<vmem>> -> memref<128x128xf32, #tpu.memory_space<vmem>>
        %dma_wait3A_80 = arith.constant 0 : i32
        %dma_wait3A_81 = tpu.memref_slice %arg5[%run_scoped3A_49, %add3A_48, %dma_wait3A_80] : memref<2x10112x128xf32, #tpu.memory_space<hbm>> -> memref<1x128x128xf32, #tpu.memory_space<hbm>>
        %dma_wait3A_82 = tpu.memref_squeeze %dma_wait3A_81 : memref<1x128x128xf32, #tpu.memory_space<hbm>> -> memref<128x128xf32, #tpu.memory_space<hbm>>
        %dma_wait3A_83 = arith.constant 0 : i32
        %dma_wait3A_84 = tpu.memref_slice %arg5[%run_scoped3A_49, %add3A_48, %dma_wait3A_83] : memref<2x10112x128xf32, #tpu.memory_space<hbm>> -> memref<1x128x128xf32, #tpu.memory_space<hbm>>
        %dma_wait3A_85 = tpu.memref_squeeze %dma_wait3A_84 : memref<1x128x128xf32, #tpu.memory_space<hbm>> -> memref<128x128xf32, #tpu.memory_space<hbm>>
        %dma_wait3A_86 = arith.constant 0 : i32
        %dma_wait3A_87 = arith.constant 0 : i32
        %dma_wait3A_88 = tpu.memref_slice %arg8[%dma_wait3A_86, %dma_wait3A_87] : memref<128x128xf32, #tpu.memory_space<vmem>> -> memref<128x128xf32, #tpu.memory_space<vmem>>
        tpu.wait_dma2 semaphore(%run_scoped3A_65 : memref<!tpu.dma_semaphore, #tpu.memory_space<semaphore_mem>>) src(%dma_wait3A_88 : memref<128x128xf32, #tpu.memory_space<vmem>>) dst(%dma_wait3A_85 : memref<128x128xf32, #tpu.memory_space<hbm>>)
        tpu.yield
      }) : () -> ()
      %mul3A_50 = arith.constant 632 : i32
      %mul3A_51 = arith.muli %arg1, %mul3A_50 : i32
      %add3A_52 = arith.constant 256 : i32
      %add3A_53 = arith.addi %mul3A_51, %add3A_52 : i32
      "tpu.region"() ({
        %run_scoped3A_65 = tpu.sem_alloc : memref<!tpu.dma_semaphore, #tpu.memory_space<semaphore_mem>>
        %dma_start3A = arith.constant 0 : i32
        %dma_start3A_66 = arith.constant 0 : i32
        %dma_start3A_67 = tpu.memref_slice %arg8[%dma_start3A, %dma_start3A_66] : memref<128x128xf32, #tpu.memory_space<vmem>> -> memref<128x128xf32, #tpu.memory_space<vmem>>
        %dma_start3A_68 = arith.constant 0 : i32
        %dma_start3A_69 = tpu.memref_slice %arg10[%add3A_53, %dma_start3A_68] : memref<10112x128xf32, #tpu.memory_space<vmem_shared>> -> memref<128x128xf32, #tpu.memory_space<vmem_shared>>
        %dma_start3A_70 = arith.constant 0 : i32
        %dma_start3A_71 = arith.constant 0 : i32
        %dma_start3A_72 = tpu.memref_slice %arg8[%dma_start3A_70, %dma_start3A_71] : memref<128x128xf32, #tpu.memory_space<vmem>> -> memref<128x128xf32, #tpu.memory_space<vmem>>
        %dma_start3A_73 = arith.constant 0 : i32
        %dma_start3A_74 = tpu.memref_slice %arg10[%add3A_53, %dma_start3A_73] : memref<10112x128xf32, #tpu.memory_space<vmem_shared>> -> memref<128x128xf32, #tpu.memory_space<vmem_shared>>
        tpu.enqueue_dma source(%dma_start3A_74 : memref<128x128xf32, #tpu.memory_space<vmem_shared>>) target(%dma_start3A_72 : memref<128x128xf32, #tpu.memory_space<vmem>>) target_semaphore(%run_scoped3A_65 : memref<!tpu.dma_semaphore, #tpu.memory_space<semaphore_mem>>)
        %dma_wait3A_75 = arith.constant 0 : i32
        %dma_wait3A_76 = arith.constant 0 : i32
        %dma_wait3A_77 = tpu.memref_slice %arg8[%dma_wait3A_75, %dma_wait3A_76] : memref<128x128xf32, #tpu.memory_space<vmem>> -> memref<128x128xf32, #tpu.memory_space<vmem>>
        %dma_wait3A_78 = arith.constant 0 : i32
        %dma_wait3A_79 = tpu.memref_slice %arg10[%add3A_53, %dma_wait3A_78] : memref<10112x128xf32, #tpu.memory_space<vmem_shared>> -> memref<128x128xf32, #tpu.memory_space<vmem_shared>>
        %dma_wait3A_80 = arith.constant 0 : i32
        %dma_wait3A_81 = arith.constant 0 : i32
        %dma_wait3A_82 = tpu.memref_slice %arg8[%dma_wait3A_80, %dma_wait3A_81] : memref<128x128xf32, #tpu.memory_space<vmem>> -> memref<128x128xf32, #tpu.memory_space<vmem>>
        %dma_wait3A_83 = arith.constant 0 : i32
        %dma_wait3A_84 = tpu.memref_slice %arg10[%add3A_53, %dma_wait3A_83] : memref<10112x128xf32, #tpu.memory_space<vmem_shared>> -> memref<128x128xf32, #tpu.memory_space<vmem_shared>>
        tpu.wait_dma2 semaphore(%run_scoped3A_65 : memref<!tpu.dma_semaphore, #tpu.memory_space<semaphore_mem>>) src(%dma_wait3A_84 : memref<128x128xf32, #tpu.memory_space<vmem_shared>>) dst(%dma_wait3A_82 : memref<128x128xf32, #tpu.memory_space<vmem>>)
        tpu.yield
      }) : () -> ()
      %run_scoped3A_54 = arith.constant 1 : i32
      "tpu.region"() ({
        %run_scoped3A_65 = tpu.sem_alloc : memref<!tpu.dma_semaphore, #tpu.memory_space<semaphore_mem>>
        %dma_start3A = arith.constant 0 : i32
        %dma_start3A_66 = arith.constant 0 : i32
        %dma_start3A_67 = tpu.memref_slice %arg8[%dma_start3A, %dma_start3A_66] : memref<128x128xf32, #tpu.memory_space<vmem>> -> memref<128x128xf32, #tpu.memory_space<vmem>>
        %dma_start3A_68 = arith.constant 0 : i32
        %dma_start3A_69 = tpu.memref_slice %arg5[%run_scoped3A_54, %add3A_53, %dma_start3A_68] : memref<2x10112x128xf32, #tpu.memory_space<hbm>> -> memref<1x128x128xf32, #tpu.memory_space<hbm>>
        %dma_start3A_70 = tpu.memref_squeeze %dma_start3A_69 : memref<1x128x128xf32, #tpu.memory_space<hbm>> -> memref<128x128xf32, #tpu.memory_space<hbm>>
        %dma_start3A_71 = arith.constant 0 : i32
        %dma_start3A_72 = tpu.memref_slice %arg5[%run_scoped3A_54, %add3A_53, %dma_start3A_71] : memref<2x10112x128xf32, #tpu.memory_space<hbm>> -> memref<1x128x128xf32, #tpu.memory_space<hbm>>
        %dma_start3A_73 = tpu.memref_squeeze %dma_start3A_72 : memref<1x128x128xf32, #tpu.memory_space<hbm>> -> memref<128x128xf32, #tpu.memory_space<hbm>>
        %dma_start3A_74 = arith.constant 0 : i32
        %dma_start3A_75 = arith.constant 0 : i32
        %dma_start3A_76 = tpu.memref_slice %arg8[%dma_start3A_74, %dma_start3A_75] : memref<128x128xf32, #tpu.memory_space<vmem>> -> memref<128x128xf32, #tpu.memory_space<vmem>>
        tpu.enqueue_dma source(%dma_start3A_76 : memref<128x128xf32, #tpu.memory_space<vmem>>) target(%dma_start3A_73 : memref<128x128xf32, #tpu.memory_space<hbm>>) target_semaphore(%run_scoped3A_65 : memref<!tpu.dma_semaphore, #tpu.memory_space<semaphore_mem>>)
        %dma_wait3A_77 = arith.constant 0 : i32
        %dma_wait3A_78 = arith.constant 0 : i32
        %dma_wait3A_79 = tpu.memref_slice %arg8[%dma_wait3A_77, %dma_wait3A_78] : memref<128x128xf32, #tpu.memory_space<vmem>> -> memref<128x128xf32, #tpu.memory_space<vmem>>
        %dma_wait3A_80 = arith.constant 0 : i32
        %dma_wait3A_81 = tpu.memref_slice %arg5[%run_scoped3A_54, %add3A_53, %dma_wait3A_80] : memref<2x10112x128xf32, #tpu.memory_space<hbm>> -> memref<1x128x128xf32, #tpu.memory_space<hbm>>
        %dma_wait3A_82 = tpu.memref_squeeze %dma_wait3A_81 : memref<1x128x128xf32, #tpu.memory_space<hbm>> -> memref<128x128xf32, #tpu.memory_space<hbm>>
        %dma_wait3A_83 = arith.constant 0 : i32
        %dma_wait3A_84 = tpu.memref_slice %arg5[%run_scoped3A_54, %add3A_53, %dma_wait3A_83] : memref<2x10112x128xf32, #tpu.memory_space<hbm>> -> memref<1x128x128xf32, #tpu.memory_space<hbm>>
        %dma_wait3A_85 = tpu.memref_squeeze %dma_wait3A_84 : memref<1x128x128xf32, #tpu.memory_space<hbm>> -> memref<128x128xf32, #tpu.memory_space<hbm>>
        %dma_wait3A_86 = arith.constant 0 : i32
        %dma_wait3A_87 = arith.constant 0 : i32
        %dma_wait3A_88 = tpu.memref_slice %arg8[%dma_wait3A_86, %dma_wait3A_87] : memref<128x128xf32, #tpu.memory_space<vmem>> -> memref<128x128xf32, #tpu.memory_space<vmem>>
        tpu.wait_dma2 semaphore(%run_scoped3A_65 : memref<!tpu.dma_semaphore, #tpu.memory_space<semaphore_mem>>) src(%dma_wait3A_88 : memref<128x128xf32, #tpu.memory_space<vmem>>) dst(%dma_wait3A_85 : memref<128x128xf32, #tpu.memory_space<hbm>>)
        tpu.yield
      }) : () -> ()
      %mul3A_55 = arith.constant 632 : i32
      %mul3A_56 = arith.muli %arg1, %mul3A_55 : i32
      %add3A_57 = arith.constant 384 : i32
      %add3A_58 = arith.addi %mul3A_56, %add3A_57 : i32
      "tpu.region"() ({
        %run_scoped3A_65 = tpu.sem_alloc : memref<!tpu.dma_semaphore, #tpu.memory_space<semaphore_mem>>
        %dma_start3A = arith.constant 0 : i32
        %dma_start3A_66 = arith.constant 0 : i32
        %dma_start3A_67 = tpu.memref_slice %arg8[%dma_start3A, %dma_start3A_66] : memref<128x128xf32, #tpu.memory_space<vmem>> -> memref<128x128xf32, #tpu.memory_space<vmem>>
        %dma_start3A_68 = arith.constant 0 : i32
        %dma_start3A_69 = tpu.memref_slice %arg10[%add3A_58, %dma_start3A_68] : memref<10112x128xf32, #tpu.memory_space<vmem_shared>> -> memref<128x128xf32, #tpu.memory_space<vmem_shared>>
        %dma_start3A_70 = arith.constant 0 : i32
        %dma_start3A_71 = arith.constant 0 : i32
        %dma_start3A_72 = tpu.memref_slice %arg8[%dma_start3A_70, %dma_start3A_71] : memref<128x128xf32, #tpu.memory_space<vmem>> -> memref<128x128xf32, #tpu.memory_space<vmem>>
        %dma_start3A_73 = arith.constant 0 : i32
        %dma_start3A_74 = tpu.memref_slice %arg10[%add3A_58, %dma_start3A_73] : memref<10112x128xf32, #tpu.memory_space<vmem_shared>> -> memref<128x128xf32, #tpu.memory_space<vmem_shared>>
        tpu.enqueue_dma source(%dma_start3A_74 : memref<128x128xf32, #tpu.memory_space<vmem_shared>>) target(%dma_start3A_72 : memref<128x128xf32, #tpu.memory_space<vmem>>) target_semaphore(%run_scoped3A_65 : memref<!tpu.dma_semaphore, #tpu.memory_space<semaphore_mem>>)
        %dma_wait3A_75 = arith.constant 0 : i32
        %dma_wait3A_76 = arith.constant 0 : i32
        %dma_wait3A_77 = tpu.memref_slice %arg8[%dma_wait3A_75, %dma_wait3A_76] : memref<128x128xf32, #tpu.memory_space<vmem>> -> memref<128x128xf32, #tpu.memory_space<vmem>>
        %dma_wait3A_78 = arith.constant 0 : i32
        %dma_wait3A_79 = tpu.memref_slice %arg10[%add3A_58, %dma_wait3A_78] : memref<10112x128xf32, #tpu.memory_space<vmem_shared>> -> memref<128x128xf32, #tpu.memory_space<vmem_shared>>
        %dma_wait3A_80 = arith.constant 0 : i32
        %dma_wait3A_81 = arith.constant 0 : i32
        %dma_wait3A_82 = tpu.memref_slice %arg8[%dma_wait3A_80, %dma_wait3A_81] : memref<128x128xf32, #tpu.memory_space<vmem>> -> memref<128x128xf32, #tpu.memory_space<vmem>>
        %dma_wait3A_83 = arith.constant 0 : i32
        %dma_wait3A_84 = tpu.memref_slice %arg10[%add3A_58, %dma_wait3A_83] : memref<10112x128xf32, #tpu.memory_space<vmem_shared>> -> memref<128x128xf32, #tpu.memory_space<vmem_shared>>
        tpu.wait_dma2 semaphore(%run_scoped3A_65 : memref<!tpu.dma_semaphore, #tpu.memory_space<semaphore_mem>>) src(%dma_wait3A_84 : memref<128x128xf32, #tpu.memory_space<vmem_shared>>) dst(%dma_wait3A_82 : memref<128x128xf32, #tpu.memory_space<vmem>>)
        tpu.yield
      }) : () -> ()
      %run_scoped3A_59 = arith.constant 1 : i32
      "tpu.region"() ({
        %run_scoped3A_65 = tpu.sem_alloc : memref<!tpu.dma_semaphore, #tpu.memory_space<semaphore_mem>>
        %dma_start3A = arith.constant 0 : i32
        %dma_start3A_66 = arith.constant 0 : i32
        %dma_start3A_67 = tpu.memref_slice %arg8[%dma_start3A, %dma_start3A_66] : memref<128x128xf32, #tpu.memory_space<vmem>> -> memref<128x128xf32, #tpu.memory_space<vmem>>
        %dma_start3A_68 = arith.constant 0 : i32
        %dma_start3A_69 = tpu.memref_slice %arg5[%run_scoped3A_59, %add3A_58, %dma_start3A_68] : memref<2x10112x128xf32, #tpu.memory_space<hbm>> -> memref<1x128x128xf32, #tpu.memory_space<hbm>>
        %dma_start3A_70 = tpu.memref_squeeze %dma_start3A_69 : memref<1x128x128xf32, #tpu.memory_space<hbm>> -> memref<128x128xf32, #tpu.memory_space<hbm>>
        %dma_start3A_71 = arith.constant 0 : i32
        %dma_start3A_72 = tpu.memref_slice %arg5[%run_scoped3A_59, %add3A_58, %dma_start3A_71] : memref<2x10112x128xf32, #tpu.memory_space<hbm>> -> memref<1x128x128xf32, #tpu.memory_space<hbm>>
        %dma_start3A_73 = tpu.memref_squeeze %dma_start3A_72 : memref<1x128x128xf32, #tpu.memory_space<hbm>> -> memref<128x128xf32, #tpu.memory_space<hbm>>
        %dma_start3A_74 = arith.constant 0 : i32
        %dma_start3A_75 = arith.constant 0 : i32
        %dma_start3A_76 = tpu.memref_slice %arg8[%dma_start3A_74, %dma_start3A_75] : memref<128x128xf32, #tpu.memory_space<vmem>> -> memref<128x128xf32, #tpu.memory_space<vmem>>
        tpu.enqueue_dma source(%dma_start3A_76 : memref<128x128xf32, #tpu.memory_space<vmem>>) target(%dma_start3A_73 : memref<128x128xf32, #tpu.memory_space<hbm>>) target_semaphore(%run_scoped3A_65 : memref<!tpu.dma_semaphore, #tpu.memory_space<semaphore_mem>>)
        %dma_wait3A_77 = arith.constant 0 : i32
        %dma_wait3A_78 = arith.constant 0 : i32
        %dma_wait3A_79 = tpu.memref_slice %arg8[%dma_wait3A_77, %dma_wait3A_78] : memref<128x128xf32, #tpu.memory_space<vmem>> -> memref<128x128xf32, #tpu.memory_space<vmem>>
        %dma_wait3A_80 = arith.constant 0 : i32
        %dma_wait3A_81 = tpu.memref_slice %arg5[%run_scoped3A_59, %add3A_58, %dma_wait3A_80] : memref<2x10112x128xf32, #tpu.memory_space<hbm>> -> memref<1x128x128xf32, #tpu.memory_space<hbm>>
        %dma_wait3A_82 = tpu.memref_squeeze %dma_wait3A_81 : memref<1x128x128xf32, #tpu.memory_space<hbm>> -> memref<128x128xf32, #tpu.memory_space<hbm>>
        %dma_wait3A_83 = arith.constant 0 : i32
        %dma_wait3A_84 = tpu.memref_slice %arg5[%run_scoped3A_59, %add3A_58, %dma_wait3A_83] : memref<2x10112x128xf32, #tpu.memory_space<hbm>> -> memref<1x128x128xf32, #tpu.memory_space<hbm>>
        %dma_wait3A_85 = tpu.memref_squeeze %dma_wait3A_84 : memref<1x128x128xf32, #tpu.memory_space<hbm>> -> memref<128x128xf32, #tpu.memory_space<hbm>>
        %dma_wait3A_86 = arith.constant 0 : i32
        %dma_wait3A_87 = arith.constant 0 : i32
        %dma_wait3A_88 = tpu.memref_slice %arg8[%dma_wait3A_86, %dma_wait3A_87] : memref<128x128xf32, #tpu.memory_space<vmem>> -> memref<128x128xf32, #tpu.memory_space<vmem>>
        tpu.wait_dma2 semaphore(%run_scoped3A_65 : memref<!tpu.dma_semaphore, #tpu.memory_space<semaphore_mem>>) src(%dma_wait3A_88 : memref<128x128xf32, #tpu.memory_space<vmem>>) dst(%dma_wait3A_85 : memref<128x128xf32, #tpu.memory_space<hbm>>)
        tpu.yield
      }) : () -> ()
      %mul3A_60 = arith.constant 632 : i32
      %mul3A_61 = arith.muli %arg1, %mul3A_60 : i32
      %add3A_62 = arith.constant 512 : i32
      %add3A_63 = arith.addi %mul3A_61, %add3A_62 : i32
      "tpu.region"() ({
        %run_scoped3A_65 = tpu.sem_alloc : memref<!tpu.dma_semaphore, #tpu.memory_space<semaphore_mem>>
        %dma_start3A = arith.constant 0 : i32
        %dma_start3A_66 = arith.constant 0 : i32
        %dma_start3A_67 = tpu.memref_slice %arg8[%dma_start3A, %dma_start3A_66] : memref<128x128xf32, #tpu.memory_space<vmem>> -> memref<120x128xf32, #tpu.memory_space<vmem>>
        %dma_start3A_68 = arith.constant 0 : i32
        %dma_start3A_69 = tpu.memref_slice %arg10[%add3A_63, %dma_start3A_68] : memref<10112x128xf32, #tpu.memory_space<vmem_shared>> -> memref<120x128xf32, #tpu.memory_space<vmem_shared>>
        %dma_start3A_70 = arith.constant 0 : i32
        %dma_start3A_71 = arith.constant 0 : i32
        %dma_start3A_72 = tpu.memref_slice %arg8[%dma_start3A_70, %dma_start3A_71] : memref<128x128xf32, #tpu.memory_space<vmem>> -> memref<120x128xf32, #tpu.memory_space<vmem>>
        %dma_start3A_73 = arith.constant 0 : i32
        %dma_start3A_74 = tpu.memref_slice %arg10[%add3A_63, %dma_start3A_73] : memref<10112x128xf32, #tpu.memory_space<vmem_shared>> -> memref<120x128xf32, #tpu.memory_space<vmem_shared>>
        tpu.enqueue_dma source(%dma_start3A_74 : memref<120x128xf32, #tpu.memory_space<vmem_shared>>) target(%dma_start3A_72 : memref<120x128xf32, #tpu.memory_space<vmem>>) target_semaphore(%run_scoped3A_65 : memref<!tpu.dma_semaphore, #tpu.memory_space<semaphore_mem>>)
        %dma_wait3A_75 = arith.constant 0 : i32
        %dma_wait3A_76 = arith.constant 0 : i32
        %dma_wait3A_77 = tpu.memref_slice %arg8[%dma_wait3A_75, %dma_wait3A_76] : memref<128x128xf32, #tpu.memory_space<vmem>> -> memref<120x128xf32, #tpu.memory_space<vmem>>
        %dma_wait3A_78 = arith.constant 0 : i32
        %dma_wait3A_79 = tpu.memref_slice %arg10[%add3A_63, %dma_wait3A_78] : memref<10112x128xf32, #tpu.memory_space<vmem_shared>> -> memref<120x128xf32, #tpu.memory_space<vmem_shared>>
        %dma_wait3A_80 = arith.constant 0 : i32
        %dma_wait3A_81 = arith.constant 0 : i32
        %dma_wait3A_82 = tpu.memref_slice %arg8[%dma_wait3A_80, %dma_wait3A_81] : memref<128x128xf32, #tpu.memory_space<vmem>> -> memref<120x128xf32, #tpu.memory_space<vmem>>
        %dma_wait3A_83 = arith.constant 0 : i32
        %dma_wait3A_84 = tpu.memref_slice %arg10[%add3A_63, %dma_wait3A_83] : memref<10112x128xf32, #tpu.memory_space<vmem_shared>> -> memref<120x128xf32, #tpu.memory_space<vmem_shared>>
        tpu.wait_dma2 semaphore(%run_scoped3A_65 : memref<!tpu.dma_semaphore, #tpu.memory_space<semaphore_mem>>) src(%dma_wait3A_84 : memref<120x128xf32, #tpu.memory_space<vmem_shared>>) dst(%dma_wait3A_82 : memref<120x128xf32, #tpu.memory_space<vmem>>)
        tpu.yield
      }) : () -> ()
      %run_scoped3A_64 = arith.constant 1 : i32
      "tpu.region"() ({
        %run_scoped3A_65 = tpu.sem_alloc : memref<!tpu.dma_semaphore, #tpu.memory_space<semaphore_mem>>
        %dma_start3A = arith.constant 0 : i32
        %dma_start3A_66 = arith.constant 0 : i32
        %dma_start3A_67 = tpu.memref_slice %arg8[%dma_start3A, %dma_start3A_66] : memref<128x128xf32, #tpu.memory_space<vmem>> -> memref<120x128xf32, #tpu.memory_space<vmem>>
        %dma_start3A_68 = arith.constant 0 : i32
        %dma_start3A_69 = tpu.memref_slice %arg5[%run_scoped3A_64, %add3A_63, %dma_start3A_68] : memref<2x10112x128xf32, #tpu.memory_space<hbm>> -> memref<1x120x128xf32, #tpu.memory_space<hbm>>
        %dma_start3A_70 = tpu.memref_squeeze %dma_start3A_69 : memref<1x120x128xf32, #tpu.memory_space<hbm>> -> memref<120x128xf32, #tpu.memory_space<hbm>>
        %dma_start3A_71 = arith.constant 0 : i32
        %dma_start3A_72 = tpu.memref_slice %arg5[%run_scoped3A_64, %add3A_63, %dma_start3A_71] : memref<2x10112x128xf32, #tpu.memory_space<hbm>> -> memref<1x120x128xf32, #tpu.memory_space<hbm>>
        %dma_start3A_73 = tpu.memref_squeeze %dma_start3A_72 : memref<1x120x128xf32, #tpu.memory_space<hbm>> -> memref<120x128xf32, #tpu.memory_space<hbm>>
        %dma_start3A_74 = arith.constant 0 : i32
        %dma_start3A_75 = arith.constant 0 : i32
        %dma_start3A_76 = tpu.memref_slice %arg8[%dma_start3A_74, %dma_start3A_75] : memref<128x128xf32, #tpu.memory_space<vmem>> -> memref<120x128xf32, #tpu.memory_space<vmem>>
        tpu.enqueue_dma source(%dma_start3A_76 : memref<120x128xf32, #tpu.memory_space<vmem>>) target(%dma_start3A_73 : memref<120x128xf32, #tpu.memory_space<hbm>>) target_semaphore(%run_scoped3A_65 : memref<!tpu.dma_semaphore, #tpu.memory_space<semaphore_mem>>)
        %dma_wait3A_77 = arith.constant 0 : i32
        %dma_wait3A_78 = arith.constant 0 : i32
        %dma_wait3A_79 = tpu.memref_slice %arg8[%dma_wait3A_77, %dma_wait3A_78] : memref<128x128xf32, #tpu.memory_space<vmem>> -> memref<120x128xf32, #tpu.memory_space<vmem>>
        %dma_wait3A_80 = arith.constant 0 : i32
        %dma_wait3A_81 = tpu.memref_slice %arg5[%run_scoped3A_64, %add3A_63, %dma_wait3A_80] : memref<2x10112x128xf32, #tpu.memory_space<hbm>> -> memref<1x120x128xf32, #tpu.memory_space<hbm>>
        %dma_wait3A_82 = tpu.memref_squeeze %dma_wait3A_81 : memref<1x120x128xf32, #tpu.memory_space<hbm>> -> memref<120x128xf32, #tpu.memory_space<hbm>>
        %dma_wait3A_83 = arith.constant 0 : i32
        %dma_wait3A_84 = tpu.memref_slice %arg5[%run_scoped3A_64, %add3A_63, %dma_wait3A_83] : memref<2x10112x128xf32, #tpu.memory_space<hbm>> -> memref<1x120x128xf32, #tpu.memory_space<hbm>>
        %dma_wait3A_85 = tpu.memref_squeeze %dma_wait3A_84 : memref<1x120x128xf32, #tpu.memory_space<hbm>> -> memref<120x128xf32, #tpu.memory_space<hbm>>
        %dma_wait3A_86 = arith.constant 0 : i32
        %dma_wait3A_87 = arith.constant 0 : i32
        %dma_wait3A_88 = tpu.memref_slice %arg8[%dma_wait3A_86, %dma_wait3A_87] : memref<128x128xf32, #tpu.memory_space<vmem>> -> memref<120x128xf32, #tpu.memory_space<vmem>>
        tpu.wait_dma2 semaphore(%run_scoped3A_65 : memref<!tpu.dma_semaphore, #tpu.memory_space<semaphore_mem>>) src(%dma_wait3A_88 : memref<120x128xf32, #tpu.memory_space<vmem>>) dst(%dma_wait3A_85 : memref<120x128xf32, #tpu.memory_space<hbm>>)
        tpu.yield
      }) : () -> ()
    } else {
    }
    return
  }
}

#map = affine_map<(d0, d1) -> (0)>
module attributes {stable_mosaic.version = 14 : i64} {
  func.func @k(%arg0: i32, %arg1: i32, %arg2: memref<327680xi32, #tpu.memory_space<hbm>>, %arg3: memref<128xf32, #tpu.memory_space<hbm>>, %arg4: memref<128xf32, #tpu.memory_space<hbm>>, %arg5: memref<20224xf32, #tpu.memory_space<hbm>>, %arg6: memref<128xi32, #tpu.memory_space<vmem>>, %arg7: memref<128xf32, #tpu.memory_space<vmem>>, %arg8: memref<128xf32, #tpu.memory_space<vmem>>, %arg9: memref<10112xf32, #tpu.memory_space<vmem_shared>>) attributes {dimension_semantics = [#tpu.dimension_semantics<core_parallel>, #tpu.dimension_semantics<subcore_parallel>], iteration_bounds = array<i64: 2, 16>, scalar_prefetch = 0 : i64, scratch_operands = 4 : i64, tpu.core_type = #tpu.core_type<sc_vector_subcore>, window_params = [{transform_indices = #map}, {transform_indices = #map}, {transform_indices = #map}, {transform_indices = #map}]} {
    %mul3A = arith.constant 2 : i32
    %mul3A_0 = arith.muli %arg1, %mul3A : i32
    %add3A = arith.addi %mul3A_0, %arg0 : i32
    "tpu.region"() ({
      %run_scoped3A = tpu.sem_alloc : memref<!tpu.dma_semaphore, #tpu.memory_space<semaphore_mem>>
      tpu.enqueue_dma source(%arg3 : memref<128xf32, #tpu.memory_space<hbm>>) target(%arg7 : memref<128xf32, #tpu.memory_space<vmem>>) target_semaphore(%run_scoped3A : memref<!tpu.dma_semaphore, #tpu.memory_space<semaphore_mem>>)
      tpu.wait_dma2 semaphore(%run_scoped3A : memref<!tpu.dma_semaphore, #tpu.memory_space<semaphore_mem>>) src(%arg3 : memref<128xf32, #tpu.memory_space<hbm>>) dst(%arg7 : memref<128xf32, #tpu.memory_space<vmem>>)
      tpu.yield
    }) : () -> ()
    %mul3A_1 = arith.constant 632 : i32
    %mul3A_2 = arith.muli %arg1, %mul3A_1 : i32
    %add3A_3 = arith.constant 0 : i32
    %add3A_4 = arith.addi %mul3A_2, %add3A_3 : i32
    "tpu.region"() ({
      %run_scoped3A = tpu.sem_alloc : memref<!tpu.dma_semaphore, #tpu.memory_space<semaphore_mem>>
      %dma_start3A = arith.constant 0 : i32
      %dma_start3A_36 = tpu.memref_slice %arg7[%dma_start3A] : memref<128xf32, #tpu.memory_space<vmem>> -> memref<128xf32, #tpu.memory_space<vmem>>
      %dma_start3A_37 = tpu.memref_slice %arg9[%add3A_4] : memref<10112xf32, #tpu.memory_space<vmem_shared>> -> memref<128xf32, #tpu.memory_space<vmem_shared>>
      %dma_start3A_38 = tpu.memref_slice %arg9[%add3A_4] : memref<10112xf32, #tpu.memory_space<vmem_shared>> -> memref<128xf32, #tpu.memory_space<vmem_shared>>
      %dma_start3A_39 = arith.constant 0 : i32
      %dma_start3A_40 = tpu.memref_slice %arg7[%dma_start3A_39] : memref<128xf32, #tpu.memory_space<vmem>> -> memref<128xf32, #tpu.memory_space<vmem>>
      tpu.enqueue_dma source(%dma_start3A_40 : memref<128xf32, #tpu.memory_space<vmem>>) target(%dma_start3A_38 : memref<128xf32, #tpu.memory_space<vmem_shared>>) target_semaphore(%run_scoped3A : memref<!tpu.dma_semaphore, #tpu.memory_space<semaphore_mem>>)
      %dma_wait3A = arith.constant 0 : i32
      %dma_wait3A_41 = tpu.memref_slice %arg7[%dma_wait3A] : memref<128xf32, #tpu.memory_space<vmem>> -> memref<128xf32, #tpu.memory_space<vmem>>
      %dma_wait3A_42 = tpu.memref_slice %arg9[%add3A_4] : memref<10112xf32, #tpu.memory_space<vmem_shared>> -> memref<128xf32, #tpu.memory_space<vmem_shared>>
      %dma_wait3A_43 = tpu.memref_slice %arg9[%add3A_4] : memref<10112xf32, #tpu.memory_space<vmem_shared>> -> memref<128xf32, #tpu.memory_space<vmem_shared>>
      %dma_wait3A_44 = arith.constant 0 : i32
      %dma_wait3A_45 = tpu.memref_slice %arg7[%dma_wait3A_44] : memref<128xf32, #tpu.memory_space<vmem>> -> memref<128xf32, #tpu.memory_space<vmem>>
      tpu.wait_dma2 semaphore(%run_scoped3A : memref<!tpu.dma_semaphore, #tpu.memory_space<semaphore_mem>>) src(%dma_wait3A_45 : memref<128xf32, #tpu.memory_space<vmem>>) dst(%dma_wait3A_43 : memref<128xf32, #tpu.memory_space<vmem_shared>>)
      tpu.yield
    }) : () -> ()
    %mul3A_5 = arith.constant 632 : i32
    %mul3A_6 = arith.muli %arg1, %mul3A_5 : i32
    %add3A_7 = arith.constant 128 : i32
    %add3A_8 = arith.addi %mul3A_6, %add3A_7 : i32
    "tpu.region"() ({
      %run_scoped3A = tpu.sem_alloc : memref<!tpu.dma_semaphore, #tpu.memory_space<semaphore_mem>>
      %dma_start3A = arith.constant 0 : i32
      %dma_start3A_36 = tpu.memref_slice %arg7[%dma_start3A] : memref<128xf32, #tpu.memory_space<vmem>> -> memref<128xf32, #tpu.memory_space<vmem>>
      %dma_start3A_37 = tpu.memref_slice %arg9[%add3A_8] : memref<10112xf32, #tpu.memory_space<vmem_shared>> -> memref<128xf32, #tpu.memory_space<vmem_shared>>
      %dma_start3A_38 = tpu.memref_slice %arg9[%add3A_8] : memref<10112xf32, #tpu.memory_space<vmem_shared>> -> memref<128xf32, #tpu.memory_space<vmem_shared>>
      %dma_start3A_39 = arith.constant 0 : i32
      %dma_start3A_40 = tpu.memref_slice %arg7[%dma_start3A_39] : memref<128xf32, #tpu.memory_space<vmem>> -> memref<128xf32, #tpu.memory_space<vmem>>
      tpu.enqueue_dma source(%dma_start3A_40 : memref<128xf32, #tpu.memory_space<vmem>>) target(%dma_start3A_38 : memref<128xf32, #tpu.memory_space<vmem_shared>>) target_semaphore(%run_scoped3A : memref<!tpu.dma_semaphore, #tpu.memory_space<semaphore_mem>>)
      %dma_wait3A = arith.constant 0 : i32
      %dma_wait3A_41 = tpu.memref_slice %arg7[%dma_wait3A] : memref<128xf32, #tpu.memory_space<vmem>> -> memref<128xf32, #tpu.memory_space<vmem>>
      %dma_wait3A_42 = tpu.memref_slice %arg9[%add3A_8] : memref<10112xf32, #tpu.memory_space<vmem_shared>> -> memref<128xf32, #tpu.memory_space<vmem_shared>>
      %dma_wait3A_43 = tpu.memref_slice %arg9[%add3A_8] : memref<10112xf32, #tpu.memory_space<vmem_shared>> -> memref<128xf32, #tpu.memory_space<vmem_shared>>
      %dma_wait3A_44 = arith.constant 0 : i32
      %dma_wait3A_45 = tpu.memref_slice %arg7[%dma_wait3A_44] : memref<128xf32, #tpu.memory_space<vmem>> -> memref<128xf32, #tpu.memory_space<vmem>>
      tpu.wait_dma2 semaphore(%run_scoped3A : memref<!tpu.dma_semaphore, #tpu.memory_space<semaphore_mem>>) src(%dma_wait3A_45 : memref<128xf32, #tpu.memory_space<vmem>>) dst(%dma_wait3A_43 : memref<128xf32, #tpu.memory_space<vmem_shared>>)
      tpu.yield
    }) : () -> ()
    %mul3A_9 = arith.constant 632 : i32
    %mul3A_10 = arith.muli %arg1, %mul3A_9 : i32
    %add3A_11 = arith.constant 256 : i32
    %add3A_12 = arith.addi %mul3A_10, %add3A_11 : i32
    "tpu.region"() ({
      %run_scoped3A = tpu.sem_alloc : memref<!tpu.dma_semaphore, #tpu.memory_space<semaphore_mem>>
      %dma_start3A = arith.constant 0 : i32
      %dma_start3A_36 = tpu.memref_slice %arg7[%dma_start3A] : memref<128xf32, #tpu.memory_space<vmem>> -> memref<128xf32, #tpu.memory_space<vmem>>
      %dma_start3A_37 = tpu.memref_slice %arg9[%add3A_12] : memref<10112xf32, #tpu.memory_space<vmem_shared>> -> memref<128xf32, #tpu.memory_space<vmem_shared>>
      %dma_start3A_38 = tpu.memref_slice %arg9[%add3A_12] : memref<10112xf32, #tpu.memory_space<vmem_shared>> -> memref<128xf32, #tpu.memory_space<vmem_shared>>
      %dma_start3A_39 = arith.constant 0 : i32
      %dma_start3A_40 = tpu.memref_slice %arg7[%dma_start3A_39] : memref<128xf32, #tpu.memory_space<vmem>> -> memref<128xf32, #tpu.memory_space<vmem>>
      tpu.enqueue_dma source(%dma_start3A_40 : memref<128xf32, #tpu.memory_space<vmem>>) target(%dma_start3A_38 : memref<128xf32, #tpu.memory_space<vmem_shared>>) target_semaphore(%run_scoped3A : memref<!tpu.dma_semaphore, #tpu.memory_space<semaphore_mem>>)
      %dma_wait3A = arith.constant 0 : i32
      %dma_wait3A_41 = tpu.memref_slice %arg7[%dma_wait3A] : memref<128xf32, #tpu.memory_space<vmem>> -> memref<128xf32, #tpu.memory_space<vmem>>
      %dma_wait3A_42 = tpu.memref_slice %arg9[%add3A_12] : memref<10112xf32, #tpu.memory_space<vmem_shared>> -> memref<128xf32, #tpu.memory_space<vmem_shared>>
      %dma_wait3A_43 = tpu.memref_slice %arg9[%add3A_12] : memref<10112xf32, #tpu.memory_space<vmem_shared>> -> memref<128xf32, #tpu.memory_space<vmem_shared>>
      %dma_wait3A_44 = arith.constant 0 : i32
      %dma_wait3A_45 = tpu.memref_slice %arg7[%dma_wait3A_44] : memref<128xf32, #tpu.memory_space<vmem>> -> memref<128xf32, #tpu.memory_space<vmem>>
      tpu.wait_dma2 semaphore(%run_scoped3A : memref<!tpu.dma_semaphore, #tpu.memory_space<semaphore_mem>>) src(%dma_wait3A_45 : memref<128xf32, #tpu.memory_space<vmem>>) dst(%dma_wait3A_43 : memref<128xf32, #tpu.memory_space<vmem_shared>>)
      tpu.yield
    }) : () -> ()
    %mul3A_13 = arith.constant 632 : i32
    %mul3A_14 = arith.muli %arg1, %mul3A_13 : i32
    %add3A_15 = arith.constant 384 : i32
    %add3A_16 = arith.addi %mul3A_14, %add3A_15 : i32
    "tpu.region"() ({
      %run_scoped3A = tpu.sem_alloc : memref<!tpu.dma_semaphore, #tpu.memory_space<semaphore_mem>>
      %dma_start3A = arith.constant 0 : i32
      %dma_start3A_36 = tpu.memref_slice %arg7[%dma_start3A] : memref<128xf32, #tpu.memory_space<vmem>> -> memref<128xf32, #tpu.memory_space<vmem>>
      %dma_start3A_37 = tpu.memref_slice %arg9[%add3A_16] : memref<10112xf32, #tpu.memory_space<vmem_shared>> -> memref<128xf32, #tpu.memory_space<vmem_shared>>
      %dma_start3A_38 = tpu.memref_slice %arg9[%add3A_16] : memref<10112xf32, #tpu.memory_space<vmem_shared>> -> memref<128xf32, #tpu.memory_space<vmem_shared>>
      %dma_start3A_39 = arith.constant 0 : i32
      %dma_start3A_40 = tpu.memref_slice %arg7[%dma_start3A_39] : memref<128xf32, #tpu.memory_space<vmem>> -> memref<128xf32, #tpu.memory_space<vmem>>
      tpu.enqueue_dma source(%dma_start3A_40 : memref<128xf32, #tpu.memory_space<vmem>>) target(%dma_start3A_38 : memref<128xf32, #tpu.memory_space<vmem_shared>>) target_semaphore(%run_scoped3A : memref<!tpu.dma_semaphore, #tpu.memory_space<semaphore_mem>>)
      %dma_wait3A = arith.constant 0 : i32
      %dma_wait3A_41 = tpu.memref_slice %arg7[%dma_wait3A] : memref<128xf32, #tpu.memory_space<vmem>> -> memref<128xf32, #tpu.memory_space<vmem>>
      %dma_wait3A_42 = tpu.memref_slice %arg9[%add3A_16] : memref<10112xf32, #tpu.memory_space<vmem_shared>> -> memref<128xf32, #tpu.memory_space<vmem_shared>>
      %dma_wait3A_43 = tpu.memref_slice %arg9[%add3A_16] : memref<10112xf32, #tpu.memory_space<vmem_shared>> -> memref<128xf32, #tpu.memory_space<vmem_shared>>
      %dma_wait3A_44 = arith.constant 0 : i32
      %dma_wait3A_45 = tpu.memref_slice %arg7[%dma_wait3A_44] : memref<128xf32, #tpu.memory_space<vmem>> -> memref<128xf32, #tpu.memory_space<vmem>>
      tpu.wait_dma2 semaphore(%run_scoped3A : memref<!tpu.dma_semaphore, #tpu.memory_space<semaphore_mem>>) src(%dma_wait3A_45 : memref<128xf32, #tpu.memory_space<vmem>>) dst(%dma_wait3A_43 : memref<128xf32, #tpu.memory_space<vmem_shared>>)
      tpu.yield
    }) : () -> ()
    %mul3A_17 = arith.constant 632 : i32
    %mul3A_18 = arith.muli %arg1, %mul3A_17 : i32
    %add3A_19 = arith.constant 512 : i32
    %add3A_20 = arith.addi %mul3A_18, %add3A_19 : i32
    "tpu.region"() ({
      %run_scoped3A = tpu.sem_alloc : memref<!tpu.dma_semaphore, #tpu.memory_space<semaphore_mem>>
      %dma_start3A = arith.constant 0 : i32
      %dma_start3A_36 = tpu.memref_slice %arg7[%dma_start3A] : memref<128xf32, #tpu.memory_space<vmem>> -> memref<120xf32, #tpu.memory_space<vmem>>
      %dma_start3A_37 = tpu.memref_slice %arg9[%add3A_20] : memref<10112xf32, #tpu.memory_space<vmem_shared>> -> memref<120xf32, #tpu.memory_space<vmem_shared>>
      %dma_start3A_38 = tpu.memref_slice %arg9[%add3A_20] : memref<10112xf32, #tpu.memory_space<vmem_shared>> -> memref<120xf32, #tpu.memory_space<vmem_shared>>
      %dma_start3A_39 = arith.constant 0 : i32
      %dma_start3A_40 = tpu.memref_slice %arg7[%dma_start3A_39] : memref<128xf32, #tpu.memory_space<vmem>> -> memref<120xf32, #tpu.memory_space<vmem>>
      tpu.enqueue_dma source(%dma_start3A_40 : memref<120xf32, #tpu.memory_space<vmem>>) target(%dma_start3A_38 : memref<120xf32, #tpu.memory_space<vmem_shared>>) target_semaphore(%run_scoped3A : memref<!tpu.dma_semaphore, #tpu.memory_space<semaphore_mem>>)
      %dma_wait3A = arith.constant 0 : i32
      %dma_wait3A_41 = tpu.memref_slice %arg7[%dma_wait3A] : memref<128xf32, #tpu.memory_space<vmem>> -> memref<120xf32, #tpu.memory_space<vmem>>
      %dma_wait3A_42 = tpu.memref_slice %arg9[%add3A_20] : memref<10112xf32, #tpu.memory_space<vmem_shared>> -> memref<120xf32, #tpu.memory_space<vmem_shared>>
      %dma_wait3A_43 = tpu.memref_slice %arg9[%add3A_20] : memref<10112xf32, #tpu.memory_space<vmem_shared>> -> memref<120xf32, #tpu.memory_space<vmem_shared>>
      %dma_wait3A_44 = arith.constant 0 : i32
      %dma_wait3A_45 = tpu.memref_slice %arg7[%dma_wait3A_44] : memref<128xf32, #tpu.memory_space<vmem>> -> memref<120xf32, #tpu.memory_space<vmem>>
      tpu.wait_dma2 semaphore(%run_scoped3A : memref<!tpu.dma_semaphore, #tpu.memory_space<semaphore_mem>>) src(%dma_wait3A_45 : memref<120xf32, #tpu.memory_space<vmem>>) dst(%dma_wait3A_43 : memref<120xf32, #tpu.memory_space<vmem_shared>>)
      tpu.yield
    }) : () -> ()
    "tpu.region"() ({
      %run_scoped3A = tpu.sem_alloc : memref<!tpu.dma_semaphore, #tpu.memory_space<semaphore_mem>>
      tpu.enqueue_dma source(%arg4 : memref<128xf32, #tpu.memory_space<hbm>>) target(%arg8 : memref<128xf32, #tpu.memory_space<vmem>>) target_semaphore(%run_scoped3A : memref<!tpu.dma_semaphore, #tpu.memory_space<semaphore_mem>>)
      tpu.wait_dma2 semaphore(%run_scoped3A : memref<!tpu.dma_semaphore, #tpu.memory_space<semaphore_mem>>) src(%arg4 : memref<128xf32, #tpu.memory_space<hbm>>) dst(%arg8 : memref<128xf32, #tpu.memory_space<vmem>>)
      tpu.yield
    }) : () -> ()
    %barrier3A = arith.constant 0 : index
    tpu.barrier barrier_id(%barrier3A)
    %mul3A_21 = arith.constant 10240 : i32
    %mul3A_22 = arith.muli %add3A, %mul3A_21 : i32
    %scan3A = arith.constant 0 : i32
    %scan3A_23 = arith.constant 0 : i32
    %scan3A_24 = arith.constant 80 : i32
    %scan3A_25 = arith.addi %scan3A_23, %scan3A_24 : i32
    %scan3A_26 = arith.constant 1 : i32
    scf.for %scan3A_36 = %scan3A_23 to %scan3A_25 step %scan3A_26  : i32 {
      %mul3A_37 = arith.constant 128 : i32
      %mul3A_38 = arith.muli %scan3A_36, %mul3A_37 : i32
      %add3A_39 = arith.addi %mul3A_22, %mul3A_38 : i32
      "tpu.region"() ({
        %run_scoped3A = tpu.sem_alloc : memref<!tpu.dma_semaphore, #tpu.memory_space<semaphore_mem>>
        %dma_start3A = tpu.memref_slice %arg2[%add3A_39] : memref<327680xi32, #tpu.memory_space<hbm>> -> memref<128xi32, #tpu.memory_space<hbm>>
        %dma_start3A_40 = tpu.memref_slice %arg2[%add3A_39] : memref<327680xi32, #tpu.memory_space<hbm>> -> memref<128xi32, #tpu.memory_space<hbm>>
        tpu.enqueue_dma source(%dma_start3A_40 : memref<128xi32, #tpu.memory_space<hbm>>) target(%arg6 : memref<128xi32, #tpu.memory_space<vmem>>) target_semaphore(%run_scoped3A : memref<!tpu.dma_semaphore, #tpu.memory_space<semaphore_mem>>)
        %dma_wait3A = tpu.memref_slice %arg2[%add3A_39] : memref<327680xi32, #tpu.memory_space<hbm>> -> memref<128xi32, #tpu.memory_space<hbm>>
        %dma_wait3A_41 = tpu.memref_slice %arg2[%add3A_39] : memref<327680xi32, #tpu.memory_space<hbm>> -> memref<128xi32, #tpu.memory_space<hbm>>
        tpu.wait_dma2 semaphore(%run_scoped3A : memref<!tpu.dma_semaphore, #tpu.memory_space<semaphore_mem>>) src(%dma_wait3A_41 : memref<128xi32, #tpu.memory_space<hbm>>) dst(%arg6 : memref<128xi32, #tpu.memory_space<vmem>>)
        tpu.yield
      }) : () -> ()
      "tpu.region"() ({
        %run_scoped3A = tpu.sem_alloc : memref<!tpu.dma_semaphore, #tpu.memory_space<semaphore_mem>>
        %dma_start3A = arith.constant 0 : i32
        %dma_start3A_40 = tpu.memref_slice %arg9[%dma_start3A] : memref<10112xf32, #tpu.memory_space<vmem_shared>> -> memref<10112xf32, #tpu.memory_space<vmem_shared>>
        tpu.enqueue_indirect_dma source(%arg8 : memref<128xf32, #tpu.memory_space<vmem>>) target(%dma_start3A_40 : memref<10112xf32, #tpu.memory_space<vmem_shared>>) offsets(%arg6 : memref<128xi32, #tpu.memory_space<vmem>>) semaphore(%run_scoped3A : memref<!tpu.dma_semaphore, #tpu.memory_space<semaphore_mem>>) {add = true}
        %dma_wait3A = arith.constant 0 : i32
        %dma_wait3A_41 = tpu.memref_slice %arg9[%dma_wait3A] : memref<10112xf32, #tpu.memory_space<vmem_shared>> -> memref<10112xf32, #tpu.memory_space<vmem_shared>>
        tpu.wait_indirect_dma semaphore(%run_scoped3A : memref<!tpu.dma_semaphore, #tpu.memory_space<semaphore_mem>>) src(%arg8 : memref<128xf32, #tpu.memory_space<vmem>>) dst(%dma_wait3A_41 : memref<10112xf32, #tpu.memory_space<vmem_shared>>)
        tpu.yield
      }) : () -> ()
    }
    %scan3A_27 = arith.constant 80 : i32
    %barrier3A_28 = arith.constant 0 : index
    tpu.barrier barrier_id(%barrier3A_28)
    %eq3A = arith.constant 0 : i32
    %eq3A_29 = arith.cmpi eq, %arg0, %eq3A : i32
    %convert_element_type3A = arith.extui %eq3A_29 : i1 to i32
    %cond3A = arith.constant 0 : i32
    %cond3A_30 = arith.cmpi ne, %convert_element_type3A, %cond3A : i32
    scf.if %cond3A_30 {
      %mul3A_36 = arith.constant 632 : i32
      %mul3A_37 = arith.muli %arg1, %mul3A_36 : i32
      %add3A_38 = arith.constant 0 : i32
      %add3A_39 = arith.addi %mul3A_37, %add3A_38 : i32
      "tpu.region"() ({
        %run_scoped3A = tpu.sem_alloc : memref<!tpu.dma_semaphore, #tpu.memory_space<semaphore_mem>>
        %dma_start3A = arith.constant 0 : i32
        %dma_start3A_66 = tpu.memref_slice %arg7[%dma_start3A] : memref<128xf32, #tpu.memory_space<vmem>> -> memref<128xf32, #tpu.memory_space<vmem>>
        %dma_start3A_67 = tpu.memref_slice %arg9[%add3A_39] : memref<10112xf32, #tpu.memory_space<vmem_shared>> -> memref<128xf32, #tpu.memory_space<vmem_shared>>
        %dma_start3A_68 = arith.constant 0 : i32
        %dma_start3A_69 = tpu.memref_slice %arg7[%dma_start3A_68] : memref<128xf32, #tpu.memory_space<vmem>> -> memref<128xf32, #tpu.memory_space<vmem>>
        %dma_start3A_70 = tpu.memref_slice %arg9[%add3A_39] : memref<10112xf32, #tpu.memory_space<vmem_shared>> -> memref<128xf32, #tpu.memory_space<vmem_shared>>
        tpu.enqueue_dma source(%dma_start3A_70 : memref<128xf32, #tpu.memory_space<vmem_shared>>) target(%dma_start3A_69 : memref<128xf32, #tpu.memory_space<vmem>>) target_semaphore(%run_scoped3A : memref<!tpu.dma_semaphore, #tpu.memory_space<semaphore_mem>>)
        %dma_wait3A = arith.constant 0 : i32
        %dma_wait3A_71 = tpu.memref_slice %arg7[%dma_wait3A] : memref<128xf32, #tpu.memory_space<vmem>> -> memref<128xf32, #tpu.memory_space<vmem>>
        %dma_wait3A_72 = tpu.memref_slice %arg9[%add3A_39] : memref<10112xf32, #tpu.memory_space<vmem_shared>> -> memref<128xf32, #tpu.memory_space<vmem_shared>>
        %dma_wait3A_73 = arith.constant 0 : i32
        %dma_wait3A_74 = tpu.memref_slice %arg7[%dma_wait3A_73] : memref<128xf32, #tpu.memory_space<vmem>> -> memref<128xf32, #tpu.memory_space<vmem>>
        %dma_wait3A_75 = tpu.memref_slice %arg9[%add3A_39] : memref<10112xf32, #tpu.memory_space<vmem_shared>> -> memref<128xf32, #tpu.memory_space<vmem_shared>>
        tpu.wait_dma2 semaphore(%run_scoped3A : memref<!tpu.dma_semaphore, #tpu.memory_space<semaphore_mem>>) src(%dma_wait3A_75 : memref<128xf32, #tpu.memory_space<vmem_shared>>) dst(%dma_wait3A_74 : memref<128xf32, #tpu.memory_space<vmem>>)
        tpu.yield
      }) : () -> ()
      %add3A_40 = arith.constant 0 : i32
      %add3A_41 = arith.addi %add3A_40, %add3A_39 : i32
      "tpu.region"() ({
        %run_scoped3A = tpu.sem_alloc : memref<!tpu.dma_semaphore, #tpu.memory_space<semaphore_mem>>
        %dma_start3A = arith.constant 0 : i32
        %dma_start3A_66 = tpu.memref_slice %arg7[%dma_start3A] : memref<128xf32, #tpu.memory_space<vmem>> -> memref<128xf32, #tpu.memory_space<vmem>>
        %dma_start3A_67 = tpu.memref_slice %arg5[%add3A_41] : memref<20224xf32, #tpu.memory_space<hbm>> -> memref<128xf32, #tpu.memory_space<hbm>>
        %dma_start3A_68 = tpu.memref_slice %arg5[%add3A_41] : memref<20224xf32, #tpu.memory_space<hbm>> -> memref<128xf32, #tpu.memory_space<hbm>>
        %dma_start3A_69 = arith.constant 0 : i32
        %dma_start3A_70 = tpu.memref_slice %arg7[%dma_start3A_69] : memref<128xf32, #tpu.memory_space<vmem>> -> memref<128xf32, #tpu.memory_space<vmem>>
        tpu.enqueue_dma source(%dma_start3A_70 : memref<128xf32, #tpu.memory_space<vmem>>) target(%dma_start3A_68 : memref<128xf32, #tpu.memory_space<hbm>>) target_semaphore(%run_scoped3A : memref<!tpu.dma_semaphore, #tpu.memory_space<semaphore_mem>>)
        %dma_wait3A = arith.constant 0 : i32
        %dma_wait3A_71 = tpu.memref_slice %arg7[%dma_wait3A] : memref<128xf32, #tpu.memory_space<vmem>> -> memref<128xf32, #tpu.memory_space<vmem>>
        %dma_wait3A_72 = tpu.memref_slice %arg5[%add3A_41] : memref<20224xf32, #tpu.memory_space<hbm>> -> memref<128xf32, #tpu.memory_space<hbm>>
        %dma_wait3A_73 = tpu.memref_slice %arg5[%add3A_41] : memref<20224xf32, #tpu.memory_space<hbm>> -> memref<128xf32, #tpu.memory_space<hbm>>
        %dma_wait3A_74 = arith.constant 0 : i32
        %dma_wait3A_75 = tpu.memref_slice %arg7[%dma_wait3A_74] : memref<128xf32, #tpu.memory_space<vmem>> -> memref<128xf32, #tpu.memory_space<vmem>>
        tpu.wait_dma2 semaphore(%run_scoped3A : memref<!tpu.dma_semaphore, #tpu.memory_space<semaphore_mem>>) src(%dma_wait3A_75 : memref<128xf32, #tpu.memory_space<vmem>>) dst(%dma_wait3A_73 : memref<128xf32, #tpu.memory_space<hbm>>)
        tpu.yield
      }) : () -> ()
      %mul3A_42 = arith.constant 632 : i32
      %mul3A_43 = arith.muli %arg1, %mul3A_42 : i32
      %add3A_44 = arith.constant 128 : i32
      %add3A_45 = arith.addi %mul3A_43, %add3A_44 : i32
      "tpu.region"() ({
        %run_scoped3A = tpu.sem_alloc : memref<!tpu.dma_semaphore, #tpu.memory_space<semaphore_mem>>
        %dma_start3A = arith.constant 0 : i32
        %dma_start3A_66 = tpu.memref_slice %arg7[%dma_start3A] : memref<128xf32, #tpu.memory_space<vmem>> -> memref<128xf32, #tpu.memory_space<vmem>>
        %dma_start3A_67 = tpu.memref_slice %arg9[%add3A_45] : memref<10112xf32, #tpu.memory_space<vmem_shared>> -> memref<128xf32, #tpu.memory_space<vmem_shared>>
        %dma_start3A_68 = arith.constant 0 : i32
        %dma_start3A_69 = tpu.memref_slice %arg7[%dma_start3A_68] : memref<128xf32, #tpu.memory_space<vmem>> -> memref<128xf32, #tpu.memory_space<vmem>>
        %dma_start3A_70 = tpu.memref_slice %arg9[%add3A_45] : memref<10112xf32, #tpu.memory_space<vmem_shared>> -> memref<128xf32, #tpu.memory_space<vmem_shared>>
        tpu.enqueue_dma source(%dma_start3A_70 : memref<128xf32, #tpu.memory_space<vmem_shared>>) target(%dma_start3A_69 : memref<128xf32, #tpu.memory_space<vmem>>) target_semaphore(%run_scoped3A : memref<!tpu.dma_semaphore, #tpu.memory_space<semaphore_mem>>)
        %dma_wait3A = arith.constant 0 : i32
        %dma_wait3A_71 = tpu.memref_slice %arg7[%dma_wait3A] : memref<128xf32, #tpu.memory_space<vmem>> -> memref<128xf32, #tpu.memory_space<vmem>>
        %dma_wait3A_72 = tpu.memref_slice %arg9[%add3A_45] : memref<10112xf32, #tpu.memory_space<vmem_shared>> -> memref<128xf32, #tpu.memory_space<vmem_shared>>
        %dma_wait3A_73 = arith.constant 0 : i32
        %dma_wait3A_74 = tpu.memref_slice %arg7[%dma_wait3A_73] : memref<128xf32, #tpu.memory_space<vmem>> -> memref<128xf32, #tpu.memory_space<vmem>>
        %dma_wait3A_75 = tpu.memref_slice %arg9[%add3A_45] : memref<10112xf32, #tpu.memory_space<vmem_shared>> -> memref<128xf32, #tpu.memory_space<vmem_shared>>
        tpu.wait_dma2 semaphore(%run_scoped3A : memref<!tpu.dma_semaphore, #tpu.memory_space<semaphore_mem>>) src(%dma_wait3A_75 : memref<128xf32, #tpu.memory_space<vmem_shared>>) dst(%dma_wait3A_74 : memref<128xf32, #tpu.memory_space<vmem>>)
        tpu.yield
      }) : () -> ()
      %add3A_46 = arith.constant 0 : i32
      %add3A_47 = arith.addi %add3A_46, %add3A_45 : i32
      "tpu.region"() ({
        %run_scoped3A = tpu.sem_alloc : memref<!tpu.dma_semaphore, #tpu.memory_space<semaphore_mem>>
        %dma_start3A = arith.constant 0 : i32
        %dma_start3A_66 = tpu.memref_slice %arg7[%dma_start3A] : memref<128xf32, #tpu.memory_space<vmem>> -> memref<128xf32, #tpu.memory_space<vmem>>
        %dma_start3A_67 = tpu.memref_slice %arg5[%add3A_47] : memref<20224xf32, #tpu.memory_space<hbm>> -> memref<128xf32, #tpu.memory_space<hbm>>
        %dma_start3A_68 = tpu.memref_slice %arg5[%add3A_47] : memref<20224xf32, #tpu.memory_space<hbm>> -> memref<128xf32, #tpu.memory_space<hbm>>
        %dma_start3A_69 = arith.constant 0 : i32
        %dma_start3A_70 = tpu.memref_slice %arg7[%dma_start3A_69] : memref<128xf32, #tpu.memory_space<vmem>> -> memref<128xf32, #tpu.memory_space<vmem>>
        tpu.enqueue_dma source(%dma_start3A_70 : memref<128xf32, #tpu.memory_space<vmem>>) target(%dma_start3A_68 : memref<128xf32, #tpu.memory_space<hbm>>) target_semaphore(%run_scoped3A : memref<!tpu.dma_semaphore, #tpu.memory_space<semaphore_mem>>)
        %dma_wait3A = arith.constant 0 : i32
        %dma_wait3A_71 = tpu.memref_slice %arg7[%dma_wait3A] : memref<128xf32, #tpu.memory_space<vmem>> -> memref<128xf32, #tpu.memory_space<vmem>>
        %dma_wait3A_72 = tpu.memref_slice %arg5[%add3A_47] : memref<20224xf32, #tpu.memory_space<hbm>> -> memref<128xf32, #tpu.memory_space<hbm>>
        %dma_wait3A_73 = tpu.memref_slice %arg5[%add3A_47] : memref<20224xf32, #tpu.memory_space<hbm>> -> memref<128xf32, #tpu.memory_space<hbm>>
        %dma_wait3A_74 = arith.constant 0 : i32
        %dma_wait3A_75 = tpu.memref_slice %arg7[%dma_wait3A_74] : memref<128xf32, #tpu.memory_space<vmem>> -> memref<128xf32, #tpu.memory_space<vmem>>
        tpu.wait_dma2 semaphore(%run_scoped3A : memref<!tpu.dma_semaphore, #tpu.memory_space<semaphore_mem>>) src(%dma_wait3A_75 : memref<128xf32, #tpu.memory_space<vmem>>) dst(%dma_wait3A_73 : memref<128xf32, #tpu.memory_space<hbm>>)
        tpu.yield
      }) : () -> ()
      %mul3A_48 = arith.constant 632 : i32
      %mul3A_49 = arith.muli %arg1, %mul3A_48 : i32
      %add3A_50 = arith.constant 256 : i32
      %add3A_51 = arith.addi %mul3A_49, %add3A_50 : i32
      "tpu.region"() ({
        %run_scoped3A = tpu.sem_alloc : memref<!tpu.dma_semaphore, #tpu.memory_space<semaphore_mem>>
        %dma_start3A = arith.constant 0 : i32
        %dma_start3A_66 = tpu.memref_slice %arg7[%dma_start3A] : memref<128xf32, #tpu.memory_space<vmem>> -> memref<128xf32, #tpu.memory_space<vmem>>
        %dma_start3A_67 = tpu.memref_slice %arg9[%add3A_51] : memref<10112xf32, #tpu.memory_space<vmem_shared>> -> memref<128xf32, #tpu.memory_space<vmem_shared>>
        %dma_start3A_68 = arith.constant 0 : i32
        %dma_start3A_69 = tpu.memref_slice %arg7[%dma_start3A_68] : memref<128xf32, #tpu.memory_space<vmem>> -> memref<128xf32, #tpu.memory_space<vmem>>
        %dma_start3A_70 = tpu.memref_slice %arg9[%add3A_51] : memref<10112xf32, #tpu.memory_space<vmem_shared>> -> memref<128xf32, #tpu.memory_space<vmem_shared>>
        tpu.enqueue_dma source(%dma_start3A_70 : memref<128xf32, #tpu.memory_space<vmem_shared>>) target(%dma_start3A_69 : memref<128xf32, #tpu.memory_space<vmem>>) target_semaphore(%run_scoped3A : memref<!tpu.dma_semaphore, #tpu.memory_space<semaphore_mem>>)
        %dma_wait3A = arith.constant 0 : i32
        %dma_wait3A_71 = tpu.memref_slice %arg7[%dma_wait3A] : memref<128xf32, #tpu.memory_space<vmem>> -> memref<128xf32, #tpu.memory_space<vmem>>
        %dma_wait3A_72 = tpu.memref_slice %arg9[%add3A_51] : memref<10112xf32, #tpu.memory_space<vmem_shared>> -> memref<128xf32, #tpu.memory_space<vmem_shared>>
        %dma_wait3A_73 = arith.constant 0 : i32
        %dma_wait3A_74 = tpu.memref_slice %arg7[%dma_wait3A_73] : memref<128xf32, #tpu.memory_space<vmem>> -> memref<128xf32, #tpu.memory_space<vmem>>
        %dma_wait3A_75 = tpu.memref_slice %arg9[%add3A_51] : memref<10112xf32, #tpu.memory_space<vmem_shared>> -> memref<128xf32, #tpu.memory_space<vmem_shared>>
        tpu.wait_dma2 semaphore(%run_scoped3A : memref<!tpu.dma_semaphore, #tpu.memory_space<semaphore_mem>>) src(%dma_wait3A_75 : memref<128xf32, #tpu.memory_space<vmem_shared>>) dst(%dma_wait3A_74 : memref<128xf32, #tpu.memory_space<vmem>>)
        tpu.yield
      }) : () -> ()
      %add3A_52 = arith.constant 0 : i32
      %add3A_53 = arith.addi %add3A_52, %add3A_51 : i32
      "tpu.region"() ({
        %run_scoped3A = tpu.sem_alloc : memref<!tpu.dma_semaphore, #tpu.memory_space<semaphore_mem>>
        %dma_start3A = arith.constant 0 : i32
        %dma_start3A_66 = tpu.memref_slice %arg7[%dma_start3A] : memref<128xf32, #tpu.memory_space<vmem>> -> memref<128xf32, #tpu.memory_space<vmem>>
        %dma_start3A_67 = tpu.memref_slice %arg5[%add3A_53] : memref<20224xf32, #tpu.memory_space<hbm>> -> memref<128xf32, #tpu.memory_space<hbm>>
        %dma_start3A_68 = tpu.memref_slice %arg5[%add3A_53] : memref<20224xf32, #tpu.memory_space<hbm>> -> memref<128xf32, #tpu.memory_space<hbm>>
        %dma_start3A_69 = arith.constant 0 : i32
        %dma_start3A_70 = tpu.memref_slice %arg7[%dma_start3A_69] : memref<128xf32, #tpu.memory_space<vmem>> -> memref<128xf32, #tpu.memory_space<vmem>>
        tpu.enqueue_dma source(%dma_start3A_70 : memref<128xf32, #tpu.memory_space<vmem>>) target(%dma_start3A_68 : memref<128xf32, #tpu.memory_space<hbm>>) target_semaphore(%run_scoped3A : memref<!tpu.dma_semaphore, #tpu.memory_space<semaphore_mem>>)
        %dma_wait3A = arith.constant 0 : i32
        %dma_wait3A_71 = tpu.memref_slice %arg7[%dma_wait3A] : memref<128xf32, #tpu.memory_space<vmem>> -> memref<128xf32, #tpu.memory_space<vmem>>
        %dma_wait3A_72 = tpu.memref_slice %arg5[%add3A_53] : memref<20224xf32, #tpu.memory_space<hbm>> -> memref<128xf32, #tpu.memory_space<hbm>>
        %dma_wait3A_73 = tpu.memref_slice %arg5[%add3A_53] : memref<20224xf32, #tpu.memory_space<hbm>> -> memref<128xf32, #tpu.memory_space<hbm>>
        %dma_wait3A_74 = arith.constant 0 : i32
        %dma_wait3A_75 = tpu.memref_slice %arg7[%dma_wait3A_74] : memref<128xf32, #tpu.memory_space<vmem>> -> memref<128xf32, #tpu.memory_space<vmem>>
        tpu.wait_dma2 semaphore(%run_scoped3A : memref<!tpu.dma_semaphore, #tpu.memory_space<semaphore_mem>>) src(%dma_wait3A_75 : memref<128xf32, #tpu.memory_space<vmem>>) dst(%dma_wait3A_73 : memref<128xf32, #tpu.memory_space<hbm>>)
        tpu.yield
      }) : () -> ()
      %mul3A_54 = arith.constant 632 : i32
      %mul3A_55 = arith.muli %arg1, %mul3A_54 : i32
      %add3A_56 = arith.constant 384 : i32
      %add3A_57 = arith.addi %mul3A_55, %add3A_56 : i32
      "tpu.region"() ({
        %run_scoped3A = tpu.sem_alloc : memref<!tpu.dma_semaphore, #tpu.memory_space<semaphore_mem>>
        %dma_start3A = arith.constant 0 : i32
        %dma_start3A_66 = tpu.memref_slice %arg7[%dma_start3A] : memref<128xf32, #tpu.memory_space<vmem>> -> memref<128xf32, #tpu.memory_space<vmem>>
        %dma_start3A_67 = tpu.memref_slice %arg9[%add3A_57] : memref<10112xf32, #tpu.memory_space<vmem_shared>> -> memref<128xf32, #tpu.memory_space<vmem_shared>>
        %dma_start3A_68 = arith.constant 0 : i32
        %dma_start3A_69 = tpu.memref_slice %arg7[%dma_start3A_68] : memref<128xf32, #tpu.memory_space<vmem>> -> memref<128xf32, #tpu.memory_space<vmem>>
        %dma_start3A_70 = tpu.memref_slice %arg9[%add3A_57] : memref<10112xf32, #tpu.memory_space<vmem_shared>> -> memref<128xf32, #tpu.memory_space<vmem_shared>>
        tpu.enqueue_dma source(%dma_start3A_70 : memref<128xf32, #tpu.memory_space<vmem_shared>>) target(%dma_start3A_69 : memref<128xf32, #tpu.memory_space<vmem>>) target_semaphore(%run_scoped3A : memref<!tpu.dma_semaphore, #tpu.memory_space<semaphore_mem>>)
        %dma_wait3A = arith.constant 0 : i32
        %dma_wait3A_71 = tpu.memref_slice %arg7[%dma_wait3A] : memref<128xf32, #tpu.memory_space<vmem>> -> memref<128xf32, #tpu.memory_space<vmem>>
        %dma_wait3A_72 = tpu.memref_slice %arg9[%add3A_57] : memref<10112xf32, #tpu.memory_space<vmem_shared>> -> memref<128xf32, #tpu.memory_space<vmem_shared>>
        %dma_wait3A_73 = arith.constant 0 : i32
        %dma_wait3A_74 = tpu.memref_slice %arg7[%dma_wait3A_73] : memref<128xf32, #tpu.memory_space<vmem>> -> memref<128xf32, #tpu.memory_space<vmem>>
        %dma_wait3A_75 = tpu.memref_slice %arg9[%add3A_57] : memref<10112xf32, #tpu.memory_space<vmem_shared>> -> memref<128xf32, #tpu.memory_space<vmem_shared>>
        tpu.wait_dma2 semaphore(%run_scoped3A : memref<!tpu.dma_semaphore, #tpu.memory_space<semaphore_mem>>) src(%dma_wait3A_75 : memref<128xf32, #tpu.memory_space<vmem_shared>>) dst(%dma_wait3A_74 : memref<128xf32, #tpu.memory_space<vmem>>)
        tpu.yield
      }) : () -> ()
      %add3A_58 = arith.constant 0 : i32
      %add3A_59 = arith.addi %add3A_58, %add3A_57 : i32
      "tpu.region"() ({
        %run_scoped3A = tpu.sem_alloc : memref<!tpu.dma_semaphore, #tpu.memory_space<semaphore_mem>>
        %dma_start3A = arith.constant 0 : i32
        %dma_start3A_66 = tpu.memref_slice %arg7[%dma_start3A] : memref<128xf32, #tpu.memory_space<vmem>> -> memref<128xf32, #tpu.memory_space<vmem>>
        %dma_start3A_67 = tpu.memref_slice %arg5[%add3A_59] : memref<20224xf32, #tpu.memory_space<hbm>> -> memref<128xf32, #tpu.memory_space<hbm>>
        %dma_start3A_68 = tpu.memref_slice %arg5[%add3A_59] : memref<20224xf32, #tpu.memory_space<hbm>> -> memref<128xf32, #tpu.memory_space<hbm>>
        %dma_start3A_69 = arith.constant 0 : i32
        %dma_start3A_70 = tpu.memref_slice %arg7[%dma_start3A_69] : memref<128xf32, #tpu.memory_space<vmem>> -> memref<128xf32, #tpu.memory_space<vmem>>
        tpu.enqueue_dma source(%dma_start3A_70 : memref<128xf32, #tpu.memory_space<vmem>>) target(%dma_start3A_68 : memref<128xf32, #tpu.memory_space<hbm>>) target_semaphore(%run_scoped3A : memref<!tpu.dma_semaphore, #tpu.memory_space<semaphore_mem>>)
        %dma_wait3A = arith.constant 0 : i32
        %dma_wait3A_71 = tpu.memref_slice %arg7[%dma_wait3A] : memref<128xf32, #tpu.memory_space<vmem>> -> memref<128xf32, #tpu.memory_space<vmem>>
        %dma_wait3A_72 = tpu.memref_slice %arg5[%add3A_59] : memref<20224xf32, #tpu.memory_space<hbm>> -> memref<128xf32, #tpu.memory_space<hbm>>
        %dma_wait3A_73 = tpu.memref_slice %arg5[%add3A_59] : memref<20224xf32, #tpu.memory_space<hbm>> -> memref<128xf32, #tpu.memory_space<hbm>>
        %dma_wait3A_74 = arith.constant 0 : i32
        %dma_wait3A_75 = tpu.memref_slice %arg7[%dma_wait3A_74] : memref<128xf32, #tpu.memory_space<vmem>> -> memref<128xf32, #tpu.memory_space<vmem>>
        tpu.wait_dma2 semaphore(%run_scoped3A : memref<!tpu.dma_semaphore, #tpu.memory_space<semaphore_mem>>) src(%dma_wait3A_75 : memref<128xf32, #tpu.memory_space<vmem>>) dst(%dma_wait3A_73 : memref<128xf32, #tpu.memory_space<hbm>>)
        tpu.yield
      }) : () -> ()
      %mul3A_60 = arith.constant 632 : i32
      %mul3A_61 = arith.muli %arg1, %mul3A_60 : i32
      %add3A_62 = arith.constant 512 : i32
      %add3A_63 = arith.addi %mul3A_61, %add3A_62 : i32
      "tpu.region"() ({
        %run_scoped3A = tpu.sem_alloc : memref<!tpu.dma_semaphore, #tpu.memory_space<semaphore_mem>>
        %dma_start3A = arith.constant 0 : i32
        %dma_start3A_66 = tpu.memref_slice %arg7[%dma_start3A] : memref<128xf32, #tpu.memory_space<vmem>> -> memref<120xf32, #tpu.memory_space<vmem>>
        %dma_start3A_67 = tpu.memref_slice %arg9[%add3A_63] : memref<10112xf32, #tpu.memory_space<vmem_shared>> -> memref<120xf32, #tpu.memory_space<vmem_shared>>
        %dma_start3A_68 = arith.constant 0 : i32
        %dma_start3A_69 = tpu.memref_slice %arg7[%dma_start3A_68] : memref<128xf32, #tpu.memory_space<vmem>> -> memref<120xf32, #tpu.memory_space<vmem>>
        %dma_start3A_70 = tpu.memref_slice %arg9[%add3A_63] : memref<10112xf32, #tpu.memory_space<vmem_shared>> -> memref<120xf32, #tpu.memory_space<vmem_shared>>
        tpu.enqueue_dma source(%dma_start3A_70 : memref<120xf32, #tpu.memory_space<vmem_shared>>) target(%dma_start3A_69 : memref<120xf32, #tpu.memory_space<vmem>>) target_semaphore(%run_scoped3A : memref<!tpu.dma_semaphore, #tpu.memory_space<semaphore_mem>>)
        %dma_wait3A = arith.constant 0 : i32
        %dma_wait3A_71 = tpu.memref_slice %arg7[%dma_wait3A] : memref<128xf32, #tpu.memory_space<vmem>> -> memref<120xf32, #tpu.memory_space<vmem>>
        %dma_wait3A_72 = tpu.memref_slice %arg9[%add3A_63] : memref<10112xf32, #tpu.memory_space<vmem_shared>> -> memref<120xf32, #tpu.memory_space<vmem_shared>>
        %dma_wait3A_73 = arith.constant 0 : i32
        %dma_wait3A_74 = tpu.memref_slice %arg7[%dma_wait3A_73] : memref<128xf32, #tpu.memory_space<vmem>> -> memref<120xf32, #tpu.memory_space<vmem>>
        %dma_wait3A_75 = tpu.memref_slice %arg9[%add3A_63] : memref<10112xf32, #tpu.memory_space<vmem_shared>> -> memref<120xf32, #tpu.memory_space<vmem_shared>>
        tpu.wait_dma2 semaphore(%run_scoped3A : memref<!tpu.dma_semaphore, #tpu.memory_space<semaphore_mem>>) src(%dma_wait3A_75 : memref<120xf32, #tpu.memory_space<vmem_shared>>) dst(%dma_wait3A_74 : memref<120xf32, #tpu.memory_space<vmem>>)
        tpu.yield
      }) : () -> ()
      %add3A_64 = arith.constant 0 : i32
      %add3A_65 = arith.addi %add3A_64, %add3A_63 : i32
      "tpu.region"() ({
        %run_scoped3A = tpu.sem_alloc : memref<!tpu.dma_semaphore, #tpu.memory_space<semaphore_mem>>
        %dma_start3A = arith.constant 0 : i32
        %dma_start3A_66 = tpu.memref_slice %arg7[%dma_start3A] : memref<128xf32, #tpu.memory_space<vmem>> -> memref<120xf32, #tpu.memory_space<vmem>>
        %dma_start3A_67 = tpu.memref_slice %arg5[%add3A_65] : memref<20224xf32, #tpu.memory_space<hbm>> -> memref<120xf32, #tpu.memory_space<hbm>>
        %dma_start3A_68 = tpu.memref_slice %arg5[%add3A_65] : memref<20224xf32, #tpu.memory_space<hbm>> -> memref<120xf32, #tpu.memory_space<hbm>>
        %dma_start3A_69 = arith.constant 0 : i32
        %dma_start3A_70 = tpu.memref_slice %arg7[%dma_start3A_69] : memref<128xf32, #tpu.memory_space<vmem>> -> memref<120xf32, #tpu.memory_space<vmem>>
        tpu.enqueue_dma source(%dma_start3A_70 : memref<120xf32, #tpu.memory_space<vmem>>) target(%dma_start3A_68 : memref<120xf32, #tpu.memory_space<hbm>>) target_semaphore(%run_scoped3A : memref<!tpu.dma_semaphore, #tpu.memory_space<semaphore_mem>>)
        %dma_wait3A = arith.constant 0 : i32
        %dma_wait3A_71 = tpu.memref_slice %arg7[%dma_wait3A] : memref<128xf32, #tpu.memory_space<vmem>> -> memref<120xf32, #tpu.memory_space<vmem>>
        %dma_wait3A_72 = tpu.memref_slice %arg5[%add3A_65] : memref<20224xf32, #tpu.memory_space<hbm>> -> memref<120xf32, #tpu.memory_space<hbm>>
        %dma_wait3A_73 = tpu.memref_slice %arg5[%add3A_65] : memref<20224xf32, #tpu.memory_space<hbm>> -> memref<120xf32, #tpu.memory_space<hbm>>
        %dma_wait3A_74 = arith.constant 0 : i32
        %dma_wait3A_75 = tpu.memref_slice %arg7[%dma_wait3A_74] : memref<128xf32, #tpu.memory_space<vmem>> -> memref<120xf32, #tpu.memory_space<vmem>>
        tpu.wait_dma2 semaphore(%run_scoped3A : memref<!tpu.dma_semaphore, #tpu.memory_space<semaphore_mem>>) src(%dma_wait3A_75 : memref<120xf32, #tpu.memory_space<vmem>>) dst(%dma_wait3A_73 : memref<120xf32, #tpu.memory_space<hbm>>)
        tpu.yield
      }) : () -> ()
    } else {
    }
    %eq3A_31 = arith.constant 1 : i32
    %eq3A_32 = arith.cmpi eq, %arg0, %eq3A_31 : i32
    %convert_element_type3A_33 = arith.extui %eq3A_32 : i1 to i32
    %cond3A_34 = arith.constant 0 : i32
    %cond3A_35 = arith.cmpi ne, %convert_element_type3A_33, %cond3A_34 : i32
    scf.if %cond3A_35 {
      %mul3A_36 = arith.constant 632 : i32
      %mul3A_37 = arith.muli %arg1, %mul3A_36 : i32
      %add3A_38 = arith.constant 0 : i32
      %add3A_39 = arith.addi %mul3A_37, %add3A_38 : i32
      "tpu.region"() ({
        %run_scoped3A = tpu.sem_alloc : memref<!tpu.dma_semaphore, #tpu.memory_space<semaphore_mem>>
        %dma_start3A = arith.constant 0 : i32
        %dma_start3A_66 = tpu.memref_slice %arg7[%dma_start3A] : memref<128xf32, #tpu.memory_space<vmem>> -> memref<128xf32, #tpu.memory_space<vmem>>
        %dma_start3A_67 = tpu.memref_slice %arg9[%add3A_39] : memref<10112xf32, #tpu.memory_space<vmem_shared>> -> memref<128xf32, #tpu.memory_space<vmem_shared>>
        %dma_start3A_68 = arith.constant 0 : i32
        %dma_start3A_69 = tpu.memref_slice %arg7[%dma_start3A_68] : memref<128xf32, #tpu.memory_space<vmem>> -> memref<128xf32, #tpu.memory_space<vmem>>
        %dma_start3A_70 = tpu.memref_slice %arg9[%add3A_39] : memref<10112xf32, #tpu.memory_space<vmem_shared>> -> memref<128xf32, #tpu.memory_space<vmem_shared>>
        tpu.enqueue_dma source(%dma_start3A_70 : memref<128xf32, #tpu.memory_space<vmem_shared>>) target(%dma_start3A_69 : memref<128xf32, #tpu.memory_space<vmem>>) target_semaphore(%run_scoped3A : memref<!tpu.dma_semaphore, #tpu.memory_space<semaphore_mem>>)
        %dma_wait3A = arith.constant 0 : i32
        %dma_wait3A_71 = tpu.memref_slice %arg7[%dma_wait3A] : memref<128xf32, #tpu.memory_space<vmem>> -> memref<128xf32, #tpu.memory_space<vmem>>
        %dma_wait3A_72 = tpu.memref_slice %arg9[%add3A_39] : memref<10112xf32, #tpu.memory_space<vmem_shared>> -> memref<128xf32, #tpu.memory_space<vmem_shared>>
        %dma_wait3A_73 = arith.constant 0 : i32
        %dma_wait3A_74 = tpu.memref_slice %arg7[%dma_wait3A_73] : memref<128xf32, #tpu.memory_space<vmem>> -> memref<128xf32, #tpu.memory_space<vmem>>
        %dma_wait3A_75 = tpu.memref_slice %arg9[%add3A_39] : memref<10112xf32, #tpu.memory_space<vmem_shared>> -> memref<128xf32, #tpu.memory_space<vmem_shared>>
        tpu.wait_dma2 semaphore(%run_scoped3A : memref<!tpu.dma_semaphore, #tpu.memory_space<semaphore_mem>>) src(%dma_wait3A_75 : memref<128xf32, #tpu.memory_space<vmem_shared>>) dst(%dma_wait3A_74 : memref<128xf32, #tpu.memory_space<vmem>>)
        tpu.yield
      }) : () -> ()
      %add3A_40 = arith.constant 10112 : i32
      %add3A_41 = arith.addi %add3A_40, %add3A_39 : i32
      "tpu.region"() ({
        %run_scoped3A = tpu.sem_alloc : memref<!tpu.dma_semaphore, #tpu.memory_space<semaphore_mem>>
        %dma_start3A = arith.constant 0 : i32
        %dma_start3A_66 = tpu.memref_slice %arg7[%dma_start3A] : memref<128xf32, #tpu.memory_space<vmem>> -> memref<128xf32, #tpu.memory_space<vmem>>
        %dma_start3A_67 = tpu.memref_slice %arg5[%add3A_41] : memref<20224xf32, #tpu.memory_space<hbm>> -> memref<128xf32, #tpu.memory_space<hbm>>
        %dma_start3A_68 = tpu.memref_slice %arg5[%add3A_41] : memref<20224xf32, #tpu.memory_space<hbm>> -> memref<128xf32, #tpu.memory_space<hbm>>
        %dma_start3A_69 = arith.constant 0 : i32
        %dma_start3A_70 = tpu.memref_slice %arg7[%dma_start3A_69] : memref<128xf32, #tpu.memory_space<vmem>> -> memref<128xf32, #tpu.memory_space<vmem>>
        tpu.enqueue_dma source(%dma_start3A_70 : memref<128xf32, #tpu.memory_space<vmem>>) target(%dma_start3A_68 : memref<128xf32, #tpu.memory_space<hbm>>) target_semaphore(%run_scoped3A : memref<!tpu.dma_semaphore, #tpu.memory_space<semaphore_mem>>)
        %dma_wait3A = arith.constant 0 : i32
        %dma_wait3A_71 = tpu.memref_slice %arg7[%dma_wait3A] : memref<128xf32, #tpu.memory_space<vmem>> -> memref<128xf32, #tpu.memory_space<vmem>>
        %dma_wait3A_72 = tpu.memref_slice %arg5[%add3A_41] : memref<20224xf32, #tpu.memory_space<hbm>> -> memref<128xf32, #tpu.memory_space<hbm>>
        %dma_wait3A_73 = tpu.memref_slice %arg5[%add3A_41] : memref<20224xf32, #tpu.memory_space<hbm>> -> memref<128xf32, #tpu.memory_space<hbm>>
        %dma_wait3A_74 = arith.constant 0 : i32
        %dma_wait3A_75 = tpu.memref_slice %arg7[%dma_wait3A_74] : memref<128xf32, #tpu.memory_space<vmem>> -> memref<128xf32, #tpu.memory_space<vmem>>
        tpu.wait_dma2 semaphore(%run_scoped3A : memref<!tpu.dma_semaphore, #tpu.memory_space<semaphore_mem>>) src(%dma_wait3A_75 : memref<128xf32, #tpu.memory_space<vmem>>) dst(%dma_wait3A_73 : memref<128xf32, #tpu.memory_space<hbm>>)
        tpu.yield
      }) : () -> ()
      %mul3A_42 = arith.constant 632 : i32
      %mul3A_43 = arith.muli %arg1, %mul3A_42 : i32
      %add3A_44 = arith.constant 128 : i32
      %add3A_45 = arith.addi %mul3A_43, %add3A_44 : i32
      "tpu.region"() ({
        %run_scoped3A = tpu.sem_alloc : memref<!tpu.dma_semaphore, #tpu.memory_space<semaphore_mem>>
        %dma_start3A = arith.constant 0 : i32
        %dma_start3A_66 = tpu.memref_slice %arg7[%dma_start3A] : memref<128xf32, #tpu.memory_space<vmem>> -> memref<128xf32, #tpu.memory_space<vmem>>
        %dma_start3A_67 = tpu.memref_slice %arg9[%add3A_45] : memref<10112xf32, #tpu.memory_space<vmem_shared>> -> memref<128xf32, #tpu.memory_space<vmem_shared>>
        %dma_start3A_68 = arith.constant 0 : i32
        %dma_start3A_69 = tpu.memref_slice %arg7[%dma_start3A_68] : memref<128xf32, #tpu.memory_space<vmem>> -> memref<128xf32, #tpu.memory_space<vmem>>
        %dma_start3A_70 = tpu.memref_slice %arg9[%add3A_45] : memref<10112xf32, #tpu.memory_space<vmem_shared>> -> memref<128xf32, #tpu.memory_space<vmem_shared>>
        tpu.enqueue_dma source(%dma_start3A_70 : memref<128xf32, #tpu.memory_space<vmem_shared>>) target(%dma_start3A_69 : memref<128xf32, #tpu.memory_space<vmem>>) target_semaphore(%run_scoped3A : memref<!tpu.dma_semaphore, #tpu.memory_space<semaphore_mem>>)
        %dma_wait3A = arith.constant 0 : i32
        %dma_wait3A_71 = tpu.memref_slice %arg7[%dma_wait3A] : memref<128xf32, #tpu.memory_space<vmem>> -> memref<128xf32, #tpu.memory_space<vmem>>
        %dma_wait3A_72 = tpu.memref_slice %arg9[%add3A_45] : memref<10112xf32, #tpu.memory_space<vmem_shared>> -> memref<128xf32, #tpu.memory_space<vmem_shared>>
        %dma_wait3A_73 = arith.constant 0 : i32
        %dma_wait3A_74 = tpu.memref_slice %arg7[%dma_wait3A_73] : memref<128xf32, #tpu.memory_space<vmem>> -> memref<128xf32, #tpu.memory_space<vmem>>
        %dma_wait3A_75 = tpu.memref_slice %arg9[%add3A_45] : memref<10112xf32, #tpu.memory_space<vmem_shared>> -> memref<128xf32, #tpu.memory_space<vmem_shared>>
        tpu.wait_dma2 semaphore(%run_scoped3A : memref<!tpu.dma_semaphore, #tpu.memory_space<semaphore_mem>>) src(%dma_wait3A_75 : memref<128xf32, #tpu.memory_space<vmem_shared>>) dst(%dma_wait3A_74 : memref<128xf32, #tpu.memory_space<vmem>>)
        tpu.yield
      }) : () -> ()
      %add3A_46 = arith.constant 10112 : i32
      %add3A_47 = arith.addi %add3A_46, %add3A_45 : i32
      "tpu.region"() ({
        %run_scoped3A = tpu.sem_alloc : memref<!tpu.dma_semaphore, #tpu.memory_space<semaphore_mem>>
        %dma_start3A = arith.constant 0 : i32
        %dma_start3A_66 = tpu.memref_slice %arg7[%dma_start3A] : memref<128xf32, #tpu.memory_space<vmem>> -> memref<128xf32, #tpu.memory_space<vmem>>
        %dma_start3A_67 = tpu.memref_slice %arg5[%add3A_47] : memref<20224xf32, #tpu.memory_space<hbm>> -> memref<128xf32, #tpu.memory_space<hbm>>
        %dma_start3A_68 = tpu.memref_slice %arg5[%add3A_47] : memref<20224xf32, #tpu.memory_space<hbm>> -> memref<128xf32, #tpu.memory_space<hbm>>
        %dma_start3A_69 = arith.constant 0 : i32
        %dma_start3A_70 = tpu.memref_slice %arg7[%dma_start3A_69] : memref<128xf32, #tpu.memory_space<vmem>> -> memref<128xf32, #tpu.memory_space<vmem>>
        tpu.enqueue_dma source(%dma_start3A_70 : memref<128xf32, #tpu.memory_space<vmem>>) target(%dma_start3A_68 : memref<128xf32, #tpu.memory_space<hbm>>) target_semaphore(%run_scoped3A : memref<!tpu.dma_semaphore, #tpu.memory_space<semaphore_mem>>)
        %dma_wait3A = arith.constant 0 : i32
        %dma_wait3A_71 = tpu.memref_slice %arg7[%dma_wait3A] : memref<128xf32, #tpu.memory_space<vmem>> -> memref<128xf32, #tpu.memory_space<vmem>>
        %dma_wait3A_72 = tpu.memref_slice %arg5[%add3A_47] : memref<20224xf32, #tpu.memory_space<hbm>> -> memref<128xf32, #tpu.memory_space<hbm>>
        %dma_wait3A_73 = tpu.memref_slice %arg5[%add3A_47] : memref<20224xf32, #tpu.memory_space<hbm>> -> memref<128xf32, #tpu.memory_space<hbm>>
        %dma_wait3A_74 = arith.constant 0 : i32
        %dma_wait3A_75 = tpu.memref_slice %arg7[%dma_wait3A_74] : memref<128xf32, #tpu.memory_space<vmem>> -> memref<128xf32, #tpu.memory_space<vmem>>
        tpu.wait_dma2 semaphore(%run_scoped3A : memref<!tpu.dma_semaphore, #tpu.memory_space<semaphore_mem>>) src(%dma_wait3A_75 : memref<128xf32, #tpu.memory_space<vmem>>) dst(%dma_wait3A_73 : memref<128xf32, #tpu.memory_space<hbm>>)
        tpu.yield
      }) : () -> ()
      %mul3A_48 = arith.constant 632 : i32
      %mul3A_49 = arith.muli %arg1, %mul3A_48 : i32
      %add3A_50 = arith.constant 256 : i32
      %add3A_51 = arith.addi %mul3A_49, %add3A_50 : i32
      "tpu.region"() ({
        %run_scoped3A = tpu.sem_alloc : memref<!tpu.dma_semaphore, #tpu.memory_space<semaphore_mem>>
        %dma_start3A = arith.constant 0 : i32
        %dma_start3A_66 = tpu.memref_slice %arg7[%dma_start3A] : memref<128xf32, #tpu.memory_space<vmem>> -> memref<128xf32, #tpu.memory_space<vmem>>
        %dma_start3A_67 = tpu.memref_slice %arg9[%add3A_51] : memref<10112xf32, #tpu.memory_space<vmem_shared>> -> memref<128xf32, #tpu.memory_space<vmem_shared>>
        %dma_start3A_68 = arith.constant 0 : i32
        %dma_start3A_69 = tpu.memref_slice %arg7[%dma_start3A_68] : memref<128xf32, #tpu.memory_space<vmem>> -> memref<128xf32, #tpu.memory_space<vmem>>
        %dma_start3A_70 = tpu.memref_slice %arg9[%add3A_51] : memref<10112xf32, #tpu.memory_space<vmem_shared>> -> memref<128xf32, #tpu.memory_space<vmem_shared>>
        tpu.enqueue_dma source(%dma_start3A_70 : memref<128xf32, #tpu.memory_space<vmem_shared>>) target(%dma_start3A_69 : memref<128xf32, #tpu.memory_space<vmem>>) target_semaphore(%run_scoped3A : memref<!tpu.dma_semaphore, #tpu.memory_space<semaphore_mem>>)
        %dma_wait3A = arith.constant 0 : i32
        %dma_wait3A_71 = tpu.memref_slice %arg7[%dma_wait3A] : memref<128xf32, #tpu.memory_space<vmem>> -> memref<128xf32, #tpu.memory_space<vmem>>
        %dma_wait3A_72 = tpu.memref_slice %arg9[%add3A_51] : memref<10112xf32, #tpu.memory_space<vmem_shared>> -> memref<128xf32, #tpu.memory_space<vmem_shared>>
        %dma_wait3A_73 = arith.constant 0 : i32
        %dma_wait3A_74 = tpu.memref_slice %arg7[%dma_wait3A_73] : memref<128xf32, #tpu.memory_space<vmem>> -> memref<128xf32, #tpu.memory_space<vmem>>
        %dma_wait3A_75 = tpu.memref_slice %arg9[%add3A_51] : memref<10112xf32, #tpu.memory_space<vmem_shared>> -> memref<128xf32, #tpu.memory_space<vmem_shared>>
        tpu.wait_dma2 semaphore(%run_scoped3A : memref<!tpu.dma_semaphore, #tpu.memory_space<semaphore_mem>>) src(%dma_wait3A_75 : memref<128xf32, #tpu.memory_space<vmem_shared>>) dst(%dma_wait3A_74 : memref<128xf32, #tpu.memory_space<vmem>>)
        tpu.yield
      }) : () -> ()
      %add3A_52 = arith.constant 10112 : i32
      %add3A_53 = arith.addi %add3A_52, %add3A_51 : i32
      "tpu.region"() ({
        %run_scoped3A = tpu.sem_alloc : memref<!tpu.dma_semaphore, #tpu.memory_space<semaphore_mem>>
        %dma_start3A = arith.constant 0 : i32
        %dma_start3A_66 = tpu.memref_slice %arg7[%dma_start3A] : memref<128xf32, #tpu.memory_space<vmem>> -> memref<128xf32, #tpu.memory_space<vmem>>
        %dma_start3A_67 = tpu.memref_slice %arg5[%add3A_53] : memref<20224xf32, #tpu.memory_space<hbm>> -> memref<128xf32, #tpu.memory_space<hbm>>
        %dma_start3A_68 = tpu.memref_slice %arg5[%add3A_53] : memref<20224xf32, #tpu.memory_space<hbm>> -> memref<128xf32, #tpu.memory_space<hbm>>
        %dma_start3A_69 = arith.constant 0 : i32
        %dma_start3A_70 = tpu.memref_slice %arg7[%dma_start3A_69] : memref<128xf32, #tpu.memory_space<vmem>> -> memref<128xf32, #tpu.memory_space<vmem>>
        tpu.enqueue_dma source(%dma_start3A_70 : memref<128xf32, #tpu.memory_space<vmem>>) target(%dma_start3A_68 : memref<128xf32, #tpu.memory_space<hbm>>) target_semaphore(%run_scoped3A : memref<!tpu.dma_semaphore, #tpu.memory_space<semaphore_mem>>)
        %dma_wait3A = arith.constant 0 : i32
        %dma_wait3A_71 = tpu.memref_slice %arg7[%dma_wait3A] : memref<128xf32, #tpu.memory_space<vmem>> -> memref<128xf32, #tpu.memory_space<vmem>>
        %dma_wait3A_72 = tpu.memref_slice %arg5[%add3A_53] : memref<20224xf32, #tpu.memory_space<hbm>> -> memref<128xf32, #tpu.memory_space<hbm>>
        %dma_wait3A_73 = tpu.memref_slice %arg5[%add3A_53] : memref<20224xf32, #tpu.memory_space<hbm>> -> memref<128xf32, #tpu.memory_space<hbm>>
        %dma_wait3A_74 = arith.constant 0 : i32
        %dma_wait3A_75 = tpu.memref_slice %arg7[%dma_wait3A_74] : memref<128xf32, #tpu.memory_space<vmem>> -> memref<128xf32, #tpu.memory_space<vmem>>
        tpu.wait_dma2 semaphore(%run_scoped3A : memref<!tpu.dma_semaphore, #tpu.memory_space<semaphore_mem>>) src(%dma_wait3A_75 : memref<128xf32, #tpu.memory_space<vmem>>) dst(%dma_wait3A_73 : memref<128xf32, #tpu.memory_space<hbm>>)
        tpu.yield
      }) : () -> ()
      %mul3A_54 = arith.constant 632 : i32
      %mul3A_55 = arith.muli %arg1, %mul3A_54 : i32
      %add3A_56 = arith.constant 384 : i32
      %add3A_57 = arith.addi %mul3A_55, %add3A_56 : i32
      "tpu.region"() ({
        %run_scoped3A = tpu.sem_alloc : memref<!tpu.dma_semaphore, #tpu.memory_space<semaphore_mem>>
        %dma_start3A = arith.constant 0 : i32
        %dma_start3A_66 = tpu.memref_slice %arg7[%dma_start3A] : memref<128xf32, #tpu.memory_space<vmem>> -> memref<128xf32, #tpu.memory_space<vmem>>
        %dma_start3A_67 = tpu.memref_slice %arg9[%add3A_57] : memref<10112xf32, #tpu.memory_space<vmem_shared>> -> memref<128xf32, #tpu.memory_space<vmem_shared>>
        %dma_start3A_68 = arith.constant 0 : i32
        %dma_start3A_69 = tpu.memref_slice %arg7[%dma_start3A_68] : memref<128xf32, #tpu.memory_space<vmem>> -> memref<128xf32, #tpu.memory_space<vmem>>
        %dma_start3A_70 = tpu.memref_slice %arg9[%add3A_57] : memref<10112xf32, #tpu.memory_space<vmem_shared>> -> memref<128xf32, #tpu.memory_space<vmem_shared>>
        tpu.enqueue_dma source(%dma_start3A_70 : memref<128xf32, #tpu.memory_space<vmem_shared>>) target(%dma_start3A_69 : memref<128xf32, #tpu.memory_space<vmem>>) target_semaphore(%run_scoped3A : memref<!tpu.dma_semaphore, #tpu.memory_space<semaphore_mem>>)
        %dma_wait3A = arith.constant 0 : i32
        %dma_wait3A_71 = tpu.memref_slice %arg7[%dma_wait3A] : memref<128xf32, #tpu.memory_space<vmem>> -> memref<128xf32, #tpu.memory_space<vmem>>
        %dma_wait3A_72 = tpu.memref_slice %arg9[%add3A_57] : memref<10112xf32, #tpu.memory_space<vmem_shared>> -> memref<128xf32, #tpu.memory_space<vmem_shared>>
        %dma_wait3A_73 = arith.constant 0 : i32
        %dma_wait3A_74 = tpu.memref_slice %arg7[%dma_wait3A_73] : memref<128xf32, #tpu.memory_space<vmem>> -> memref<128xf32, #tpu.memory_space<vmem>>
        %dma_wait3A_75 = tpu.memref_slice %arg9[%add3A_57] : memref<10112xf32, #tpu.memory_space<vmem_shared>> -> memref<128xf32, #tpu.memory_space<vmem_shared>>
        tpu.wait_dma2 semaphore(%run_scoped3A : memref<!tpu.dma_semaphore, #tpu.memory_space<semaphore_mem>>) src(%dma_wait3A_75 : memref<128xf32, #tpu.memory_space<vmem_shared>>) dst(%dma_wait3A_74 : memref<128xf32, #tpu.memory_space<vmem>>)
        tpu.yield
      }) : () -> ()
      %add3A_58 = arith.constant 10112 : i32
      %add3A_59 = arith.addi %add3A_58, %add3A_57 : i32
      "tpu.region"() ({
        %run_scoped3A = tpu.sem_alloc : memref<!tpu.dma_semaphore, #tpu.memory_space<semaphore_mem>>
        %dma_start3A = arith.constant 0 : i32
        %dma_start3A_66 = tpu.memref_slice %arg7[%dma_start3A] : memref<128xf32, #tpu.memory_space<vmem>> -> memref<128xf32, #tpu.memory_space<vmem>>
        %dma_start3A_67 = tpu.memref_slice %arg5[%add3A_59] : memref<20224xf32, #tpu.memory_space<hbm>> -> memref<128xf32, #tpu.memory_space<hbm>>
        %dma_start3A_68 = tpu.memref_slice %arg5[%add3A_59] : memref<20224xf32, #tpu.memory_space<hbm>> -> memref<128xf32, #tpu.memory_space<hbm>>
        %dma_start3A_69 = arith.constant 0 : i32
        %dma_start3A_70 = tpu.memref_slice %arg7[%dma_start3A_69] : memref<128xf32, #tpu.memory_space<vmem>> -> memref<128xf32, #tpu.memory_space<vmem>>
        tpu.enqueue_dma source(%dma_start3A_70 : memref<128xf32, #tpu.memory_space<vmem>>) target(%dma_start3A_68 : memref<128xf32, #tpu.memory_space<hbm>>) target_semaphore(%run_scoped3A : memref<!tpu.dma_semaphore, #tpu.memory_space<semaphore_mem>>)
        %dma_wait3A = arith.constant 0 : i32
        %dma_wait3A_71 = tpu.memref_slice %arg7[%dma_wait3A] : memref<128xf32, #tpu.memory_space<vmem>> -> memref<128xf32, #tpu.memory_space<vmem>>
        %dma_wait3A_72 = tpu.memref_slice %arg5[%add3A_59] : memref<20224xf32, #tpu.memory_space<hbm>> -> memref<128xf32, #tpu.memory_space<hbm>>
        %dma_wait3A_73 = tpu.memref_slice %arg5[%add3A_59] : memref<20224xf32, #tpu.memory_space<hbm>> -> memref<128xf32, #tpu.memory_space<hbm>>
        %dma_wait3A_74 = arith.constant 0 : i32
        %dma_wait3A_75 = tpu.memref_slice %arg7[%dma_wait3A_74] : memref<128xf32, #tpu.memory_space<vmem>> -> memref<128xf32, #tpu.memory_space<vmem>>
        tpu.wait_dma2 semaphore(%run_scoped3A : memref<!tpu.dma_semaphore, #tpu.memory_space<semaphore_mem>>) src(%dma_wait3A_75 : memref<128xf32, #tpu.memory_space<vmem>>) dst(%dma_wait3A_73 : memref<128xf32, #tpu.memory_space<hbm>>)
        tpu.yield
      }) : () -> ()
      %mul3A_60 = arith.constant 632 : i32
      %mul3A_61 = arith.muli %arg1, %mul3A_60 : i32
      %add3A_62 = arith.constant 512 : i32
      %add3A_63 = arith.addi %mul3A_61, %add3A_62 : i32
      "tpu.region"() ({
        %run_scoped3A = tpu.sem_alloc : memref<!tpu.dma_semaphore, #tpu.memory_space<semaphore_mem>>
        %dma_start3A = arith.constant 0 : i32
        %dma_start3A_66 = tpu.memref_slice %arg7[%dma_start3A] : memref<128xf32, #tpu.memory_space<vmem>> -> memref<120xf32, #tpu.memory_space<vmem>>
        %dma_start3A_67 = tpu.memref_slice %arg9[%add3A_63] : memref<10112xf32, #tpu.memory_space<vmem_shared>> -> memref<120xf32, #tpu.memory_space<vmem_shared>>
        %dma_start3A_68 = arith.constant 0 : i32
        %dma_start3A_69 = tpu.memref_slice %arg7[%dma_start3A_68] : memref<128xf32, #tpu.memory_space<vmem>> -> memref<120xf32, #tpu.memory_space<vmem>>
        %dma_start3A_70 = tpu.memref_slice %arg9[%add3A_63] : memref<10112xf32, #tpu.memory_space<vmem_shared>> -> memref<120xf32, #tpu.memory_space<vmem_shared>>
        tpu.enqueue_dma source(%dma_start3A_70 : memref<120xf32, #tpu.memory_space<vmem_shared>>) target(%dma_start3A_69 : memref<120xf32, #tpu.memory_space<vmem>>) target_semaphore(%run_scoped3A : memref<!tpu.dma_semaphore, #tpu.memory_space<semaphore_mem>>)
        %dma_wait3A = arith.constant 0 : i32
        %dma_wait3A_71 = tpu.memref_slice %arg7[%dma_wait3A] : memref<128xf32, #tpu.memory_space<vmem>> -> memref<120xf32, #tpu.memory_space<vmem>>
        %dma_wait3A_72 = tpu.memref_slice %arg9[%add3A_63] : memref<10112xf32, #tpu.memory_space<vmem_shared>> -> memref<120xf32, #tpu.memory_space<vmem_shared>>
        %dma_wait3A_73 = arith.constant 0 : i32
        %dma_wait3A_74 = tpu.memref_slice %arg7[%dma_wait3A_73] : memref<128xf32, #tpu.memory_space<vmem>> -> memref<120xf32, #tpu.memory_space<vmem>>
        %dma_wait3A_75 = tpu.memref_slice %arg9[%add3A_63] : memref<10112xf32, #tpu.memory_space<vmem_shared>> -> memref<120xf32, #tpu.memory_space<vmem_shared>>
        tpu.wait_dma2 semaphore(%run_scoped3A : memref<!tpu.dma_semaphore, #tpu.memory_space<semaphore_mem>>) src(%dma_wait3A_75 : memref<120xf32, #tpu.memory_space<vmem_shared>>) dst(%dma_wait3A_74 : memref<120xf32, #tpu.memory_space<vmem>>)
        tpu.yield
      }) : () -> ()
      %add3A_64 = arith.constant 10112 : i32
      %add3A_65 = arith.addi %add3A_64, %add3A_63 : i32
      "tpu.region"() ({
        %run_scoped3A = tpu.sem_alloc : memref<!tpu.dma_semaphore, #tpu.memory_space<semaphore_mem>>
        %dma_start3A = arith.constant 0 : i32
        %dma_start3A_66 = tpu.memref_slice %arg7[%dma_start3A] : memref<128xf32, #tpu.memory_space<vmem>> -> memref<120xf32, #tpu.memory_space<vmem>>
        %dma_start3A_67 = tpu.memref_slice %arg5[%add3A_65] : memref<20224xf32, #tpu.memory_space<hbm>> -> memref<120xf32, #tpu.memory_space<hbm>>
        %dma_start3A_68 = tpu.memref_slice %arg5[%add3A_65] : memref<20224xf32, #tpu.memory_space<hbm>> -> memref<120xf32, #tpu.memory_space<hbm>>
        %dma_start3A_69 = arith.constant 0 : i32
        %dma_start3A_70 = tpu.memref_slice %arg7[%dma_start3A_69] : memref<128xf32, #tpu.memory_space<vmem>> -> memref<120xf32, #tpu.memory_space<vmem>>
        tpu.enqueue_dma source(%dma_start3A_70 : memref<120xf32, #tpu.memory_space<vmem>>) target(%dma_start3A_68 : memref<120xf32, #tpu.memory_space<hbm>>) target_semaphore(%run_scoped3A : memref<!tpu.dma_semaphore, #tpu.memory_space<semaphore_mem>>)
        %dma_wait3A = arith.constant 0 : i32
        %dma_wait3A_71 = tpu.memref_slice %arg7[%dma_wait3A] : memref<128xf32, #tpu.memory_space<vmem>> -> memref<120xf32, #tpu.memory_space<vmem>>
        %dma_wait3A_72 = tpu.memref_slice %arg5[%add3A_65] : memref<20224xf32, #tpu.memory_space<hbm>> -> memref<120xf32, #tpu.memory_space<hbm>>
        %dma_wait3A_73 = tpu.memref_slice %arg5[%add3A_65] : memref<20224xf32, #tpu.memory_space<hbm>> -> memref<120xf32, #tpu.memory_space<hbm>>
        %dma_wait3A_74 = arith.constant 0 : i32
        %dma_wait3A_75 = tpu.memref_slice %arg7[%dma_wait3A_74] : memref<128xf32, #tpu.memory_space<vmem>> -> memref<120xf32, #tpu.memory_space<vmem>>
        tpu.wait_dma2 semaphore(%run_scoped3A : memref<!tpu.dma_semaphore, #tpu.memory_space<semaphore_mem>>) src(%dma_wait3A_75 : memref<120xf32, #tpu.memory_space<vmem>>) dst(%dma_wait3A_73 : memref<120xf32, #tpu.memory_space<hbm>>)
        tpu.yield
      }) : () -> ()
    } else {
    }
    return
  }
}

#map = affine_map<(d0, d1) -> (0, 0)>
#map1 = affine_map<(d0, d1) -> (0)>
module attributes {stable_mosaic.version = 14 : i64} {
  func.func @k(%arg0: i32, %arg1: i32, %arg2: memref<10000x128xf32, #tpu.memory_space<hbm>>, %arg3: memref<10000x128xf32, #tpu.memory_space<hbm>>, %arg4: memref<327680xi32, #tpu.memory_space<hbm>>, %arg5: memref<327680xi32, #tpu.memory_space<hbm>>, %arg6: memref<327680x128xf32, #tpu.memory_space<hbm>>, %arg7: memref<327680x128xf32, #tpu.memory_space<hbm>>, %arg8: memref<256xi32, #tpu.memory_space<vmem>>, %arg9: memref<256xi32, #tpu.memory_space<vmem>>, %arg10: memref<256x128xf32, #tpu.memory_space<vmem>>, %arg11: memref<256x128xf32, #tpu.memory_space<vmem>>, %arg12: memref<!tpu.dma_semaphore, #tpu.memory_space<semaphore_mem>>, %arg13: memref<!tpu.dma_semaphore, #tpu.memory_space<semaphore_mem>>, %arg14: memref<!tpu.dma_semaphore, #tpu.memory_space<semaphore_mem>>, %arg15: memref<!tpu.dma_semaphore, #tpu.memory_space<semaphore_mem>>, %arg16: memref<!tpu.dma_semaphore, #tpu.memory_space<semaphore_mem>>, %arg17: memref<!tpu.dma_semaphore, #tpu.memory_space<semaphore_mem>>) attributes {dimension_semantics = [#tpu.dimension_semantics<core_parallel>, #tpu.dimension_semantics<subcore_parallel>], iteration_bounds = array<i64: 2, 16>, scalar_prefetch = 0 : i64, scratch_operands = 10 : i64, tpu.core_type = #tpu.core_type<sc_vector_subcore>, window_params = [{transform_indices = #map}, {transform_indices = #map}, {transform_indices = #map1}, {transform_indices = #map1}, {transform_indices = #map}, {transform_indices = #map}]} {
    %mul3A = arith.constant 2 : i32
    %mul3A_0 = arith.muli %arg1, %mul3A : i32
    %add3A = arith.addi %mul3A_0, %arg0 : i32
    %mul3A_1 = arith.constant 10240 : i32
    %mul3A_2 = arith.muli %add3A, %mul3A_1 : i32
    %scan3A = arith.constant 0 : i32
    %scan3A_3 = arith.constant 0 : i32
    %scan3A_4 = arith.constant 40 : i32
    %scan3A_5 = arith.addi %scan3A_3, %scan3A_4 : i32
    %scan3A_6 = arith.constant 1 : i32
    scf.for %scan3A_15 = %scan3A_3 to %scan3A_5 step %scan3A_6  : i32 {
      %mul3A_16 = arith.constant 256 : i32
      %mul3A_17 = arith.muli %scan3A_15, %mul3A_16 : i32
      %add3A_18 = arith.addi %mul3A_2, %mul3A_17 : i32
      %dma_start3A = tpu.memref_slice %arg4[%add3A_18] : memref<327680xi32, #tpu.memory_space<hbm>> -> memref<256xi32, #tpu.memory_space<hbm>>
      %dma_start3A_19 = tpu.memref_slice %arg4[%add3A_18] : memref<327680xi32, #tpu.memory_space<hbm>> -> memref<256xi32, #tpu.memory_space<hbm>>
      tpu.enqueue_dma source(%dma_start3A_19 : memref<256xi32, #tpu.memory_space<hbm>>) target(%arg8 : memref<256xi32, #tpu.memory_space<vmem>>) target_semaphore(%arg12 : memref<!tpu.dma_semaphore, #tpu.memory_space<semaphore_mem>>)
      %dma_start3A_20 = tpu.memref_slice %arg5[%add3A_18] : memref<327680xi32, #tpu.memory_space<hbm>> -> memref<256xi32, #tpu.memory_space<hbm>>
      %dma_start3A_21 = tpu.memref_slice %arg5[%add3A_18] : memref<327680xi32, #tpu.memory_space<hbm>> -> memref<256xi32, #tpu.memory_space<hbm>>
      tpu.enqueue_dma source(%dma_start3A_21 : memref<256xi32, #tpu.memory_space<hbm>>) target(%arg9 : memref<256xi32, #tpu.memory_space<vmem>>) target_semaphore(%arg13 : memref<!tpu.dma_semaphore, #tpu.memory_space<semaphore_mem>>)
      %gt3A = arith.constant 0 : i32
      %gt3A_22 = arith.cmpi sgt, %scan3A_15, %gt3A : i32
      %convert_element_type3A = arith.extui %gt3A_22 : i1 to i32
      %cond3A = arith.constant 0 : i32
      %cond3A_23 = arith.cmpi ne, %convert_element_type3A, %cond3A : i32
      scf.if %cond3A_23 {
        %dma_wait3A_48 = arith.constant 0 : i32
        %dma_wait3A_49 = tpu.memref_slice %arg6[%add3A_18, %dma_wait3A_48] : memref<327680x128xf32, #tpu.memory_space<hbm>> -> memref<256x128xf32, #tpu.memory_space<hbm>>
        %dma_wait3A_50 = arith.constant 0 : i32
        %dma_wait3A_51 = tpu.memref_slice %arg6[%add3A_18, %dma_wait3A_50] : memref<327680x128xf32, #tpu.memory_space<hbm>> -> memref<256x128xf32, #tpu.memory_space<hbm>>
        tpu.wait_dma2 semaphore(%arg16 : memref<!tpu.dma_semaphore, #tpu.memory_space<semaphore_mem>>) src(%arg10 : memref<256x128xf32, #tpu.memory_space<vmem>>) dst(%dma_wait3A_51 : memref<256x128xf32, #tpu.memory_space<hbm>>)
        %dma_wait3A_52 = arith.constant 0 : i32
        %dma_wait3A_53 = tpu.memref_slice %arg7[%add3A_18, %dma_wait3A_52] : memref<327680x128xf32, #tpu.memory_space<hbm>> -> memref<256x128xf32, #tpu.memory_space<hbm>>
        %dma_wait3A_54 = arith.constant 0 : i32
        %dma_wait3A_55 = tpu.memref_slice %arg7[%add3A_18, %dma_wait3A_54] : memref<327680x128xf32, #tpu.memory_space<hbm>> -> memref<256x128xf32, #tpu.memory_space<hbm>>
        tpu.wait_dma2 semaphore(%arg17 : memref<!tpu.dma_semaphore, #tpu.memory_space<semaphore_mem>>) src(%arg11 : memref<256x128xf32, #tpu.memory_space<vmem>>) dst(%dma_wait3A_55 : memref<256x128xf32, #tpu.memory_space<hbm>>)
      } else {
      }
      %dma_wait3A_24 = tpu.memref_slice %arg4[%add3A_18] : memref<327680xi32, #tpu.memory_space<hbm>> -> memref<256xi32, #tpu.memory_space<hbm>>
      %dma_wait3A_25 = tpu.memref_slice %arg4[%add3A_18] : memref<327680xi32, #tpu.memory_space<hbm>> -> memref<256xi32, #tpu.memory_space<hbm>>
      tpu.wait_dma2 semaphore(%arg12 : memref<!tpu.dma_semaphore, #tpu.memory_space<semaphore_mem>>) src(%dma_wait3A_25 : memref<256xi32, #tpu.memory_space<hbm>>) dst(%arg8 : memref<256xi32, #tpu.memory_space<vmem>>)
      %dma_start3A_26 = arith.constant 0 : i32
      %dma_start3A_27 = arith.constant 0 : i32
      %dma_start3A_28 = tpu.memref_slice %arg2[%dma_start3A_26, %dma_start3A_27] : memref<10000x128xf32, #tpu.memory_space<hbm>> -> memref<10000x128xf32, #tpu.memory_space<hbm>>
      tpu.enqueue_indirect_dma source(%dma_start3A_28 : memref<10000x128xf32, #tpu.memory_space<hbm>>) target(%arg10 : memref<256x128xf32, #tpu.memory_space<vmem>>) offsets(%arg8 : memref<256xi32, #tpu.memory_space<vmem>>) semaphore(%arg14 : memref<!tpu.dma_semaphore, #tpu.memory_space<semaphore_mem>>)
      %dma_wait3A_29 = tpu.memref_slice %arg5[%add3A_18] : memref<327680xi32, #tpu.memory_space<hbm>> -> memref<256xi32, #tpu.memory_space<hbm>>
      %dma_wait3A_30 = tpu.memref_slice %arg5[%add3A_18] : memref<327680xi32, #tpu.memory_space<hbm>> -> memref<256xi32, #tpu.memory_space<hbm>>
      tpu.wait_dma2 semaphore(%arg13 : memref<!tpu.dma_semaphore, #tpu.memory_space<semaphore_mem>>) src(%dma_wait3A_30 : memref<256xi32, #tpu.memory_space<hbm>>) dst(%arg9 : memref<256xi32, #tpu.memory_space<vmem>>)
      %dma_start3A_31 = arith.constant 0 : i32
      %dma_start3A_32 = arith.constant 0 : i32
      %dma_start3A_33 = tpu.memref_slice %arg3[%dma_start3A_31, %dma_start3A_32] : memref<10000x128xf32, #tpu.memory_space<hbm>> -> memref<10000x128xf32, #tpu.memory_space<hbm>>
      tpu.enqueue_indirect_dma source(%dma_start3A_33 : memref<10000x128xf32, #tpu.memory_space<hbm>>) target(%arg11 : memref<256x128xf32, #tpu.memory_space<vmem>>) offsets(%arg9 : memref<256xi32, #tpu.memory_space<vmem>>) semaphore(%arg15 : memref<!tpu.dma_semaphore, #tpu.memory_space<semaphore_mem>>)
      %dma_wait3A_34 = arith.constant 0 : i32
      %dma_wait3A_35 = arith.constant 0 : i32
      %dma_wait3A_36 = tpu.memref_slice %arg2[%dma_wait3A_34, %dma_wait3A_35] : memref<10000x128xf32, #tpu.memory_space<hbm>> -> memref<10000x128xf32, #tpu.memory_space<hbm>>
      tpu.wait_indirect_dma semaphore(%arg14 : memref<!tpu.dma_semaphore, #tpu.memory_space<semaphore_mem>>) src(%dma_wait3A_36 : memref<10000x128xf32, #tpu.memory_space<hbm>>) dst(%arg10 : memref<256x128xf32, #tpu.memory_space<vmem>>)
      %dma_start3A_37 = arith.constant 0 : i32
      %dma_start3A_38 = tpu.memref_slice %arg6[%add3A_18, %dma_start3A_37] : memref<327680x128xf32, #tpu.memory_space<hbm>> -> memref<256x128xf32, #tpu.memory_space<hbm>>
      %dma_start3A_39 = arith.constant 0 : i32
      %dma_start3A_40 = tpu.memref_slice %arg6[%add3A_18, %dma_start3A_39] : memref<327680x128xf32, #tpu.memory_space<hbm>> -> memref<256x128xf32, #tpu.memory_space<hbm>>
      tpu.enqueue_dma source(%arg10 : memref<256x128xf32, #tpu.memory_space<vmem>>) target(%dma_start3A_40 : memref<256x128xf32, #tpu.memory_space<hbm>>) target_semaphore(%arg16 : memref<!tpu.dma_semaphore, #tpu.memory_space<semaphore_mem>>)
      %dma_wait3A_41 = arith.constant 0 : i32
      %dma_wait3A_42 = arith.constant 0 : i32
      %dma_wait3A_43 = tpu.memref_slice %arg3[%dma_wait3A_41, %dma_wait3A_42] : memref<10000x128xf32, #tpu.memory_space<hbm>> -> memref<10000x128xf32, #tpu.memory_space<hbm>>
      tpu.wait_indirect_dma semaphore(%arg15 : memref<!tpu.dma_semaphore, #tpu.memory_space<semaphore_mem>>) src(%dma_wait3A_43 : memref<10000x128xf32, #tpu.memory_space<hbm>>) dst(%arg11 : memref<256x128xf32, #tpu.memory_space<vmem>>)
      %dma_start3A_44 = arith.constant 0 : i32
      %dma_start3A_45 = tpu.memref_slice %arg7[%add3A_18, %dma_start3A_44] : memref<327680x128xf32, #tpu.memory_space<hbm>> -> memref<256x128xf32, #tpu.memory_space<hbm>>
      %dma_start3A_46 = arith.constant 0 : i32
      %dma_start3A_47 = tpu.memref_slice %arg7[%add3A_18, %dma_start3A_46] : memref<327680x128xf32, #tpu.memory_space<hbm>> -> memref<256x128xf32, #tpu.memory_space<hbm>>
      tpu.enqueue_dma source(%arg11 : memref<256x128xf32, #tpu.memory_space<vmem>>) target(%dma_start3A_47 : memref<256x128xf32, #tpu.memory_space<hbm>>) target_semaphore(%arg17 : memref<!tpu.dma_semaphore, #tpu.memory_space<semaphore_mem>>)
    }
    %scan3A_7 = arith.constant 40 : i32
    %dma_wait3A = arith.constant 0 : i32
    %dma_wait3A_8 = tpu.memref_slice %arg6[%mul3A_2, %dma_wait3A] : memref<327680x128xf32, #tpu.memory_space<hbm>> -> memref<256x128xf32, #tpu.memory_space<hbm>>
    %dma_wait3A_9 = arith.constant 0 : i32
    %dma_wait3A_10 = tpu.memref_slice %arg6[%mul3A_2, %dma_wait3A_9] : memref<327680x128xf32, #tpu.memory_space<hbm>> -> memref<256x128xf32, #tpu.memory_space<hbm>>
    tpu.wait_dma2 semaphore(%arg16 : memref<!tpu.dma_semaphore, #tpu.memory_space<semaphore_mem>>) src(%arg10 : memref<256x128xf32, #tpu.memory_space<vmem>>) dst(%dma_wait3A_10 : memref<256x128xf32, #tpu.memory_space<hbm>>)
    %dma_wait3A_11 = arith.constant 0 : i32
    %dma_wait3A_12 = tpu.memref_slice %arg7[%mul3A_2, %dma_wait3A_11] : memref<327680x128xf32, #tpu.memory_space<hbm>> -> memref<256x128xf32, #tpu.memory_space<hbm>>
    %dma_wait3A_13 = arith.constant 0 : i32
    %dma_wait3A_14 = tpu.memref_slice %arg7[%mul3A_2, %dma_wait3A_13] : memref<327680x128xf32, #tpu.memory_space<hbm>> -> memref<256x128xf32, #tpu.memory_space<hbm>>
    tpu.wait_dma2 semaphore(%arg17 : memref<!tpu.dma_semaphore, #tpu.memory_space<semaphore_mem>>) src(%arg11 : memref<256x128xf32, #tpu.memory_space<vmem>>) dst(%dma_wait3A_14 : memref<256x128xf32, #tpu.memory_space<hbm>>)
    return
  }
}

module attributes {stable_mosaic.version = 14 : i64} {
  func.func @body(%arg0: i32, %arg1: memref<2000x128xf32, #tpu.memory_space<vmem>>, %arg2: memref<128x128xf32, #tpu.memory_space<vmem>>, %arg3: memref<128x128xf32, #tpu.memory_space<vmem>>, %arg4: memref<2000x128xf32, #tpu.memory_space<vmem>>, %arg5: memref<2000x128xf32, #tpu.memory_space<vmem>>) attributes {dimension_semantics = [#tpu.dimension_semantics<arbitrary>], iteration_bounds = array<i64: 5>, scalar_prefetch = 0 : i64, scratch_operands = 0 : i64, tpu.core_type = #tpu.core_type<tc>, window_params = [{transform_indices = @transform_0, window_bounds = array<i64: 2000, 128>}, {pipeline_mode = #tpu.pipeline_mode<synchronous>, transform_indices = @transform_1, window_bounds = array<i64: 128, 128>}, {pipeline_mode = #tpu.pipeline_mode<synchronous>, transform_indices = @transform_2, window_bounds = array<i64: 128, 128>}, {transform_indices = @transform_3, window_bounds = array<i64: 2000, 128>}, {transform_indices = @transform_4, window_bounds = array<i64: 2000, 128>}]} {
    %get3A = arith.constant 0 : index
    %get3A_0 = arith.constant 0 : index
    %get3A_1 = vector.load %arg1[%get3A, %get3A_0] : memref<2000x128xf32, #tpu.memory_space<vmem>>, vector<2000x128xf32>
    %get3A_2 = arith.constant 0 : index
    %get3A_3 = arith.constant 0 : index
    %get3A_4 = vector.load %arg2[%get3A_2, %get3A_3] : memref<128x128xf32, #tpu.memory_space<vmem>>, vector<128x128xf32>
    %dot_general3A = arith.constant dense<0.000000e+00> : vector<2000x128xf32>
    %dot_general3A_5 = tpu.matmul %get3A_1, %get3A_4, %dot_general3A {dimension_numbers = #tpu.dot_dimension_numbers<[1], [0], [0], [1], [0, 0, 1, 1], [], []>, transpose_lhs_hint = false} : vector<2000x128xf32>, vector<128x128xf32>, vector<2000x128xf32> -> vector<2000x128xf32>
    %swap3A = arith.constant 0 : index
    %swap3A_6 = arith.constant 0 : index
    %swap3A_7 = vector.load %arg4[%swap3A, %swap3A_6] : memref<2000x128xf32, #tpu.memory_space<vmem>>, vector<2000x128xf32>
    tpu.vector_store %arg4[%swap3A, %swap3A_6], %dot_general3A_5 {strides = array<i32>} : memref<2000x128xf32, #tpu.memory_space<vmem>>, vector<2000x128xf32>,
    %get3A_8 = arith.constant 0 : index
    %get3A_9 = arith.constant 0 : index
    %get3A_10 = vector.load %arg3[%get3A_8, %get3A_9] : memref<128x128xf32, #tpu.memory_space<vmem>>, vector<128x128xf32>
    %dot_general3A_11 = arith.constant dense<0.000000e+00> : vector<2000x128xf32>
    %dot_general3A_12 = tpu.matmul %get3A_1, %get3A_10, %dot_general3A_11 {dimension_numbers = #tpu.dot_dimension_numbers<[1], [0], [0], [1], [0, 0, 1, 1], [], []>, transpose_lhs_hint = false} : vector<2000x128xf32>, vector<128x128xf32>, vector<2000x128xf32> -> vector<2000x128xf32>
    %swap3A_13 = arith.constant 0 : index
    %swap3A_14 = arith.constant 0 : index
    %swap3A_15 = vector.load %arg5[%swap3A_13, %swap3A_14] : memref<2000x128xf32, #tpu.memory_space<vmem>>, vector<2000x128xf32>
    tpu.vector_store %arg5[%swap3A_13, %swap3A_14], %dot_general3A_12 {strides = array<i32>} : memref<2000x128xf32, #tpu.memory_space<vmem>>, vector<2000x128xf32>,
    return
  }
  func.func @transform_0(%arg0: i32) -> (i32, i32) {
    %c0_i32 = arith.constant 0 : i32
    %c0_i32_0 = arith.constant 0 : i32
    return %arg0, %c0_i32 : i32, i32
  }
  func.func @transform_1(%arg0: i32) -> (i32, i32) {
    %c0_i32 = arith.constant 0 : i32
    %c0_i32_0 = arith.constant 0 : i32
    %c0_i32_1 = arith.constant 0 : i32
    return %c0_i32, %c0_i32_0 : i32, i32
  }
  func.func @transform_2(%arg0: i32) -> (i32, i32) {
    %c0_i32 = arith.constant 0 : i32
    %c0_i32_0 = arith.constant 0 : i32
    %c0_i32_1 = arith.constant 0 : i32
    return %c0_i32, %c0_i32_0 : i32, i32
  }
  func.func @transform_3(%arg0: i32) -> (i32, i32) {
    %c0_i32 = arith.constant 0 : i32
    %c0_i32_0 = arith.constant 0 : i32
    return %arg0, %c0_i32 : i32, i32
  }
  func.func @transform_4(%arg0: i32) -> (i32, i32) {
    %c0_i32 = arith.constant 0 : i32
    %c0_i32_0 = arith.constant 0 : i32
    return %arg0, %c0_i32 : i32, i32
  }
}

module attributes {stable_mosaic.version = 14 : i64} {
  func.func @body(%arg0: i32, %arg1: memref<2048x128xf32, #tpu.memory_space<vmem>>, %arg2: memref<2048x128xf32, #tpu.memory_space<vmem>>, %arg3: memref<2048x16xf32, #tpu.memory_space<vmem>>, %arg4: memref<16x128xf32, #tpu.memory_space<vmem>>, %arg5: memref<1x128xf32, #tpu.memory_space<vmem>>, %arg6: memref<1x128xf32, #tpu.memory_space<vmem>>, %arg7: memref<1x128xf32, #tpu.memory_space<vmem>>, %arg8: memref<128x128xf32, #tpu.memory_space<vmem>>, %arg9: memref<1x128xf32, #tpu.memory_space<vmem>>, %arg10: memref<2048x128xf32, #tpu.memory_space<vmem>>) attributes {dimension_semantics = [#tpu.dimension_semantics<arbitrary>], iteration_bounds = array<i64: 160>, scalar_prefetch = 0 : i64, scratch_operands = 0 : i64, tpu.core_type = #tpu.core_type<tc>, window_params = [{transform_indices = @transform_0, window_bounds = array<i64: 2048, 128>}, {transform_indices = @transform_1, window_bounds = array<i64: 2048, 128>}, {transform_indices = @transform_2, window_bounds = array<i64: 2048, 16>}, {pipeline_mode = #tpu.pipeline_mode<synchronous>, transform_indices = @transform_3, window_bounds = array<i64: 16, 128>}, {pipeline_mode = #tpu.pipeline_mode<synchronous>, transform_indices = @transform_4, window_bounds = array<i64: 1, 128>}, {pipeline_mode = #tpu.pipeline_mode<synchronous>, transform_indices = @transform_5, window_bounds = array<i64: 1, 128>}, {pipeline_mode = #tpu.pipeline_mode<synchronous>, transform_indices = @transform_6, window_bounds = array<i64: 1, 128>}, {pipeline_mode = #tpu.pipeline_mode<synchronous>, transform_indices = @transform_7, window_bounds = array<i64: 128, 128>}, {pipeline_mode = #tpu.pipeline_mode<synchronous>, transform_indices = @transform_8, window_bounds = array<i64: 1, 128>}, {transform_indices = @transform_9, window_bounds = array<i64: 2048, 128>}]} {
    %get3A = arith.constant 0 : index
    %get3A_0 = arith.constant 0 : index
    %get3A_1 = vector.load %arg1[%get3A, %get3A_0] : memref<2048x128xf32, #tpu.memory_space<vmem>>, vector<2048x128xf32>
    %get3A_2 = arith.constant 0 : index
    %get3A_3 = arith.constant 0 : index
    %get3A_4 = vector.load %arg2[%get3A_2, %get3A_3] : memref<2048x128xf32, #tpu.memory_space<vmem>>, vector<2048x128xf32>
    %add3A = arith.addf %get3A_1, %get3A_4 : vector<2048x128xf32>
    %get3A_5 = arith.constant 0 : index
    %get3A_6 = arith.constant 0 : index
    %get3A_7 = vector.load %arg3[%get3A_5, %get3A_6] : memref<2048x16xf32, #tpu.memory_space<vmem>>, vector<2048x16xf32>
    %get3A_8 = arith.constant 0 : index
    %get3A_9 = arith.constant 0 : index
    %get3A_10 = vector.load %arg4[%get3A_8, %get3A_9] : memref<16x128xf32, #tpu.memory_space<vmem>>, vector<16x128xf32>
    %dot_general3A = arith.constant dense<0.000000e+00> : vector<2048x128xf32>
    %dot_general3A_11 = tpu.matmul %get3A_7, %get3A_10, %dot_general3A {dimension_numbers = #tpu.dot_dimension_numbers<[1], [0], [0], [1], [0, 0, 1, 1], [], []>, transpose_lhs_hint = false} : vector<2048x16xf32>, vector<16x128xf32>, vector<2048x128xf32> -> vector<2048x128xf32>
    %add3A_12 = arith.addf %add3A, %dot_general3A_11 : vector<2048x128xf32>
    %get3A_13 = arith.constant 0 : index
    %get3A_14 = arith.constant 0 : index
    %get3A_15 = vector.load %arg5[%get3A_13, %get3A_14] : memref<1x128xf32, #tpu.memory_space<vmem>>, vector<1x128xf32>
    %add3A_16 = vector.broadcast %get3A_15 : vector<1x128xf32> to vector<2048x128xf32>
    %add3A_17 = arith.addf %add3A_12, %add3A_16 : vector<2048x128xf32>
    %max3A = arith.constant 0.000000e+00 : f32
    %max3A_18 = vector.broadcast %max3A : f32 to vector<2048x128xf32>
    %max3A_19 = arith.maximumf %add3A_17, %max3A_18 : vector<2048x128xf32>
    %reduce_sum3A = arith.constant dense<0.000000e+00> : vector<2048xf32>
    %reduce_sum3A_20 = vector.multi_reduction <add>, %max3A_19, %reduce_sum3A [1] : vector<2048x128xf32> to vector<2048xf32>
    %broadcast_in_dim3A = vector.shape_cast %reduce_sum3A_20 : vector<2048xf32> to vector<2048x1xf32>
    %div3A = arith.constant 1.280000e+02 : f32
    %div3A_21 = vector.broadcast %div3A : f32 to vector<2048x1xf32>
    %div3A_22 = arith.divf %broadcast_in_dim3A, %div3A_21 : vector<2048x1xf32>
    %sub3A = vector.broadcast %div3A_22 : vector<2048x1xf32> to vector<2048x128xf32>
    %sub3A_23 = arith.subf %max3A_19, %sub3A : vector<2048x128xf32>
    %mul3A = arith.mulf %sub3A_23, %sub3A_23 : vector<2048x128xf32>
    %reduce_sum3A_24 = arith.constant dense<0.000000e+00> : vector<2048xf32>
    %reduce_sum3A_25 = vector.multi_reduction <add>, %mul3A, %reduce_sum3A_24 [1] : vector<2048x128xf32> to vector<2048xf32>
    %broadcast_in_dim3A_26 = vector.shape_cast %reduce_sum3A_25 : vector<2048xf32> to vector<2048x1xf32>
    %div3A_27 = arith.constant 1.280000e+02 : f32
    %div3A_28 = vector.broadcast %div3A_27 : f32 to vector<2048x1xf32>
    %div3A_29 = arith.divf %broadcast_in_dim3A_26, %div3A_28 : vector<2048x1xf32>
    %add3A_30 = arith.constant 9.99999974E-6 : f32
    %add3A_31 = vector.broadcast %add3A_30 : f32 to vector<2048x1xf32>
    %add3A_32 = arith.addf %div3A_29, %add3A_31 : vector<2048x1xf32>
    %rsqrt3A = math.rsqrt %add3A_32 : vector<2048x1xf32>
    %mul3A_33 = vector.broadcast %rsqrt3A : vector<2048x1xf32> to vector<2048x128xf32>
    %mul3A_34 = arith.mulf %sub3A_23, %mul3A_33 : vector<2048x128xf32>
    %get3A_35 = arith.constant 0 : index
    %get3A_36 = arith.constant 0 : index
    %get3A_37 = vector.load %arg6[%get3A_35, %get3A_36] : memref<1x128xf32, #tpu.memory_space<vmem>>, vector<1x128xf32>
    %mul3A_38 = vector.broadcast %get3A_37 : vector<1x128xf32> to vector<2048x128xf32>
    %mul3A_39 = arith.mulf %mul3A_34, %mul3A_38 : vector<2048x128xf32>
    %get3A_40 = arith.constant 0 : index
    %get3A_41 = arith.constant 0 : index
    %get3A_42 = vector.load %arg7[%get3A_40, %get3A_41] : memref<1x128xf32, #tpu.memory_space<vmem>>, vector<1x128xf32>
    %add3A_43 = vector.broadcast %get3A_42 : vector<1x128xf32> to vector<2048x128xf32>
    %add3A_44 = arith.addf %mul3A_39, %add3A_43 : vector<2048x128xf32>
    %get3A_45 = arith.constant 0 : index
    %get3A_46 = arith.constant 0 : index
    %get3A_47 = vector.load %arg8[%get3A_45, %get3A_46] : memref<128x128xf32, #tpu.memory_space<vmem>>, vector<128x128xf32>
    %dot_general3A_48 = arith.constant dense<0.000000e+00> : vector<2048x128xf32>
    %dot_general3A_49 = tpu.matmul %add3A_44, %get3A_47, %dot_general3A_48 {dimension_numbers = #tpu.dot_dimension_numbers<[1], [0], [0], [1], [0, 0, 1, 1], [], []>, transpose_lhs_hint = false} : vector<2048x128xf32>, vector<128x128xf32>, vector<2048x128xf32> -> vector<2048x128xf32>
    %get3A_50 = arith.constant 0 : index
    %get3A_51 = arith.constant 0 : index
    %get3A_52 = vector.load %arg9[%get3A_50, %get3A_51] : memref<1x128xf32, #tpu.memory_space<vmem>>, vector<1x128xf32>
    %add3A_53 = vector.broadcast %get3A_52 : vector<1x128xf32> to vector<2048x128xf32>
    %add3A_54 = arith.addf %dot_general3A_49, %add3A_53 : vector<2048x128xf32>
    %swap3A = arith.constant 0 : index
    %swap3A_55 = arith.constant 0 : index
    %swap3A_56 = vector.load %arg10[%swap3A, %swap3A_55] : memref<2048x128xf32, #tpu.memory_space<vmem>>, vector<2048x128xf32>
    tpu.vector_store %arg10[%swap3A, %swap3A_55], %add3A_54 {strides = array<i32>} : memref<2048x128xf32, #tpu.memory_space<vmem>>, vector<2048x128xf32>,
    return
  }
  func.func @transform_0(%arg0: i32) -> (i32, i32) {
    %c0_i32 = arith.constant 0 : i32
    %c0_i32_0 = arith.constant 0 : i32
    return %arg0, %c0_i32 : i32, i32
  }
  func.func @transform_1(%arg0: i32) -> (i32, i32) {
    %c0_i32 = arith.constant 0 : i32
    %c0_i32_0 = arith.constant 0 : i32
    return %arg0, %c0_i32 : i32, i32
  }
  func.func @transform_2(%arg0: i32) -> (i32, i32) {
    %c0_i32 = arith.constant 0 : i32
    %c0_i32_0 = arith.constant 0 : i32
    return %arg0, %c0_i32 : i32, i32
  }
  func.func @transform_3(%arg0: i32) -> (i32, i32) {
    %c0_i32 = arith.constant 0 : i32
    %c0_i32_0 = arith.constant 0 : i32
    %c0_i32_1 = arith.constant 0 : i32
    return %c0_i32, %c0_i32_0 : i32, i32
  }
  func.func @transform_4(%arg0: i32) -> (i32, i32) {
    %c0_i32 = arith.constant 0 : i32
    %c0_i32_0 = arith.constant 0 : i32
    %c0_i32_1 = arith.constant 0 : i32
    return %c0_i32, %c0_i32_0 : i32, i32
  }
  func.func @transform_5(%arg0: i32) -> (i32, i32) {
    %c0_i32 = arith.constant 0 : i32
    %c0_i32_0 = arith.constant 0 : i32
    %c0_i32_1 = arith.constant 0 : i32
    return %c0_i32, %c0_i32_0 : i32, i32
  }
  func.func @transform_6(%arg0: i32) -> (i32, i32) {
    %c0_i32 = arith.constant 0 : i32
    %c0_i32_0 = arith.constant 0 : i32
    %c0_i32_1 = arith.constant 0 : i32
    return %c0_i32, %c0_i32_0 : i32, i32
  }
  func.func @transform_7(%arg0: i32) -> (i32, i32) {
    %c0_i32 = arith.constant 0 : i32
    %c0_i32_0 = arith.constant 0 : i32
    %c0_i32_1 = arith.constant 0 : i32
    return %c0_i32, %c0_i32_0 : i32, i32
  }
  func.func @transform_8(%arg0: i32) -> (i32, i32) {
    %c0_i32 = arith.constant 0 : i32
    %c0_i32_0 = arith.constant 0 : i32
    %c0_i32_1 = arith.constant 0 : i32
    return %c0_i32, %c0_i32_0 : i32, i32
  }
  func.func @transform_9(%arg0: i32) -> (i32, i32) {
    %c0_i32 = arith.constant 0 : i32
    %c0_i32_0 = arith.constant 0 : i32
    return %arg0, %c0_i32 : i32, i32
  }
}

module attributes {stable_mosaic.version = 14 : i64} {
  func.func @body(%arg0: i32, %arg1: memref<2000x128xf32, #tpu.memory_space<vmem>>, %arg2: memref<2x2000x128xf32, #tpu.memory_space<vmem>>, %arg3: memref<2000x1xf32, #tpu.memory_space<vmem>>, %arg4: memref<2000x1xf32, #tpu.memory_space<vmem>>, %arg5: memref<128x128xf32, #tpu.memory_space<vmem>>, %arg6: memref<128x128xf32, #tpu.memory_space<vmem>>, %arg7: memref<1x128xf32, #tpu.memory_space<vmem>>, %arg8: memref<1x128xf32, #tpu.memory_space<vmem>>, %arg9: memref<1x128xf32, #tpu.memory_space<vmem>>, %arg10: memref<128x128xf32, #tpu.memory_space<vmem>>, %arg11: memref<1x128xf32, #tpu.memory_space<vmem>>, %arg12: memref<2000x128xf32, #tpu.memory_space<vmem>>) attributes {dimension_semantics = [#tpu.dimension_semantics<arbitrary>], iteration_bounds = array<i64: 5>, scalar_prefetch = 0 : i64, scratch_operands = 0 : i64, tpu.core_type = #tpu.core_type<tc>, window_params = [{transform_indices = @transform_0, window_bounds = array<i64: 2000, 128>}, {transform_indices = @transform_1, window_bounds = array<i64: 2, 2000, 128>}, {transform_indices = @transform_2, window_bounds = array<i64: 2000, 1>}, {transform_indices = @transform_3, window_bounds = array<i64: 2000, 1>}, {pipeline_mode = #tpu.pipeline_mode<synchronous>, transform_indices = @transform_4, window_bounds = array<i64: 128, 128>}, {pipeline_mode = #tpu.pipeline_mode<synchronous>, transform_indices = @transform_5, window_bounds = array<i64: 128, 128>}, {pipeline_mode = #tpu.pipeline_mode<synchronous>, transform_indices = @transform_6, window_bounds = array<i64: 1, 128>}, {pipeline_mode = #tpu.pipeline_mode<synchronous>, transform_indices = @transform_7, window_bounds = array<i64: 1, 128>}, {pipeline_mode = #tpu.pipeline_mode<synchronous>, transform_indices = @transform_8, window_bounds = array<i64: 1, 128>}, {pipeline_mode = #tpu.pipeline_mode<synchronous>, transform_indices = @transform_9, window_bounds = array<i64: 128, 128>}, {pipeline_mode = #tpu.pipeline_mode<synchronous>, transform_indices = @transform_10, window_bounds = array<i64: 1, 128>}, {transform_indices = @transform_11, window_bounds = array<i64: 2000, 128>}]} {
    %get3A = arith.constant 0 : index
    %get3A_0 = arith.constant 0 : index
    %get3A_1 = vector.load %arg3[%get3A, %get3A_0] : memref<2000x1xf32, #tpu.memory_space<vmem>>, vector<2000x1xf32>
    %get3A_2 = arith.constant 0 : index
    %get3A_3 = arith.constant 0 : index
    %get3A_4 = vector.load %arg4[%get3A_2, %get3A_3] : memref<2000x1xf32, #tpu.memory_space<vmem>>, vector<2000x1xf32>
    %add3A = arith.addf %get3A_1, %get3A_4 : vector<2000x1xf32>
    %max3A = arith.constant 1.000000e+00 : f32
    %max3A_5 = vector.broadcast %max3A : f32 to vector<2000x1xf32>
    %max3A_6 = arith.maximumf %add3A, %max3A_5 : vector<2000x1xf32>
    %div3A = arith.constant 1.000000e+00 : f32
    %div3A_7 = vector.broadcast %div3A : f32 to vector<2000x1xf32>
    %div3A_8 = arith.divf %div3A_7, %max3A_6 : vector<2000x1xf32>
    %get3A_9 = arith.constant 0 : index
    %get3A_10 = arith.constant 0 : index
    %get3A_11 = arith.constant 0 : index
    %get3A_12 = vector.load %arg2[%get3A_9, %get3A_10, %get3A_11] : memref<2x2000x128xf32, #tpu.memory_space<vmem>>, vector<1x2000x128xf32>
    %get3A_13 = vector.shape_cast %get3A_12 : vector<1x2000x128xf32> to vector<2000x128xf32>
    %get3A_14 = arith.constant 1 : index
    %get3A_15 = arith.constant 0 : index
    %get3A_16 = arith.constant 0 : index
    %get3A_17 = vector.load %arg2[%get3A_14, %get3A_15, %get3A_16] : memref<2x2000x128xf32, #tpu.memory_space<vmem>>, vector<1x2000x128xf32>
    %get3A_18 = vector.shape_cast %get3A_17 : vector<1x2000x128xf32> to vector<2000x128xf32>
    %add3A_19 = arith.addf %get3A_13, %get3A_18 : vector<2000x128xf32>
    %mul3A = vector.broadcast %div3A_8 : vector<2000x1xf32> to vector<2000x128xf32>
    %mul3A_20 = arith.mulf %add3A_19, %mul3A : vector<2000x128xf32>
    %get3A_21 = arith.constant 0 : index
    %get3A_22 = arith.constant 0 : index
    %get3A_23 = vector.load %arg1[%get3A_21, %get3A_22] : memref<2000x128xf32, #tpu.memory_space<vmem>>, vector<2000x128xf32>
    %get3A_24 = arith.constant 0 : index
    %get3A_25 = arith.constant 0 : index
    %get3A_26 = vector.load %arg5[%get3A_24, %get3A_25] : memref<128x128xf32, #tpu.memory_space<vmem>>, vector<128x128xf32>
    %dot_general3A = arith.constant dense<0.000000e+00> : vector<2000x128xf32>
    %dot_general3A_27 = tpu.matmul %get3A_23, %get3A_26, %dot_general3A {dimension_numbers = #tpu.dot_dimension_numbers<[1], [0], [0], [1], [0, 0, 1, 1], [], []>, transpose_lhs_hint = false} : vector<2000x128xf32>, vector<128x128xf32>, vector<2000x128xf32> -> vector<2000x128xf32>
    %get3A_28 = arith.constant 0 : index
    %get3A_29 = arith.constant 0 : index
    %get3A_30 = vector.load %arg6[%get3A_28, %get3A_29] : memref<128x128xf32, #tpu.memory_space<vmem>>, vector<128x128xf32>
    %dot_general3A_31 = arith.constant dense<0.000000e+00> : vector<2000x128xf32>
    %dot_general3A_32 = tpu.matmul %mul3A_20, %get3A_30, %dot_general3A_31 {dimension_numbers = #tpu.dot_dimension_numbers<[1], [0], [0], [1], [0, 0, 1, 1], [], []>, transpose_lhs_hint = false} : vector<2000x128xf32>, vector<128x128xf32>, vector<2000x128xf32> -> vector<2000x128xf32>
    %add3A_33 = arith.addf %dot_general3A_27, %dot_general3A_32 : vector<2000x128xf32>
    %get3A_34 = arith.constant 0 : index
    %get3A_35 = arith.constant 0 : index
    %get3A_36 = vector.load %arg7[%get3A_34, %get3A_35] : memref<1x128xf32, #tpu.memory_space<vmem>>, vector<1x128xf32>
    %add3A_37 = vector.broadcast %get3A_36 : vector<1x128xf32> to vector<2000x128xf32>
    %add3A_38 = arith.addf %add3A_33, %add3A_37 : vector<2000x128xf32>
    %max3A_39 = arith.constant 0.000000e+00 : f32
    %max3A_40 = vector.broadcast %max3A_39 : f32 to vector<2000x128xf32>
    %max3A_41 = arith.maximumf %add3A_38, %max3A_40 : vector<2000x128xf32>
    %reduce_sum3A = arith.constant dense<0.000000e+00> : vector<2000xf32>
    %reduce_sum3A_42 = vector.multi_reduction <add>, %max3A_41, %reduce_sum3A [1] : vector<2000x128xf32> to vector<2000xf32>
    %broadcast_in_dim3A = vector.shape_cast %reduce_sum3A_42 : vector<2000xf32> to vector<2000x1xf32>
    %div3A_43 = arith.constant 1.280000e+02 : f32
    %div3A_44 = vector.broadcast %div3A_43 : f32 to vector<2000x1xf32>
    %div3A_45 = arith.divf %broadcast_in_dim3A, %div3A_44 : vector<2000x1xf32>
    %sub3A = vector.broadcast %div3A_45 : vector<2000x1xf32> to vector<2000x128xf32>
    %sub3A_46 = arith.subf %max3A_41, %sub3A : vector<2000x128xf32>
    %mul3A_47 = arith.mulf %sub3A_46, %sub3A_46 : vector<2000x128xf32>
    %reduce_sum3A_48 = arith.constant dense<0.000000e+00> : vector<2000xf32>
    %reduce_sum3A_49 = vector.multi_reduction <add>, %mul3A_47, %reduce_sum3A_48 [1] : vector<2000x128xf32> to vector<2000xf32>
    %broadcast_in_dim3A_50 = vector.shape_cast %reduce_sum3A_49 : vector<2000xf32> to vector<2000x1xf32>
    %div3A_51 = arith.constant 1.280000e+02 : f32
    %div3A_52 = vector.broadcast %div3A_51 : f32 to vector<2000x1xf32>
    %div3A_53 = arith.divf %broadcast_in_dim3A_50, %div3A_52 : vector<2000x1xf32>
    %add3A_54 = arith.constant 9.99999974E-6 : f32
    %add3A_55 = vector.broadcast %add3A_54 : f32 to vector<2000x1xf32>
    %add3A_56 = arith.addf %div3A_53, %add3A_55 : vector<2000x1xf32>
    %rsqrt3A = math.rsqrt %add3A_56 : vector<2000x1xf32>
    %mul3A_57 = vector.broadcast %rsqrt3A : vector<2000x1xf32> to vector<2000x128xf32>
    %mul3A_58 = arith.mulf %sub3A_46, %mul3A_57 : vector<2000x128xf32>
    %get3A_59 = arith.constant 0 : index
    %get3A_60 = arith.constant 0 : index
    %get3A_61 = vector.load %arg8[%get3A_59, %get3A_60] : memref<1x128xf32, #tpu.memory_space<vmem>>, vector<1x128xf32>
    %mul3A_62 = vector.broadcast %get3A_61 : vector<1x128xf32> to vector<2000x128xf32>
    %mul3A_63 = arith.mulf %mul3A_58, %mul3A_62 : vector<2000x128xf32>
    %get3A_64 = arith.constant 0 : index
    %get3A_65 = arith.constant 0 : index
    %get3A_66 = vector.load %arg9[%get3A_64, %get3A_65] : memref<1x128xf32, #tpu.memory_space<vmem>>, vector<1x128xf32>
    %add3A_67 = vector.broadcast %get3A_66 : vector<1x128xf32> to vector<2000x128xf32>
    %add3A_68 = arith.addf %mul3A_63, %add3A_67 : vector<2000x128xf32>
    %get3A_69 = arith.constant 0 : index
    %get3A_70 = arith.constant 0 : index
    %get3A_71 = vector.load %arg10[%get3A_69, %get3A_70] : memref<128x128xf32, #tpu.memory_space<vmem>>, vector<128x128xf32>
    %dot_general3A_72 = arith.constant dense<0.000000e+00> : vector<2000x128xf32>
    %dot_general3A_73 = tpu.matmul %add3A_68, %get3A_71, %dot_general3A_72 {dimension_numbers = #tpu.dot_dimension_numbers<[1], [0], [0], [1], [0, 0, 1, 1], [], []>, transpose_lhs_hint = false} : vector<2000x128xf32>, vector<128x128xf32>, vector<2000x128xf32> -> vector<2000x128xf32>
    %get3A_74 = arith.constant 0 : index
    %get3A_75 = arith.constant 0 : index
    %get3A_76 = vector.load %arg11[%get3A_74, %get3A_75] : memref<1x128xf32, #tpu.memory_space<vmem>>, vector<1x128xf32>
    %add3A_77 = vector.broadcast %get3A_76 : vector<1x128xf32> to vector<2000x128xf32>
    %add3A_78 = arith.addf %dot_general3A_73, %add3A_77 : vector<2000x128xf32>
    %swap3A = arith.constant 0 : index
    %swap3A_79 = arith.constant 0 : index
    %swap3A_80 = vector.load %arg12[%swap3A, %swap3A_79] : memref<2000x128xf32, #tpu.memory_space<vmem>>, vector<2000x128xf32>
    tpu.vector_store %arg12[%swap3A, %swap3A_79], %add3A_78 {strides = array<i32>} : memref<2000x128xf32, #tpu.memory_space<vmem>>, vector<2000x128xf32>,
    return
  }
  func.func @transform_0(%arg0: i32) -> (i32, i32) {
    %c0_i32 = arith.constant 0 : i32
    %c0_i32_0 = arith.constant 0 : i32
    return %arg0, %c0_i32 : i32, i32
  }
  func.func @transform_1(%arg0: i32) -> (i32, i32, i32) {
    %c0_i32 = arith.constant 0 : i32
    %c0_i32_0 = arith.constant 0 : i32
    %c0_i32_1 = arith.constant 0 : i32
    return %c0_i32, %arg0, %c0_i32_0 : i32, i32, i32
  }
  func.func @transform_2(%arg0: i32) -> (i32, i32) {
    %c0_i32 = arith.constant 0 : i32
    %c0_i32_0 = arith.constant 0 : i32
    return %arg0, %c0_i32 : i32, i32
  }
  func.func @transform_3(%arg0: i32) -> (i32, i32) {
    %c0_i32 = arith.constant 0 : i32
    %c0_i32_0 = arith.constant 0 : i32
    return %arg0, %c0_i32 : i32, i32
  }
  func.func @transform_4(%arg0: i32) -> (i32, i32) {
    %c0_i32 = arith.constant 0 : i32
    %c0_i32_0 = arith.constant 0 : i32
    %c0_i32_1 = arith.constant 0 : i32
    return %c0_i32, %c0_i32_0 : i32, i32
  }
  func.func @transform_5(%arg0: i32) -> (i32, i32) {
    %c0_i32 = arith.constant 0 : i32
    %c0_i32_0 = arith.constant 0 : i32
    %c0_i32_1 = arith.constant 0 : i32
    return %c0_i32, %c0_i32_0 : i32, i32
  }
  func.func @transform_6(%arg0: i32) -> (i32, i32) {
    %c0_i32 = arith.constant 0 : i32
    %c0_i32_0 = arith.constant 0 : i32
    %c0_i32_1 = arith.constant 0 : i32
    return %c0_i32, %c0_i32_0 : i32, i32
  }
  func.func @transform_7(%arg0: i32) -> (i32, i32) {
    %c0_i32 = arith.constant 0 : i32
    %c0_i32_0 = arith.constant 0 : i32
    %c0_i32_1 = arith.constant 0 : i32
    return %c0_i32, %c0_i32_0 : i32, i32
  }
  func.func @transform_8(%arg0: i32) -> (i32, i32) {
    %c0_i32 = arith.constant 0 : i32
    %c0_i32_0 = arith.constant 0 : i32
    %c0_i32_1 = arith.constant 0 : i32
    return %c0_i32, %c0_i32_0 : i32, i32
  }
  func.func @transform_9(%arg0: i32) -> (i32, i32) {
    %c0_i32 = arith.constant 0 : i32
    %c0_i32_0 = arith.constant 0 : i32
    %c0_i32_1 = arith.constant 0 : i32
    return %c0_i32, %c0_i32_0 : i32, i32
  }
  func.func @transform_10(%arg0: i32) -> (i32, i32) {
    %c0_i32 = arith.constant 0 : i32
    %c0_i32_0 = arith.constant 0 : i32
    %c0_i32_1 = arith.constant 0 : i32
    return %c0_i32, %c0_i32_0 : i32, i32
  }
  func.func @transform_11(%arg0: i32) -> (i32, i32) {
    %c0_i32 = arith.constant 0 : i32
    %c0_i32_0 = arith.constant 0 : i32
    return %arg0, %c0_i32 : i32, i32
  }
}

</mosaic_0001>

<sc_bundles>
// kernel: kernel.11.cloned.1.call-start
scs
__scs_entry_jumppad:
0x0: {  	(pc) =	sbr.rel $0x88, $3  }
0x1: {  	(tag) =	ssettag $0x0;
	lr =	simm.s32 $0x1  }
0x2: {  	[smem:$0x3F92] =	sst lr;
	_ =	strace $0xD0000000  }
0x3: {  	_ = 	snop  }
0x4: {  	_ = 	snop  }
0x5: {  	_ = 	snop  }
0x6: {  	_ = 	snop  }
0x7: {  	_ = 	snop  }
__scs_overlays_trampoline_lowered:
0x8: {  	[smem:$0x3FA1] =	sst s0  }
0x9: {  	[smem:$0x3FA2] =	sst s1  }
0xa: {  	[smem:$0x3FA3] =	sst s2  }
0xb: {  	[smem:$0x3FA4] =	sst s3  }
0xc: {  	[smem:$0x3FA5] =	sst s4  }
0xd: {  	[smem:$0x3FA6] =	sst s5  }
0xe: {  	[smem:$0x3FA7] =	sst s6  }
0xf: {  	[smem:$0x3FA8] =	sst s7  }
0x10: {  	[smem:$0x3FA9] =	sst s8  }
0x11: {  	[smem:$0x3FAA] =	sst s9;
	s0 =	simm.s32 @!p0 $0x0  }
0x12: {  	s1 =	sld [smem:$0x3F90];
	s0 =	simm.s32 @p0 $0x1  }
0x13: {  	[smem:$0x3FAB] =	sst s0;
	s0 =	simm.s32 @!p1 $0x0  }
0x14: {  	s2 =	sld [smem:$0x3F8F];
	s0 =	simm.s32 @p1 $0x1  }
0x15: {  	[smem:$0x3FAC] =	sst s0;
	s0 =	simm.s32 @!p2 $0x0  }
0x16: {  	s3 =	sld [smem:$0x3FDB];
	s0 =	simm.s32 @p2 $0x1  }
0x17: {  	s4 =	simm.s32 $0x1BF5;
	[smem:$0x3FAE] =	sst s0  }
0x18: {  	s0 =	sld [smem:$0x3F91];
	_ =	swait.ge [sflag:s4], $0x0  }
0x19: {  	s7 =	sld [smem:$0x3F92]  }
0x1a: {  	s8 =	sadd.s32 $0xFFFFE003, lr  }
0x1b: {  	s9 =	sadd.s32 $0xFFFFFEF7, lr;
	s5 =	simm.s32 $0xFFFFFFFF;
	p2 =	slt.u32 s8, $0xFFFFF086  }
0x1c: {  	p1 =	slt.u32 s9, $0xF7A;
	s5 =	simm.s32 @!p2 $0x0  }
0x1d: {  	s5 =	simm.s32 @p1 $0x1;
	p0 =	seq.s32 s7, s2  }
0x1e: {  	s7 =	smul.u32 @!p0 $0xF7A, s2;
	p2 =	seq.s32 @!p0 s5, $0x0  }
0x1f: {  	s9 =	smul.u32 $0xF7A, s1;
	s8 =	simm.s32 @!p0 $0x1BF5;
	p2 =	por !p2, p0  }
0x20: {  	[sflag:s8] =	ssyncset.s32 @!p0 $0xFFFFF086;
	s6 =	sadd.s32 @!p0 s3, s7;
	s7 =	simm.s32 @!p0 $0x108  }
0x21: {  	s3 =	sadd.s32 s3, s9;
	s6 =	sadd.s32 @!p0 $0x88, s6;
	s7 =	simm.s32 @p2 $0x1082  }
0x22: {  	[simem:s7], [sflag:s8] =	dma.local @!p0 [hbm:s6], $0xF7A  }
0x23: {  	s9 =	sor.u32 $0xD0000000, s2;
	s6 =	simm.s32 $0x108;
	_ =	swait.ge @!p0 [sflag:s8], $0x0  }
0x24: {  	s3 =	sadd.s32 $0x88, s3;
	s6 =	simm.s32 @!p1 $0x1082;
	[sflag:s4] =	ssyncset.s32 $0xFFFFF086  }
0x25: {  	[simem:s6], [sflag:s4] =	dma.local [hbm:s3], $0xF7A  }
0x26: {  	[smem:$0x3F92] =	sst s1;
	(tag) =	ssettag s2;
	_ =	strace s9  }
0x27: {  	s1 =	sld [smem:$0x3FA2]  }
0x28: {  	s2 =	sld [smem:$0x3FA3]  }
0x29: {  	s4 =	sld [smem:$0x3FA5]  }
0x2a: {  	p0 =	seq.s32 s5, $0x0;
	s5 =	sld [smem:$0x3FA6]  }
0x2b: {  	s6 =	sld [smem:$0x3FA7]  }
0x2c: {  	s7 =	sld [smem:$0x3FA8]  }
0x2d: {  	s3 =	simm.s32 $0x108;
	s8 =	sld [smem:$0x3FA9]  }
0x2e: {  	s3 =	simm.s32 @!p0 $0x1082;
	s9 =	sld [smem:$0x3FAA]  }
0x2f: {  	lr =	sadd.s32 s0, s3;
	s0 =	sld [smem:$0x3FA1]  }
0x30: {  	s3 =	sld [smem:$0x3FA4]  }
0x31: {  	[smem:$0x3FAD] =	sst s10  }
0x32: {  	s10 =	sld [smem:$0x3FAB];
	_ =	sdelay $0x3  }
0x33: {  	p0 =	seq.s32 s10, $0x1;
	s10 =	sld [smem:$0x3FAD];
	_ =	sdelay $0x3  }
0x34: {  	[smem:$0x3FAD] =	sst s10  }
0x35: {  	s10 =	sld [smem:$0x3FAC];
	_ =	sdelay $0x3  }
0x36: {  	p1 =	seq.s32 s10, $0x1;
	s10 =	sld [smem:$0x3FAD];
	_ =	sdelay $0x3  }
0x37: {  	[smem:$0x3FAD] =	sst s10  }
0x38: {  	s10 =	sld [smem:$0x3FAE]  }
0x39: {  	_ = 	snop;
	(pc) =	sbr.ind lr, $3  }
0x3a: {  	_ = 	snop  }
0x3b: {  	_ = 	snop  }
0x3c: {  	p2 =	seq.s32 s10, $0x1;
	s10 =	sld [smem:$0x3FAD]  }
0x3d: {  	_ =	shalt  }
0x3e: {  	_ =	shalt  }
0x3f: {  	_ =	shalt  }
0x40: {  	_ =	shalt  }
0x41: {  	_ =	shalt  }
0x42: {  	_ =	shalt  }
0x43: {  	_ =	shalt  }
0x44: {  	_ =	shalt  }
0x45: {  	_ =	shalt  }
0x46: {  	_ =	shalt  }
0x47: {  	_ =	shalt  }
0x48: {  	_ =	shalt  }
0x49: {  	_ =	shalt  }
0x4a: {  	_ =	shalt  }
0x4b: {  	_ =	shalt  }
0x4c: {  	_ =	shalt  }
0x4d: {  	_ =	shalt  }
0x4e: {  	_ =	shalt  }
0x4f: {  	_ =	shalt  }
0x50: {  	_ =	shalt  }
0x51: {  	_ =	shalt  }
0x52: {  	_ =	shalt  }
0x53: {  	_ =	shalt  }
0x54: {  	_ =	shalt  }
0x55: {  	_ =	shalt  }
0x56: {  	_ =	shalt  }
0x57: {  	_ =	shalt  }
0x58: {  	_ =	shalt  }
0x59: {  	_ =	shalt  }
0x5a: {  	_ =	shalt  }
0x5b: {  	_ =	shalt  }
0x5c: {  	_ =	shalt  }
0x5d: {  	_ =	shalt  }
0x5e: {  	_ =	shalt  }
0x5f: {  	_ =	shalt  }
0x60: {  	_ =	shalt  }
0x61: {  	_ =	shalt  }
0x62: {  	_ =	shalt  }
0x63: {  	_ =	shalt  }
0x64: {  	_ =	shalt  }
0x65: {  	_ =	shalt  }
0x66: {  	_ =	shalt  }
0x67: {  	_ =	shalt  }
0x68: {  	_ =	shalt  }
0x69: {  	_ =	shalt  }
0x6a: {  	_ =	shalt  }
0x6b: {  	_ =	shalt  }
0x6c: {  	_ =	shalt  }
0x6d: {  	_ =	shalt  }
0x6e: {  	_ =	shalt  }
0x6f: {  	_ =	shalt  }
0x70: {  	_ =	shalt  }
0x71: {  	_ =	shalt  }
0x72: {  	_ =	shalt  }
0x73: {  	_ =	shalt  }
0x74: {  	_ =	shalt  }
0x75: {  	_ =	shalt  }
0x76: {  	_ =	shalt  }
0x77: {  	_ =	shalt  }
0x78: {  	_ =	shalt  }
0x79: {  	_ =	shalt  }
0x7a: {  	_ =	shalt  }
0x7b: {  	_ =	shalt  }
0x7c: {  	_ =	shalt  }
0x7d: {  	_ =	shalt  }
0x7e: {  	_ =	shalt  }
0x7f: {  	_ =	shalt  }
0x80: {  	_ =	shalt  }
0x81: {  	_ =	shalt  }
0x82: {  	_ =	shalt  }
0x83: {  	_ =	shalt  }
0x84: {  	_ =	shalt  }
0x85: {  	_ =	shalt  }
0x86: {  	_ =	shalt  }
0x87: {  	_ =	shalt  }
.Lfunc_end0:
.L_simem_size_0:
called_computation.1_lowered:
.L_overlay_start_0:
0x88: {  	s2 =	sld [smem:$0x3FD9]  }
0x89: {  	s3 =	sld [smem:$0x3FFE];
	_ =	sdelay $0x1  }
0x8a: {  	s1 =	srdreg.scid  }
0x8b: {  	s0 =	sand.u32 $0x1, s1  }
0x8c: {  	s17 =	sshll.u32 s0, $0xA;
	s2 =	sadd.s32 s3, s2  }
0x8d: {  	s2 =	sadd.s32 s2, s17  }
0x8e: {  	[smem:$0x3FB9] =	sst s2  }
0x8f: {  	_ = 	snop  }
0x90: {  	(tm) =	ssettm $0x1  }
0x91: {  	s18 =	sld [smem:$0x3FFB];
	_ =	sdelay $0x3  }
0x92: {  	_ =	strace s18  }
0x93: {  	s2 =	sld [smem:$0x3FFC];
	_ =	sdelay $0x3  }
0x94: {  	_ =	strace s2  }
0x95: {  	s2 =	sld [smem:$0x3FFD];
	_ =	sdelay $0x3  }
0x96: {  	_ =	strace s2  }
0x97: {  	_ =	strace $0x8FFFFFFF  }
0x98: {  	s19 =	sld [smem:$0x3FDB];
	_ =	sdelay $0x1  }
0x99: {  	s20 =	simm.s32 $_scs_section_size  }
0x9a: {  	s4 =	simm.s32 $_size__tile_overlayer_lowered;
	s5 =	simm.s32 $_tile_overlayer_lowered  }
0x9b: {  	s6 =	simm.s32 $0x1BFF;
	s21 =	sshll.u32 s5, $0x1;
	s3 =	sadd.s32 s20, s19  }
0x9c: {  	s22 =	simm.s32 $0x0;
	s4 =	sshll.u32 s4, $0x1;
	s5 =	sadd.s32 s21, s3  }
0x9d: {  	[timem:s22], [sflag:s6] =	dma.local [hbm:s5], s4  }
0x9e: {  	_ =	swait.ge [sflag:s6], s4  }
0x9f: {  	s4 =	ssub.s32 $0x0, s4;
	[sflag:s6] =	ssyncset.done $0x0  }
0xa0: {  	[sflag:s6] =	ssyncadd.s32 s4;
	_ =	sdelay $0x1  }
0xa1: {  	s23 =	simm.s32 $0x1B8B  }
0xa2: {  	_ =	swait.ge [sflag:s23], $0x1  }
0xa3: {  	[sflag:s23] =	ssyncset.done $0x0  }
0xa4: {  	[sflag:s23] =	ssyncadd.s32 $0xFFFFFFFF  }
0xa5: {  	s4 =	sld [smem:$0x0]  }
0xa6: {  	s5 =	sand.u32 $0xFFFFFFFE, s1  }
0xa7: {  	p0 =	sne.s32 s1, s5  }
0xa8: {  	s5 =	sshll.u32 @p0 s5, $0xE  }
0xa9: {  	s5 =	sadd.s32 @p0 $0x11B8D, s5;
	s6 =	sshll.u32 @p0 s4, $0x11  }
0xaa: {  	s5 =	sor.u32 @p0 s6, s5  }
0xab: {  	[sflag:s5] =	ssyncadd.remote.s32 @p0 $0x1;
	_ =	sdelay $0x1  }
0xac: {  	s5 =	simm.s32 @p0 $0x1B8D  }
0xad: {  	_ =	swait.eq @p0 [sflag:s5], $0x1  }
0xae: {  	[sflag:s5] =	ssyncadd.s32 @p0 $0xFFFFFFFF  }
0xaf: {  	s6 =	sshll.u32 @!p0 s1, $0xE  }
0xb0: {  	s6 =	sor.u32 @!p0 $0x4000, s6;
	s5 =	simm.s32 @!p0 $0x1B8D  }
0xb1: {  	s4 =	sshll.u32 @!p0 s4, $0x11;
	s6 =	sadd.s32 @!p0 $0x11B8D, s6;
	_ =	swait.eq @!p0 [sflag:s5], $0x1  }
0xb2: {  	s4 =	sor.u32 @!p0 s4, s6;
	[sflag:s5] =	ssyncadd.s32 @!p0 $0xFFFFFFFF  }
0xb3: {  	s25 =	simm.s32 $0x1B8E;
	s24 =	sld [smem:$0x3FFE];
	[sflag:s4] =	ssyncadd.remote.s32 @!p0 $0x1  }
0xb4: {  	s26 =	simm.s32 $execute0_lowered;
	[smem:$0x3FD2] =	sst s25  }
0xb5: {  	s5 =	sshll.u32 s26, $0x1;
	_ =	strace $0x80000049;
	[dreg:$0x1] =	wrdreg $0xFFFFFFFF  }
0xb6: {  	s28 =	simm.s32 $_size_execute0_lowered;
	s3 =	sadd.s32 s3, s5;
	[dreg:$0x0] =	wrdreg $0x0  }
0xb7: {  	s5 =	sshll.u32 s28, $0x1;
	[dreg:$0x2] =	wrdreg s3  }
0xb8: {  	[dreg:$0x3] =	wrdreg s5  }
0xb9: {  	[dreg:$0x4] =	wrdreg $0xC0  }
0xba: {  	_ =	task [dreg:s22], $0x5FFFF  }
0xbb: {  	[dreg:$0x1] =	wrdreg $0xFFFFFFFF  }
0xbc: {  	[dreg:$0x0] =	wrdreg $0x60  }
0xbd: {  	[dreg:$0x2] =	wrdreg s24  }
0xbe: {  	[dreg:$0x3] =	wrdreg $0x1800  }
0xbf: {  	[dreg:$0x4] =	wrdreg $0x9  }
0xc0: {  	_ =	task.clear_ibuf [dreg:s22], $0x5FFFF;
	_ =	strace $0x90000049  }
0xc1: {  	s29 =	simm.s32 $0x9;
	_ =	strace $0x8000004B  }
0xc2: {  	_ =	swait.ge [sflag:s29], $0x1  }
0xc3: {  	[sflag:s29] =	ssyncadd.s32 $0xFFFFFFFF  }
0xc4: {  	_ =	strace $0x9000004B  }
0xc5: {  	_ =	sfence  }
0xc6: {  	s30 =	sld [smem:$0x0];
	_ =	sdelay $0x2  }
0xc7: {  	s31 =	sshll.u32 s1, $0xD;
	s1 =	sshrl.u32 s1, $0x2  }
0xc8: {  	s4 =	sand.u32 $0x4000, s31;
	s1 =	sadd.s32 s1, s30  }
0xc9: {  	s0 =	sor.u32 s4, s0;
	s1 =	sshll.u32 s1, $0x11  }
0xca: {  	s0 =	sor.u32 s1, s0  }
0xcb: {  	s0 =	sadd.s32 $0x8F2B, s0  }
0xcc: {  	[sflag:s0] =	ssyncadd.remote.s32 $0x1  }
0xcd: {  	_ =	sfence.sel $0xFFFF  }
0xce: {  	[dreg:$0x0] =	wrdreg $0xFFFFFFFF;
	(pc) =	sbr.abs _section_cstart, $3  }
0xcf: {  	[dreg:$0x1] =	wrdreg $0xFFFFFFFF  }
0xd0: {  	_ =	task.clear_ibuf [dreg:s22], $0x2FFFF;
	_ =	strace $0x9FFFFFFF  }
0xd1: {  	(tm) =	ssettm $0x7FFFFFFF  }
tec
execute0_lowered:
.L_overlay_start_1:
0x0: {  	(tag) =	ssettag $0x1  }
0x1: {  	s6 =	rddreg [dreg:$0x0]  }
0x2: {  	s2 =	rddreg [dreg:$0x1];
	s1 =	stileid.u32  }
0x3: {  	s0 =	rddreg [dreg:$0x2];
	s3 =	simm.s32 $0x0;
	s5 =	srdreg.scid  }
0x4: {  	s4 =	smul.u32 $0xA00, s1;
	[smem:$0x7FF] =	sst s3  }
0x5: {  	s14 =	sand.u32 $0x1, s5;
	s12 =	smul.u32 $0x278, s1;
	s5 =	sadd.s32 $0xA4A000, s6  }
0x6: {  	s17 =	sadd.s32 $0xA4A400, s6;
	_ =	strace $0x8000004A;
	s7 =	ssub.s32 $0x2, s14  }
0x7: {  	p0 =	seq.s32 s14, $0x1;
	s28 =	smul.u32 $0x500, s14;
	s16 =	sadd.s32 s4, s6  }
0x8: {  	s4 =	sadd.s32 $0xA4A200, s6;
	s26 =	sshrl.u32 s7, $0x1;
	s6 =	sadd.s32 s12, s2  }
0x9: {  	s13 =	sadd.s32 $0x80, s12;
	s15 =	sadd.s32 $0x100, s12;
	s18 =	sadd.s32 $0x180, s12  }
0xa: {  	s19 =	sadd.s32 $0x200, s12;
	s20 =	sadd.s32 $0x2780, s12;
	s21 =	sadd.s32 $0x2800, s12  }
0xb: {  	s22 =	sadd.s32 $0x2880, s12;
	s23 =	sadd.s32 $0x2900, s12;
	s24 =	sadd.s32 $0x2980, s12  }
0xc: {  	s11 =	ssub.s32 s7, s26;
	s7 =	sadd.s32 s13, s2;
	s8 =	sadd.s32 s15, s2  }
0xd: {  	s9 =	sadd.s32 s18, s2;
	s10 =	sadd.s32 s19, s2;
	s12 =	smov.u32 @p0 s20  }
0xe: {  	s13 =	smov.u32 @p0 s21;
	s15 =	smov.u32 @p0 s22;
	s18 =	smov.u32 @p0 s23  }
0xf: {  	s19 =	smov.u32 @p0 s24;
	s31 =	sadd.s32 s28, s16;
	s20 =	simm.s32 $0x100  }
0x10: {  	s21 =	simm.s32 $0x0;
	s11 =	smax.u32 s11, $0x1;
	s12 =	sshrl.u32 s12, $0x3  }
0x11: {  	s13 =	sshrl.u32 s13, $0x3;
	s15 =	sshrl.u32 s15, $0x3;
	s29 =	sshrl.u32 s18, $0x3  }
0x12: {  	s30 =	sshrl.u32 s19, $0x3;
	s18 =	simm.s32 $0x80;
	s19 =	simm.s32 $0x1  }
0x13: {  	s12 =	sadd.s32 s17, s12;
	s13 =	sadd.s32 s17, s13;
	s14 =	sadd.s32 s17, s15  }
0x14: {  	s15 =	sadd.s32 s17, s29;
	s16 =	sadd.s32 s17, s30;
	s17 =	sadd.s32 $0x40000, s31  }
.LBB2_1:
0x15: {  	[tilespmem:s18], [sflag:$0x1] =	stream.linear.gather [hbm4b:s4+s3], $0x80, $0x38;
	[tilespmem:$0x3F8] =	vst v63  }
0x16: {  	_ =	swait.ge [sflag:s19], $0x80  }
0x17: {  	[sflag:s19] =	ssyncset.done $0x0  }
0x18: {  	[sflag:s19] =	ssyncadd.s32 $0xFFFFFF80  }
0x19: {  	[spmem:s6] =	stream.linear.scatter [tilespmem:s18], [sflag:$0x1], $0x80, $0x38;
	[tilespmem:$0x3F8] =	vst v63  }
0x1a: {  	_ =	swait.ge [sflag:s19], $0x80  }
0x1b: {  	[sflag:s19] =	ssyncset.done $0x0  }
0x1c: {  	[sflag:s19] =	ssyncadd.s32 $0xFFFFFF80  }
0x1d: {  	[spmem:s7] =	stream.linear.scatter [tilespmem:s18], [sflag:$0x1], $0x80, $0x38;
	[tilespmem:$0x3F8] =	vst v63  }
0x1e: {  	_ =	swait.ge [sflag:s19], $0x80  }
0x1f: {  	[sflag:s19] =	ssyncset.done $0x0  }
0x20: {  	[sflag:s19] =	ssyncadd.s32 $0xFFFFFF80  }
0x21: {  	[spmem:s8] =	stream.linear.scatter [tilespmem:s18], [sflag:$0x1], $0x80, $0x38;
	[tilespmem:$0x3F8] =	vst v63  }
0x22: {  	_ =	swait.ge [sflag:s19], $0x80  }
0x23: {  	[sflag:s19] =	ssyncset.done $0x0  }
0x24: {  	[sflag:s19] =	ssyncadd.s32 $0xFFFFFF80  }
0x25: {  	[spmem:s9] =	stream.linear.scatter [tilespmem:s18], [sflag:$0x1], $0x80, $0x38;
	[tilespmem:$0x3F8] =	vst v63  }
0x26: {  	_ =	swait.ge [sflag:s19], $0x80  }
0x27: {  	[sflag:s19] =	ssyncset.done $0x0  }
0x28: {  	[sflag:s19] =	ssyncadd.s32 $0xFFFFFF80  }
0x29: {  	[spmem:s10] =	stream.linear.scatter [tilespmem:s18], [sflag:$0x1], $0x78, $0x38;
	[tilespmem:$0x3F8] =	vst v63  }
0x2a: {  	_ =	swait.ge [sflag:s19], $0x78  }
0x2b: {  	[sflag:s19] =	ssyncset.done $0x0  }
0x2c: {  	[sflag:s19] =	ssyncadd.s32 $0xFFFFFF88  }
0x2d: {  	[tilespmem:s20], [sflag:$0x1] =	stream.linear.gather [hbm4b:s5+s3], $0x80, $0x38;
	[tilespmem:$0x3F8] =	vst v63  }
0x2e: {  	_ =	swait.ge [sflag:s19], $0x80  }
0x2f: {  	[sflag:s19] =	ssyncset.done $0x0  }
0x30: {  	[sflag:s19] =	ssyncadd.s32 $0xFFFFFF80  }
0x31: {  	s22 =	sadd.s32 $0x0, s17;
	[bflag:$0x0] =	sbarrier.arrive $0xFFFF  }
0x32: {  	[tilespmem:s3], [sflag:$0x1] =	stream.linear.gather [hbm4b:s22+s3], $0x80, $0x38;
	[tilespmem:$0x3F8] =	vst v63  }
0x33: {  	_ =	swait.ge [sflag:s19], $0x80  }
0x34: {  	[sflag:s19] =	ssyncset.done $0x0  }
0x35: {  	[sflag:s19] =	ssyncadd.s32 $0xFFFFFF80  }
0x36: {  	[spmem:s2] =	stream.indirect.scatter.add.f32 [tilespmem:s20], [sflag:$0x1], $0x1, s3, s18, $0xb8;
	[tilespmem:$0x3F8] =	vst v63  }
0x37: {  	_ =	swait.ge [sflag:s19], $0x80  }
0x38: {  	s23 =	simm.s32 $0x20;
	s22 =	simm.s32 $0x10;
	[sflag:s19] =	ssyncset.done $0x0  }
.LBB2_2:
0x39: {  	s24 =	sadd.s32 s22, s17  }
0x3a: {  	[sflag:s19] =	ssyncadd.s32 $0xFFFFFF80;
	s22 =	smov.u32 s23;
	s25 =	sadd.s32 $0x10, s23  }
0x3b: {  	[tilespmem:s3], [sflag:$0x1] =	stream.linear.gather [hbm4b:s24+s3], $0x80, $0x38;
	[tilespmem:$0x3F8] =	vst v63  }
0x3c: {  	p0 =	sne.s32 s23, $0x4F0;
	_ =	swait.ge [sflag:s19], $0x80  }
.Ltmp0:
0x3d: {  	[sflag:s19] =	ssyncset.done $0x0;
	(pc) =	sbr.rel @p0 .LBB2_2-.Ltmp0, $4  }
0x3e: {  	[sflag:s19] =	ssyncadd.s32 $0xFFFFFF80  }
0x3f: {  	[spmem:s2] =	stream.indirect.scatter.add.f32 [tilespmem:s20], [sflag:$0x1], $0x1, s3, s18, $0xb8;
	[tilespmem:$0x3F8] =	vst v63  }
0x40: {  	_ =	swait.ge [sflag:s19], $0x80  }
0x41: {  	s23 =	smov.u32 s25;
	[sflag:s19] =	ssyncset.done $0x0  }
0x42: {  	s22 =	sadd.s32 s22, s17;
	[sflag:s19] =	ssyncadd.s32 $0xFFFFFF80  }
0x43: {  	[tilespmem:s3], [sflag:$0x1] =	stream.linear.gather [hbm4b:s22+s3], $0x80, $0x38;
	[tilespmem:$0x3F8] =	vst v63  }
0x44: {  	_ =	swait.ge [sflag:s19], $0x80  }
0x45: {  	[sflag:s19] =	ssyncset.done $0x0  }
0x46: {  	[sflag:s19] =	ssyncadd.s32 $0xFFFFFF80  }
0x47: {  	[spmem:s2] =	stream.indirect.scatter.add.f32 [tilespmem:s20], [sflag:$0x1], $0x1, s3, s18, $0xb8;
	[tilespmem:$0x3F8] =	vst v63  }
0x48: {  	_ =	swait.ge [sflag:s19], $0x80  }
0x49: {  	[sflag:s19] =	ssyncset.done $0x0  }
0x4a: {  	[sflag:s19] =	ssyncadd.s32 $0xFFFFFF80  }
0x4b: {  	[bflag:$0x0] =	sbarrier.arrive $0xFFFF  }
0x4c: {  	[tilespmem:s18], [sflag:$0x1] =	stream.linear.gather [spmem:s6], $0x80, $0x38;
	[tilespmem:$0x3F8] =	vst v63  }
0x4d: {  	_ =	swait.ge [sflag:s19], $0x80  }
0x4e: {  	[sflag:s19] =	ssyncset.done $0x0  }
0x4f: {  	[sflag:s19] =	ssyncadd.s32 $0xFFFFFF80  }
0x50: {  	[hbm4b:s12+s3] =	stream.linear.scatter [tilespmem:s18], [sflag:$0x1], $0x80, $0x38;
	[tilespmem:$0x3F8] =	vst v63  }
0x51: {  	_ =	swait.ge [sflag:s19], $0x80  }
0x52: {  	[sflag:s19] =	ssyncset.done $0x0  }
0x53: {  	[sflag:s19] =	ssyncadd.s32 $0xFFFFFF80  }
0x54: {  	[tilespmem:s18], [sflag:$0x1] =	stream.linear.gather [spmem:s7], $0x80, $0x38;
	[tilespmem:$0x3F8] =	vst v63  }
0x55: {  	_ =	swait.ge [sflag:s19], $0x80  }
0x56: {  	[sflag:s19] =	ssyncset.done $0x0  }
0x57: {  	[sflag:s19] =	ssyncadd.s32 $0xFFFFFF80  }
0x58: {  	[hbm4b:s13+s3] =	stream.linear.scatter [tilespmem:s18], [sflag:$0x1], $0x80, $0x38;
	[tilespmem:$0x3F8] =	vst v63  }
0x59: {  	_ =	swait.ge [sflag:s19], $0x80  }
0x5a: {  	[sflag:s19] =	ssyncset.done $0x0  }
0x5b: {  	[sflag:s19] =	ssyncadd.s32 $0xFFFFFF80  }
0x5c: {  	[tilespmem:s18], [sflag:$0x1] =	stream.linear.gather [spmem:s8], $0x80, $0x38;
	[tilespmem:$0x3F8] =	vst v63  }
0x5d: {  	_ =	swait.ge [sflag:s19], $0x80  }
0x5e: {  	[sflag:s19] =	ssyncset.done $0x0  }
0x5f: {  	[sflag:s19] =	ssyncadd.s32 $0xFFFFFF80  }
0x60: {  	[hbm4b:s14+s3] =	stream.linear.scatter [tilespmem:s18], [sflag:$0x1], $0x80, $0x38;
	[tilespmem:$0x3F8] =	vst v63  }
0x61: {  	_ =	swait.ge [sflag:s19], $0x80  }
0x62: {  	[sflag:s19] =	ssyncset.done $0x0  }
0x63: {  	[sflag:s19] =	ssyncadd.s32 $0xFFFFFF80  }
0x64: {  	[tilespmem:s18], [sflag:$0x1] =	stream.linear.gather [spmem:s9], $0x80, $0x38;
	[tilespmem:$0x3F8] =	vst v63  }
0x65: {  	_ =	swait.ge [sflag:s19], $0x80  }
0x66: {  	[sflag:s19] =	ssyncset.done $0x0  }
0x67: {  	[sflag:s19] =	ssyncadd.s32 $0xFFFFFF80  }
0x68: {  	[hbm4b:s15+s3] =	stream.linear.scatter [tilespmem:s18], [sflag:$0x1], $0x80, $0x38;
	[tilespmem:$0x3F8] =	vst v63  }
0x69: {  	_ =	swait.ge [sflag:s19], $0x80  }
0x6a: {  	[sflag:s19] =	ssyncset.done $0x0  }
0x6b: {  	[sflag:s19] =	ssyncadd.s32 $0xFFFFFF80  }
0x6c: {  	[tilespmem:s18], [sflag:$0x1] =	stream.linear.gather [spmem:s10], $0x78, $0x38;
	[tilespmem:$0x3F8] =	vst v63  }
0x6d: {  	s21 =	sadd.s32 $0x1, s21;
	_ =	swait.ge [sflag:s19], $0x78  }
0x6e: {  	p0 =	sne.s32 s21, s11;
	[sflag:s19] =	ssyncset.done $0x0  }
.Ltmp1:
0x6f: {  	[sflag:s19] =	ssyncadd.s32 $0xFFFFFF88;
	(pc) =	sbr.rel @p0 .LBB2_1-.Ltmp1, $4  }
0x70: {  	[hbm4b:s16+s3] =	stream.linear.scatter [tilespmem:s18], [sflag:$0x1], $0x78, $0x38;
	[tilespmem:$0x3F8] =	vst v63  }
0x71: {  	_ =	swait.ge [sflag:s19], $0x78  }
0x72: {  	[sflag:s19] =	ssyncset.done $0x0  }
0x73: {  	[sflag:s19] =	ssyncadd.s32 $0xFFFFFF88  }
0x74: {  	_ =	sfence.sel $0x180000  }
0x75: {  	[bflag:$0x0] =	sbarrier.arrive $0xFFFF  }
0x76: {  	p0 =	sne.s32 s1, $0x0;
	_ =	strace $0x9000004A  }
0x77: {  	s0 =	sadd.s32 @!p0 $0x100000, s0;
	[bflag:$0x2] =	sbarrier.arrive $0xFFFF  }
0x78: {  	[sflag:s0] =	ssyncadd.tile.s32 @!p0 $0x1;
	_ =	shalt  }
.Lfunc_end2:
_tile_overlayer_lowered:
.L_overlay_start_2:
0x79: {  	(tag) =	ssettag $0x2  }
0x7a: {  	s0 =	rddreg [dreg:$0x0];
	s2 =	stileid.u32  }
0x7b: {  	s1 =	rddreg [dreg:$0x1];
	p0 =	sne.s32 s2, $0x0  }
0x7c: {  	s3 =	rddreg [dreg:$0x2];
	[bflag:$0x3] =	sbarrier.arrive $0xFFFF;
	s2 =	simm.s32 @!p0 $0x1C01  }
0x7d: {  	[timem:s3], [sflag:s2] =	dma.local @!p0 [hbm:s0], s1  }
0x7e: {  	s0 =	simm.s32 @!p0 $0x1  }
0x7f: {  	_ =	swait.ge @!p0 [sflag:s0], s1  }
0x80: {  	s1 =	ssub.s32 @!p0 $0x0, s1;
	[sflag:s0] =	ssyncset.done @!p0 $0x0  }
0x81: {  	[sflag:s0] =	ssyncadd.s32 @!p0 s1  }
0x82: {  	[bflag:$0x3] =	sbarrier.arrive $0xFFFF  }
0x83: {  	_ =	shalt  }

// kernel: kernel.14.cloned.1.call-start
scs
__scs_entry_jumppad:
0x0: {  	(pc) =	sbr.rel $0x88, $3  }
0x1: {  	(tag) =	ssettag $0x0;
	lr =	simm.s32 $0x1  }
0x2: {  	[smem:$0x3F92] =	sst lr;
	_ =	strace $0xD0000000  }
0x3: {  	_ = 	snop  }
0x4: {  	_ = 	snop  }
0x5: {  	_ = 	snop  }
0x6: {  	_ = 	snop  }
0x7: {  	_ = 	snop  }
__scs_overlays_trampoline_lowered:
0x8: {  	[smem:$0x3FA1] =	sst s0  }
0x9: {  	[smem:$0x3FA2] =	sst s1  }
0xa: {  	[smem:$0x3FA3] =	sst s2  }
0xb: {  	[smem:$0x3FA4] =	sst s3  }
0xc: {  	[smem:$0x3FA5] =	sst s4  }
0xd: {  	[smem:$0x3FA6] =	sst s5  }
0xe: {  	[smem:$0x3FA7] =	sst s6  }
0xf: {  	[smem:$0x3FA8] =	sst s7  }
0x10: {  	[smem:$0x3FA9] =	sst s8  }
0x11: {  	[smem:$0x3FAA] =	sst s9;
	s0 =	simm.s32 @!p0 $0x0  }
0x12: {  	s1 =	sld [smem:$0x3F90];
	s0 =	simm.s32 @p0 $0x1  }
0x13: {  	[smem:$0x3FAB] =	sst s0;
	s0 =	simm.s32 @!p1 $0x0  }
0x14: {  	s2 =	sld [smem:$0x3F8F];
	s0 =	simm.s32 @p1 $0x1  }
0x15: {  	[smem:$0x3FAC] =	sst s0;
	s0 =	simm.s32 @!p2 $0x0  }
0x16: {  	s3 =	sld [smem:$0x3FDB];
	s0 =	simm.s32 @p2 $0x1  }
0x17: {  	s4 =	simm.s32 $0x1BF5;
	[smem:$0x3FAE] =	sst s0  }
0x18: {  	s0 =	sld [smem:$0x3F91];
	_ =	swait.ge [sflag:s4], $0x0  }
0x19: {  	s7 =	sld [smem:$0x3F92]  }
0x1a: {  	s8 =	sadd.s32 $0xFFFFE003, lr  }
0x1b: {  	s9 =	sadd.s32 $0xFFFFFEF7, lr;
	s5 =	simm.s32 $0xFFFFFFFF;
	p2 =	slt.u32 s8, $0xFFFFF086  }
0x1c: {  	p1 =	slt.u32 s9, $0xF7A;
	s5 =	simm.s32 @!p2 $0x0  }
0x1d: {  	s5 =	simm.s32 @p1 $0x1;
	p0 =	seq.s32 s7, s2  }
0x1e: {  	s7 =	smul.u32 @!p0 $0xF7A, s2;
	p2 =	seq.s32 @!p0 s5, $0x0  }
0x1f: {  	s9 =	smul.u32 $0xF7A, s1;
	s8 =	simm.s32 @!p0 $0x1BF5;
	p2 =	por !p2, p0  }
0x20: {  	[sflag:s8] =	ssyncset.s32 @!p0 $0xFFFFF086;
	s6 =	sadd.s32 @!p0 s3, s7;
	s7 =	simm.s32 @!p0 $0x108  }
0x21: {  	s3 =	sadd.s32 s3, s9;
	s6 =	sadd.s32 @!p0 $0x88, s6;
	s7 =	simm.s32 @p2 $0x1082  }
0x22: {  	[simem:s7], [sflag:s8] =	dma.local @!p0 [hbm:s6], $0xF7A  }
0x23: {  	s9 =	sor.u32 $0xD0000000, s2;
	s6 =	simm.s32 $0x108;
	_ =	swait.ge @!p0 [sflag:s8], $0x0  }
0x24: {  	s3 =	sadd.s32 $0x88, s3;
	s6 =	simm.s32 @!p1 $0x1082;
	[sflag:s4] =	ssyncset.s32 $0xFFFFF086  }
0x25: {  	[simem:s6], [sflag:s4] =	dma.local [hbm:s3], $0xF7A  }
0x26: {  	[smem:$0x3F92] =	sst s1;
	(tag) =	ssettag s2;
	_ =	strace s9  }
0x27: {  	s1 =	sld [smem:$0x3FA2]  }
0x28: {  	s2 =	sld [smem:$0x3FA3]  }
0x29: {  	s4 =	sld [smem:$0x3FA5]  }
0x2a: {  	p0 =	seq.s32 s5, $0x0;
	s5 =	sld [smem:$0x3FA6]  }
0x2b: {  	s6 =	sld [smem:$0x3FA7]  }
0x2c: {  	s7 =	sld [smem:$0x3FA8]  }
0x2d: {  	s3 =	simm.s32 $0x108;
	s8 =	sld [smem:$0x3FA9]  }
0x2e: {  	s3 =	simm.s32 @!p0 $0x1082;
	s9 =	sld [smem:$0x3FAA]  }
0x2f: {  	lr =	sadd.s32 s0, s3;
	s0 =	sld [smem:$0x3FA1]  }
0x30: {  	s3 =	sld [smem:$0x3FA4]  }
0x31: {  	[smem:$0x3FAD] =	sst s10  }
0x32: {  	s10 =	sld [smem:$0x3FAB];
	_ =	sdelay $0x3  }
0x33: {  	p0 =	seq.s32 s10, $0x1;
	s10 =	sld [smem:$0x3FAD];
	_ =	sdelay $0x3  }
0x34: {  	[smem:$0x3FAD] =	sst s10  }
0x35: {  	s10 =	sld [smem:$0x3FAC];
	_ =	sdelay $0x3  }
0x36: {  	p1 =	seq.s32 s10, $0x1;
	s10 =	sld [smem:$0x3FAD];
	_ =	sdelay $0x3  }
0x37: {  	[smem:$0x3FAD] =	sst s10  }
0x38: {  	s10 =	sld [smem:$0x3FAE]  }
0x39: {  	_ = 	snop;
	(pc) =	sbr.ind lr, $3  }
0x3a: {  	_ = 	snop  }
0x3b: {  	_ = 	snop  }
0x3c: {  	p2 =	seq.s32 s10, $0x1;
	s10 =	sld [smem:$0x3FAD]  }
0x3d: {  	_ =	shalt  }
0x3e: {  	_ =	shalt  }
0x3f: {  	_ =	shalt  }
0x40: {  	_ =	shalt  }
0x41: {  	_ =	shalt  }
0x42: {  	_ =	shalt  }
0x43: {  	_ =	shalt  }
0x44: {  	_ =	shalt  }
0x45: {  	_ =	shalt  }
0x46: {  	_ =	shalt  }
0x47: {  	_ =	shalt  }
0x48: {  	_ =	shalt  }
0x49: {  	_ =	shalt  }
0x4a: {  	_ =	shalt  }
0x4b: {  	_ =	shalt  }
0x4c: {  	_ =	shalt  }
0x4d: {  	_ =	shalt  }
0x4e: {  	_ =	shalt  }
0x4f: {  	_ =	shalt  }
0x50: {  	_ =	shalt  }
0x51: {  	_ =	shalt  }
0x52: {  	_ =	shalt  }
0x53: {  	_ =	shalt  }
0x54: {  	_ =	shalt  }
0x55: {  	_ =	shalt  }
0x56: {  	_ =	shalt  }
0x57: {  	_ =	shalt  }
0x58: {  	_ =	shalt  }
0x59: {  	_ =	shalt  }
0x5a: {  	_ =	shalt  }
0x5b: {  	_ =	shalt  }
0x5c: {  	_ =	shalt  }
0x5d: {  	_ =	shalt  }
0x5e: {  	_ =	shalt  }
0x5f: {  	_ =	shalt  }
0x60: {  	_ =	shalt  }
0x61: {  	_ =	shalt  }
0x62: {  	_ =	shalt  }
0x63: {  	_ =	shalt  }
0x64: {  	_ =	shalt  }
0x65: {  	_ =	shalt  }
0x66: {  	_ =	shalt  }
0x67: {  	_ =	shalt  }
0x68: {  	_ =	shalt  }
0x69: {  	_ =	shalt  }
0x6a: {  	_ =	shalt  }
0x6b: {  	_ =	shalt  }
0x6c: {  	_ =	shalt  }
0x6d: {  	_ =	shalt  }
0x6e: {  	_ =	shalt  }
0x6f: {  	_ =	shalt  }
0x70: {  	_ =	shalt  }
0x71: {  	_ =	shalt  }
0x72: {  	_ =	shalt  }
0x73: {  	_ =	shalt  }
0x74: {  	_ =	shalt  }
0x75: {  	_ =	shalt  }
0x76: {  	_ =	shalt  }
0x77: {  	_ =	shalt  }
0x78: {  	_ =	shalt  }
0x79: {  	_ =	shalt  }
0x7a: {  	_ =	shalt  }
0x7b: {  	_ =	shalt  }
0x7c: {  	_ =	shalt  }
0x7d: {  	_ =	shalt  }
0x7e: {  	_ =	shalt  }
0x7f: {  	_ =	shalt  }
0x80: {  	_ =	shalt  }
0x81: {  	_ =	shalt  }
0x82: {  	_ =	shalt  }
0x83: {  	_ =	shalt  }
0x84: {  	_ =	shalt  }
0x85: {  	_ =	shalt  }
0x86: {  	_ =	shalt  }
0x87: {  	_ =	shalt  }
.Lfunc_end0:
.L_simem_size_0:
called_computation.2_lowered:
.L_overlay_start_0:
0x88: {  	s2 =	sld [smem:$0x3FD9]  }
0x89: {  	s3 =	sld [smem:$0x3FFE];
	_ =	sdelay $0x1  }
0x8a: {  	s1 =	srdreg.scid  }
0x8b: {  	s0 =	sand.u32 $0x1, s1  }
0x8c: {  	s15 =	sshll.u32 s0, $0xA;
	s2 =	sadd.s32 s3, s2  }
0x8d: {  	s2 =	sadd.s32 s2, s15  }
0x8e: {  	[smem:$0x3FB9] =	sst s2  }
0x8f: {  	_ = 	snop  }
0x90: {  	s2 =	sld [smem:$0x3FD0];
	_ =	sdelay $0x2  }
0x91: {  	s16 =	simm.s32 $0xB;
	s4 =	simm.s32 $0x10  }
0x92: {  	[smem:s4], [sflag:s16] =	dma.local [hbm:s2], $0x1  }
0x93: {  	_ =	swait.eq [sflag:s16], $0x1  }
0x94: {  	[sflag:s16] =	ssyncset.done $0x0  }
0x95: {  	[sflag:s16] =	ssyncadd.s32 $0xFFFFFFFF  }
0x96: {  	s17 =	sld [smem:$0x10];
	(tm) =	ssettm $0x1  }
0x97: {  	s18 =	sld [smem:$0x3FFB];
	_ =	sdelay $0x3  }
0x98: {  	_ =	strace s18  }
0x99: {  	s2 =	sld [smem:$0x3FFC];
	_ =	sdelay $0x3  }
0x9a: {  	_ =	strace s2  }
0x9b: {  	s2 =	sld [smem:$0x3FFD];
	_ =	sdelay $0x3  }
0x9c: {  	_ =	strace s2  }
0x9d: {  	_ =	strace $0x8FFFFFFF  }
0x9e: {  	s19 =	sld [smem:$0x3FDB];
	_ =	sdelay $0x1  }
0x9f: {  	s20 =	simm.s32 $_scs_section_size  }
0xa0: {  	s5 =	simm.s32 $_size__tile_overlayer_lowered;
	s6 =	simm.s32 $_tile_overlayer_lowered  }
0xa1: {  	s7 =	simm.s32 $0x1BFF;
	s21 =	sshll.u32 s6, $0x1;
	s4 =	sadd.s32 s20, s19  }
0xa2: {  	s22 =	simm.s32 $0x0;
	s5 =	sshll.u32 s5, $0x1;
	s6 =	sadd.s32 s21, s4  }
0xa3: {  	[timem:s22], [sflag:s7] =	dma.local [hbm:s6], s5  }
0xa4: {  	_ =	swait.ge [sflag:s7], s5  }
0xa5: {  	s5 =	ssub.s32 $0x0, s5;
	[sflag:s7] =	ssyncset.done $0x0  }
0xa6: {  	[sflag:s7] =	ssyncadd.s32 s5;
	_ =	sdelay $0x1  }
0xa7: {  	s23 =	simm.s32 $0x1B8B  }
0xa8: {  	_ =	swait.ge [sflag:s23], $0x1  }
0xa9: {  	[sflag:s23] =	ssyncset.done $0x0  }
0xaa: {  	[sflag:s23] =	ssyncadd.s32 $0xFFFFFFFF  }
0xab: {  	s5 =	sld [smem:$0x0]  }
0xac: {  	s6 =	sand.u32 $0xFFFFFFFE, s1  }
0xad: {  	p0 =	sne.s32 s1, s6  }
0xae: {  	s6 =	sshll.u32 @p0 s6, $0xE  }
0xaf: {  	s6 =	sadd.s32 @p0 $0x11B8D, s6;
	s7 =	sshll.u32 @p0 s5, $0x11  }
0xb0: {  	s6 =	sor.u32 @p0 s7, s6  }
0xb1: {  	[sflag:s6] =	ssyncadd.remote.s32 @p0 $0x1;
	_ =	sdelay $0x1  }
0xb2: {  	s6 =	simm.s32 @p0 $0x1B8D  }
0xb3: {  	_ =	swait.eq @p0 [sflag:s6], $0x1  }
0xb4: {  	[sflag:s6] =	ssyncadd.s32 @p0 $0xFFFFFFFF  }
0xb5: {  	s7 =	sshll.u32 @!p0 s1, $0xE  }
0xb6: {  	s7 =	sor.u32 @!p0 $0x4000, s7;
	s6 =	simm.s32 @!p0 $0x1B8D  }
0xb7: {  	s5 =	sshll.u32 @!p0 s5, $0x11;
	s7 =	sadd.s32 @!p0 $0x11B8D, s7;
	_ =	swait.eq @!p0 [sflag:s6], $0x1  }
0xb8: {  	s5 =	sor.u32 @!p0 s5, s7;
	[sflag:s6] =	ssyncadd.s32 @!p0 $0xFFFFFFFF  }
0xb9: {  	s25 =	simm.s32 $0x1B8E;
	s24 =	sld [smem:$0x3FFE];
	[sflag:s5] =	ssyncadd.remote.s32 @!p0 $0x1  }
0xba: {  	s26 =	simm.s32 $execute0_lowered;
	[smem:$0x3FD2] =	sst s25  }
0xbb: {  	s6 =	sshll.u32 s26, $0x1;
	_ =	strace $0x8000004C;
	[dreg:$0x1] =	wrdreg $0xFFFFFFFF  }
0xbc: {  	s28 =	simm.s32 $_size_execute0_lowered;
	s4 =	sadd.s32 s4, s6;
	[dreg:$0x0] =	wrdreg $0x0  }
0xbd: {  	s6 =	sshll.u32 s28, $0x1;
	[dreg:$0x2] =	wrdreg s4  }
0xbe: {  	[dreg:$0x3] =	wrdreg s6  }
0xbf: {  	[dreg:$0x4] =	wrdreg $0xC0  }
0xc0: {  	_ =	task [dreg:s22], $0x5FFFF  }
0xc1: {  	[dreg:$0x1] =	wrdreg $0xFFFFFFFF  }
0xc2: {  	[dreg:$0x0] =	wrdreg $0x60  }
0xc3: {  	[dreg:$0x2] =	wrdreg s24  }
0xc4: {  	[dreg:$0x3] =	wrdreg s17  }
0xc5: {  	[dreg:$0x4] =	wrdreg $0x81000  }
0xc6: {  	[dreg:$0x5] =	wrdreg $0xA  }
0xc7: {  	_ =	task.clear_ibuf [dreg:s22], $0x6FFFF;
	_ =	strace $0x9000004C  }
0xc8: {  	s29 =	simm.s32 $0xA;
	_ =	strace $0x8000004E  }
0xc9: {  	_ =	swait.ge [sflag:s29], $0x1  }
0xca: {  	[sflag:s29] =	ssyncadd.s32 $0xFFFFFFFF  }
0xcb: {  	_ =	strace $0x9000004E  }
0xcc: {  	_ =	sfence  }
0xcd: {  	s30 =	sld [smem:$0x0];
	_ =	sdelay $0x2  }
0xce: {  	s31 =	sshll.u32 s1, $0xD;
	s1 =	sshrl.u32 s1, $0x2  }
0xcf: {  	s4 =	sand.u32 $0x4000, s31;
	s1 =	sadd.s32 s1, s30  }
0xd0: {  	s0 =	sor.u32 s4, s0;
	s1 =	sshll.u32 s1, $0x11  }
0xd1: {  	s0 =	sor.u32 s1, s0  }
0xd2: {  	s0 =	sadd.s32 $0x8F2B, s0  }
0xd3: {  	[sflag:s0] =	ssyncadd.remote.s32 $0x1  }
0xd4: {  	_ =	sfence.sel $0xFFFF  }
0xd5: {  	[dreg:$0x0] =	wrdreg $0xFFFFFFFF;
	(pc) =	sbr.abs _section_cstart, $3  }
0xd6: {  	[dreg:$0x1] =	wrdreg $0xFFFFFFFF  }
0xd7: {  	_ =	task.clear_ibuf [dreg:s22], $0x2FFFF;
	_ =	strace $0x9FFFFFFF  }
0xd8: {  	(tm) =	ssettm $0x7FFFFFFF  }
0xd9: {  	_ =	shalt  }
tec
execute0_lowered:
.L_overlay_start_1:
0x0: {  	(tag) =	ssettag $0x1  }
0x1: {  	s1 =	rddreg [dreg:$0x0]  }
0x2: {  	s2 =	rddreg [dreg:$0x2]  }
0x3: {  	s3 =	simm.s32 $0x0;
	s5 =	srdreg.scid;
	s24 =	stileid.u32  }
0x4: {  	s28 =	simm.s32 $0x1;
	s29 =	simm.s32 $0x3;
	s30 =	simm.s32 $0x2  }
0x5: {  	s31 =	simm.s32 $0x4;
	[smem:$0x7FF] =	sst s3;
	s8 =	smul.u32 $0x278, s24  }
0x6: {  	s4 =	sadd.s32 $0xF4AE00, s1;
	s0 =	sadd.s32 $0x40000, s1;
	s9 =	smul.u32 $0x4F000, s24  }
0x7: {  	s10 =	sand.u32 $0x1, s5;
	s11 =	sadd.s32 $0xA4AE00, s1;
	s19 =	smul.u32 $0x13C00, s24  }
0x8: {  	s7 =	sshll.u32 s24, $0x1;
	s20 =	smul.u32 $0x2780, s24;
	s1 =	sadd.s32 $0xA72600, s1  }
0x9: {  	_ =	strace $0x8000004D;
	s5 =	ssub.s32 $0x2, s10;
	s13 =	sor.u32 s10, s7  }
0xa: {  	p0 =	seq.s32 s10, $0x1;
	s6 =	sshrl.u32 s5, $0x1;
	s14 =	sadd.s32 $0x80, s8  }
0xb: {  	s21 =	sshrl.u32 s9, $0x2;
	s15 =	sadd.s32 $0x100, s8;
	s16 =	sadd.s32 $0x180, s8  }
0xc: {  	s17 =	sadd.s32 $0x200, s8;
	s18 =	smul.u32 $0x2800, s13;
	s12 =	ssub.s32 s5, s6  }
0xd: {  	s22 =	sshll.u32 s14, $0x7;
	s5 =	sadd.s32 s21, s2;
	s23 =	sshll.u32 s15, $0x7  }
0xe: {  	s25 =	sshll.u32 s16, $0x7;
	s26 =	sshll.u32 s17, $0x7;
	s21 =	sshll.u32 s14, $0x4  }
0xf: {  	s6 =	sadd.s32 s22, s2;
	s7 =	sadd.s32 s23, s2;
	s8 =	sadd.s32 s25, s2  }
0x10: {  	s9 =	sadd.s32 s26, s2;
	s22 =	sshll.u32 s15, $0x4;
	s23 =	sshll.u32 s16, $0x4  }
0x11: {  	s15 =	sshrl.u32 s19, $0x3;
	s19 =	sshll.u32 s17, $0x4;
	s26 =	smul.u32 $0x5000, s24  }
0x12: {  	s12 =	smax.u32 s12, $0x1;
	s16 =	sshrl.u32 s18, $0x3;
	s24 =	smul.u32 $0x50000, s24  }
0x13: {  	[dreg:$0x4] =	wrdreg s12;
	s12 =	sadd.s32 s0, s16;
	s16 =	smul.u32 $0x28000, s13  }
0x14: {  	s14 =	sadd.s32 $0x27800, s15;
	s15 =	sor.u32 $0x80, s18;
	s18 =	smul.u32 $0x2800, s10  }
0x15: {  	s10 =	smul.u32 $0x28000, s10;
	[dreg:$0x5] =	wrdreg s12;
	s20 =	smov.u32 @p0 s14  }
0x16: {  	s17 =	sshrl.u32 s15, $0x3;
	s15 =	sshll.u32 s15, $0x4;
	s25 =	sadd.s32 s11, s20  }
0x17: {  	s11 =	smov.u32 @p0 s1;
	s20 =	sadd.s32 s0, s17;
	s14 =	sadd.s32 s4, s16  }
0x18: {  	s15 =	sadd.s32 s4, s15;
	s1 =	sadd.s32 s18, s26;
	[dreg:$0x6] =	wrdreg s25  }
0x19: {  	s4 =	sadd.s32 s24, s4;
	s24 =	simm.s32 $0x7;
	[dreg:$0x7] =	wrdreg s20  }
0x1a: {  	s16 =	sadd.s32 s21, s11;
	s17 =	sadd.s32 s22, s11;
	s18 =	sadd.s32 s23, s11  }
0x1b: {  	s19 =	sadd.s32 s19, s11;
	s25 =	sor.u32 $0x100, s1;
	s4 =	sadd.s32 s10, s4  }
0x1c: {  	s1 =	sor.u32 $0x180, s1;
	s23 =	simm.s32 $0x100;
	s26 =	sshrl.u32 s25, $0x3  }
0x1d: {  	s20 =	sadd.s32 $0x1000, s4;
	s1 =	sshrl.u32 s1, $0x3;
	s25 =	simm.s32 $0x80  }
0x1e: {  	s4 =	simm.s32 $0x6;
	s21 =	sadd.s32 s26, s0;
	s22 =	sadd.s32 s1, s0  }
0x1f: {  	s26 =	simm.s32 $0x4100;
	s0 =	simm.s32 $0x5;
	s1 =	simm.s32 $0x0  }
.LBB2_1:
0x20: {  	s10 =	rddreg [dreg:$0x1]  }
0x21: {  	[tilespmem:s23], [sflag:$0x7] =	stream.linear.gather [hbm4b:s10+s3], $0x4000, $0x38;
	[tilespmem:$0x1BD00] =	vst v63  }
0x22: {  	_ =	swait.ge [sflag:s24], $0x4000  }
0x23: {  	[sflag:s24] =	ssyncset.done $0x0  }
0x24: {  	[sflag:s24] =	ssyncadd.s32 $0xFFFFC000  }
0x25: {  	[spmem:s5] =	stream.linear.scatter [tilespmem:s23], [sflag:$0x7], $0x4000, $0x38;
	[tilespmem:$0x1BD00] =	vst v63  }
0x26: {  	_ =	swait.ge [sflag:s24], $0x4000  }
0x27: {  	[sflag:s24] =	ssyncset.done $0x0  }
0x28: {  	[sflag:s24] =	ssyncadd.s32 $0xFFFFC000  }
0x29: {  	[spmem:s6] =	stream.linear.scatter [tilespmem:s23], [sflag:$0x7], $0x4000, $0x38;
	[tilespmem:$0x1BD00] =	vst v63  }
0x2a: {  	_ =	swait.ge [sflag:s24], $0x4000  }
0x2b: {  	[sflag:s24] =	ssyncset.done $0x0  }
0x2c: {  	[sflag:s24] =	ssyncadd.s32 $0xFFFFC000  }
0x2d: {  	[spmem:s7] =	stream.linear.scatter [tilespmem:s23], [sflag:$0x7], $0x4000, $0x38;
	[tilespmem:$0x1BD00] =	vst v63  }
0x2e: {  	_ =	swait.ge [sflag:s24], $0x4000  }
0x2f: {  	[sflag:s24] =	ssyncset.done $0x0  }
0x30: {  	[sflag:s24] =	ssyncadd.s32 $0xFFFFC000  }
0x31: {  	[spmem:s8] =	stream.linear.scatter [tilespmem:s23], [sflag:$0x7], $0x4000, $0x38;
	[tilespmem:$0x1BD00] =	vst v63  }
0x32: {  	_ =	swait.ge [sflag:s24], $0x4000  }
0x33: {  	[sflag:s24] =	ssyncset.done $0x0  }
0x34: {  	[sflag:s24] =	ssyncadd.s32 $0xFFFFC000  }
0x35: {  	[spmem:s9] =	stream.linear.scatter [tilespmem:s23], [sflag:$0x7], $0x3C00, $0x38;
	[tilespmem:$0x1BD00] =	vst v63  }
0x36: {  	_ =	swait.ge [sflag:s24], $0x3C00  }
0x37: {  	[sflag:s24] =	ssyncset.done $0x0  }
0x38: {  	[sflag:s24] =	ssyncadd.s32 $0xFFFFC400  }
0x39: {  	[bflag:$0x0] =	sbarrier.arrive $0xFFFF  }
0x3a: {  	s12 =	rddreg [dreg:$0x5]  }
0x3b: {  	[tilespmem:s3], [sflag:$0x1] =	stream.linear.gather [hbm4b:s12+s3], $0x80, $0x38;
	[tilespmem:$0x1BD00] =	vst v63  }
0x3c: {  	s13 =	rddreg [dreg:$0x7]  }
0x3d: {  	[tilespmem:s25], [sflag:$0x2] =	stream.linear.gather [hbm4b:s13+s3], $0x80, $0x38;
	[tilespmem:$0x1BD00] =	vst v63  }
0x3e: {  	_ = 	snop  }
0x3f: {  	[tilespmem:s23], [sflag:$0x3] =	stream.linear.gather [hbm4b:s14+s3], $0x4000, $0x38;
	[tilespmem:$0x1BD00] =	vst v63  }
0x40: {  	_ = 	snop  }
0x41: {  	[tilespmem:s26], [sflag:$0x4] =	stream.linear.gather [hbm4b:s15+s3], $0x4000, $0x38;
	[tilespmem:$0x1BD00] =	vst v63  }
0x42: {  	_ =	swait.ge [sflag:s28], $0x80  }
0x43: {  	[sflag:s28] =	ssyncset.done $0x0  }
0x44: {  	[sflag:s28] =	ssyncadd.s32 $0xFFFFFF80  }
0x45: {  	_ =	swait.ge [sflag:s29], $0x4000  }
0x46: {  	[sflag:s29] =	ssyncset.done $0x0  }
0x47: {  	[sflag:s29] =	ssyncadd.s32 $0xFFFFC000  }
0x48: {  	[spmem:s2] =	stream.indirect.scatter.add.f32 [tilespmem:s23], [sflag:$0x5], $0x80, s3, s25, $0xb8;
	[tilespmem:$0x1BD00] =	vst v63  }
0x49: {  	_ =	swait.ge [sflag:s30], $0x80  }
0x4a: {  	[sflag:s30] =	ssyncset.done $0x0  }
0x4b: {  	[sflag:s30] =	ssyncadd.s32 $0xFFFFFF80  }
0x4c: {  	_ =	swait.ge [sflag:s31], $0x4000  }
0x4d: {  	[sflag:s31] =	ssyncset.done $0x0  }
0x4e: {  	[sflag:s31] =	ssyncadd.s32 $0xFFFFC000  }
0x4f: {  	[spmem:s2] =	stream.indirect.scatter.add.f32 [tilespmem:s26], [sflag:$0x6], $0x80, s25, s25, $0xb8;
	[tilespmem:$0x1BD00] =	vst v63  }
0x50: {  	_ =	swait.ge [sflag:s0], $0x4000  }
0x51: {  	[sflag:s0] =	ssyncset.done $0x0  }
0x52: {  	[sflag:s0] =	ssyncadd.s32 $0xFFFFC000  }
0x53: {  	_ =	swait.ge [sflag:s4], $0x4000  }
0x54: {  	[sflag:s4] =	ssyncset.done $0x0  }
0x55: {  	s11 =	sadd.s32 $0x0, s21;
	[sflag:s4] =	ssyncadd.s32 $0xFFFFC000  }
0x56: {  	[tilespmem:s3], [sflag:$0x1] =	stream.linear.gather [hbm4b:s11+s3], $0x80, $0x38;
	[tilespmem:$0x1BD00] =	vst v63  }
0x57: {  	s12 =	sadd.s32 $0x0, s22  }
0x58: {  	[tilespmem:s25], [sflag:$0x2] =	stream.linear.gather [hbm4b:s12+s3], $0x80, $0x38;
	[tilespmem:$0x1BD00] =	vst v63  }
0x59: {  	_ = 	snop  }
0x5a: {  	[tilespmem:s23], [sflag:$0x3] =	stream.linear.gather [hbm4b:s20+s3], $0x4000, $0x38;
	[tilespmem:$0x1BD00] =	vst v63  }
0x5b: {  	s13 =	sadd.s32 $0x800, s20  }
0x5c: {  	[tilespmem:s26], [sflag:$0x4] =	stream.linear.gather [hbm4b:s13+s3], $0x4000, $0x38;
	[tilespmem:$0x1BD00] =	vst v63  }
0x5d: {  	_ =	swait.ge [sflag:s28], $0x80  }
0x5e: {  	[sflag:s28] =	ssyncset.done $0x0  }
0x5f: {  	[sflag:s28] =	ssyncadd.s32 $0xFFFFFF80  }
0x60: {  	_ =	swait.ge [sflag:s29], $0x4000  }
0x61: {  	[sflag:s29] =	ssyncset.done $0x0  }
0x62: {  	[sflag:s29] =	ssyncadd.s32 $0xFFFFC000  }
0x63: {  	[spmem:s2] =	stream.indirect.scatter.add.f32 [tilespmem:s23], [sflag:$0x5], $0x80, s3, s25, $0xb8;
	[tilespmem:$0x1BD00] =	vst v63  }
0x64: {  	_ =	swait.ge [sflag:s30], $0x80  }
0x65: {  	[sflag:s30] =	ssyncset.done $0x0  }
0x66: {  	[sflag:s30] =	ssyncadd.s32 $0xFFFFFF80  }
0x67: {  	_ =	swait.ge [sflag:s31], $0x4000  }
0x68: {  	[sflag:s31] =	ssyncset.done $0x0  }
0x69: {  	s10 =	simm.s32 $0x20;
	s11 =	sadd.s32 $0x1000, s20;
	[sflag:s31] =	ssyncadd.s32 $0xFFFFC000  }
.LBB2_2:
0x6a: {  	[spmem:s2] =	stream.indirect.scatter.add.f32 [tilespmem:s26], [sflag:$0x6], $0x80, s25, s25, $0xb8;
	[tilespmem:$0x1BD00] =	vst v63  }
0x6b: {  	s12 =	smov.u32 s10  }
0x6c: {  	p0 =	sne.s32 s10, $0x4C0;
	s10 =	sadd.s32 $0x20, s10;
	_ =	swait.ge [sflag:s0], $0x4000  }
0x6d: {  	[sflag:s0] =	ssyncset.done $0x0  }
0x6e: {  	[sflag:s0] =	ssyncadd.s32 $0xFFFFC000  }
0x6f: {  	_ =	swait.ge [sflag:s4], $0x4000  }
0x70: {  	[sflag:s4] =	ssyncset.done $0x0  }
0x71: {  	s13 =	sadd.s32 s12, s21;
	[sflag:s4] =	ssyncadd.s32 $0xFFFFC000  }
0x72: {  	[tilespmem:s3], [sflag:$0x1] =	stream.linear.gather [hbm4b:s13+s3], $0x80, $0x38;
	[tilespmem:$0x1BD00] =	vst v63  }
0x73: {  	s12 =	sadd.s32 s12, s22  }
0x74: {  	[tilespmem:s25], [sflag:$0x2] =	stream.linear.gather [hbm4b:s12+s3], $0x80, $0x38;
	[tilespmem:$0x1BD00] =	vst v63  }
0x75: {  	_ = 	snop  }
0x76: {  	[tilespmem:s23], [sflag:$0x3] =	stream.linear.gather [hbm4b:s11+s3], $0x4000, $0x38;
	[tilespmem:$0x1BD00] =	vst v63  }
0x77: {  	s12 =	sadd.s32 $0x800, s11  }
0x78: {  	[tilespmem:s26], [sflag:$0x4] =	stream.linear.gather [hbm4b:s12+s3], $0x4000, $0x38;
	[tilespmem:$0x1BD00] =	vst v63  }
0x79: {  	_ =	swait.ge [sflag:s28], $0x80  }
0x7a: {  	[sflag:s28] =	ssyncset.done $0x0  }
0x7b: {  	[sflag:s28] =	ssyncadd.s32 $0xFFFFFF80  }
0x7c: {  	_ =	swait.ge [sflag:s29], $0x4000  }
0x7d: {  	[sflag:s29] =	ssyncset.done $0x0  }
0x7e: {  	[sflag:s29] =	ssyncadd.s32 $0xFFFFC000  }
0x7f: {  	[spmem:s2] =	stream.indirect.scatter.add.f32 [tilespmem:s23], [sflag:$0x5], $0x80, s3, s25, $0xb8;
	[tilespmem:$0x1BD00] =	vst v63  }
0x80: {  	_ =	swait.ge [sflag:s30], $0x80  }
.Ltmp0:
0x81: {  	[sflag:s30] =	ssyncset.done $0x0;
	(pc) =	sbr.rel @p0 .LBB2_2-.Ltmp0, $4  }
0x82: {  	[sflag:s30] =	ssyncadd.s32 $0xFFFFFF80  }
0x83: {  	_ =	swait.ge [sflag:s31], $0x4000  }
0x84: {  	[sflag:s31] =	ssyncset.done $0x0  }
0x85: {  	s11 =	sadd.s32 $0x1000, s11;
	[sflag:s31] =	ssyncadd.s32 $0xFFFFC000  }
0x86: {  	[spmem:s2] =	stream.indirect.scatter.add.f32 [tilespmem:s26], [sflag:$0x6], $0x80, s25, s25, $0xb8;
	[tilespmem:$0x1BD00] =	vst v63  }
0x87: {  	_ =	swait.ge [sflag:s0], $0x4000  }
0x88: {  	[sflag:s0] =	ssyncset.done $0x0  }
0x89: {  	[sflag:s0] =	ssyncadd.s32 $0xFFFFC000  }
0x8a: {  	_ =	swait.ge [sflag:s4], $0x4000  }
0x8b: {  	[sflag:s4] =	ssyncset.done $0x0  }
0x8c: {  	[sflag:s4] =	ssyncadd.s32 $0xFFFFC000  }
0x8d: {  	[bflag:$0x0] =	sbarrier.arrive $0xFFFF  }
0x8e: {  	[tilespmem:s23], [sflag:$0x7] =	stream.linear.gather [spmem:s5], $0x4000, $0x38;
	[tilespmem:$0x1BD00] =	vst v63  }
0x8f: {  	_ =	swait.ge [sflag:s24], $0x4000  }
0x90: {  	[sflag:s24] =	ssyncset.done $0x0  }
0x91: {  	s10 =	rddreg [dreg:$0x6];
	[sflag:s24] =	ssyncadd.s32 $0xFFFFC000  }
0x92: {  	[hbm4b:s10+s3] =	stream.linear.scatter [tilespmem:s23], [sflag:$0x7], $0x4000, $0x38;
	[tilespmem:$0x1BD00] =	vst v63  }
0x93: {  	_ =	swait.ge [sflag:s24], $0x4000  }
0x94: {  	[sflag:s24] =	ssyncset.done $0x0  }
0x95: {  	[sflag:s24] =	ssyncadd.s32 $0xFFFFC000  }
0x96: {  	[tilespmem:s23], [sflag:$0x7] =	stream.linear.gather [spmem:s6], $0x4000, $0x38;
	[tilespmem:$0x1BD00] =	vst v63  }
0x97: {  	_ =	swait.ge [sflag:s24], $0x4000  }
0x98: {  	[sflag:s24] =	ssyncset.done $0x0  }
0x99: {  	[sflag:s24] =	ssyncadd.s32 $0xFFFFC000  }
0x9a: {  	[hbm4b:s16+s3] =	stream.linear.scatter [tilespmem:s23], [sflag:$0x7], $0x4000, $0x38;
	[tilespmem:$0x1BD00] =	vst v63  }
0x9b: {  	_ =	swait.ge [sflag:s24], $0x4000  }
0x9c: {  	[sflag:s24] =	ssyncset.done $0x0  }
0x9d: {  	[sflag:s24] =	ssyncadd.s32 $0xFFFFC000  }
0x9e: {  	[tilespmem:s23], [sflag:$0x7] =	stream.linear.gather [spmem:s7], $0x4000, $0x38;
	[tilespmem:$0x1BD00] =	vst v63  }
0x9f: {  	_ =	swait.ge [sflag:s24], $0x4000  }
0xa0: {  	[sflag:s24] =	ssyncset.done $0x0  }
0xa1: {  	[sflag:s24] =	ssyncadd.s32 $0xFFFFC000  }
0xa2: {  	[hbm4b:s17+s3] =	stream.linear.scatter [tilespmem:s23], [sflag:$0x7], $0x4000, $0x38;
	[tilespmem:$0x1BD00] =	vst v63  }
0xa3: {  	_ =	swait.ge [sflag:s24], $0x4000  }
0xa4: {  	[sflag:s24] =	ssyncset.done $0x0  }
0xa5: {  	[sflag:s24] =	ssyncadd.s32 $0xFFFFC000  }
0xa6: {  	[tilespmem:s23], [sflag:$0x7] =	stream.linear.gather [spmem:s8], $0x4000, $0x38;
	[tilespmem:$0x1BD00] =	vst v63  }
0xa7: {  	_ =	swait.ge [sflag:s24], $0x4000  }
0xa8: {  	[sflag:s24] =	ssyncset.done $0x0  }
0xa9: {  	[sflag:s24] =	ssyncadd.s32 $0xFFFFC000  }
0xaa: {  	[hbm4b:s18+s3] =	stream.linear.scatter [tilespmem:s23], [sflag:$0x7], $0x4000, $0x38;
	[tilespmem:$0x1BD00] =	vst v63  }
0xab: {  	_ =	swait.ge [sflag:s24], $0x4000  }
0xac: {  	[sflag:s24] =	ssyncset.done $0x0  }
0xad: {  	[sflag:s24] =	ssyncadd.s32 $0xFFFFC000  }
0xae: {  	[tilespmem:s23], [sflag:$0x7] =	stream.linear.gather [spmem:s9], $0x3C00, $0x38;
	[tilespmem:$0x1BD00] =	vst v63  }
0xaf: {  	_ =	swait.ge [sflag:s24], $0x3C00  }
0xb0: {  	[sflag:s24] =	ssyncset.done $0x0  }
0xb1: {  	[sflag:s24] =	ssyncadd.s32 $0xFFFFC400  }
0xb2: {  	[hbm4b:s19+s3] =	stream.linear.scatter [tilespmem:s23], [sflag:$0x7], $0x3C00, $0x38;
	[tilespmem:$0x1BD00] =	vst v63  }
0xb3: {  	_ =	swait.ge [sflag:s24], $0x3C00  }
0xb4: {  	s1 =	sadd.s32 $0x1, s1;
	s13 =	rddreg [dreg:$0x4]  }
0xb5: {  	p0 =	sne.s32 s1, s13  }
.Ltmp1:
0xb6: {  	_ = 	snop;
	(pc) =	sbr.rel @p0 .LBB2_1-.Ltmp1, $3  }
0xb7: {  	_ =	sdelay $0x1  }
0xb8: {  	[sflag:s24] =	ssyncset.done $0x0  }
0xb9: {  	[sflag:s24] =	ssyncadd.s32 $0xFFFFC400  }
0xba: {  	_ =	sfence.sel $0x180000  }
0xbb: {  	[bflag:$0x0] =	sbarrier.arrive $0xFFFF  }
0xbc: {  	_ =	strace $0x9000004D  }
0xbd: {  	s0 =	stileid.u32;
	[bflag:$0x2] =	sbarrier.arrive $0xFFFF  }
0xbe: {  	p0 =	sne.s32 s0, $0x0;
	s0 =	rddreg [dreg:$0x3]  }
0xbf: {  	s0 =	sadd.s32 @!p0 $0x100000, s0  }
0xc0: {  	[sflag:s0] =	ssyncadd.tile.s32 @!p0 $0x1;
	_ =	shalt  }
.Lfunc_end2:
_tile_overlayer_lowered:
.L_overlay_start_2:
0xc1: {  	(tag) =	ssettag $0x2  }
0xc2: {  	s0 =	rddreg [dreg:$0x0];
	s2 =	stileid.u32  }
0xc3: {  	s1 =	rddreg [dreg:$0x1];
	p0 =	sne.s32 s2, $0x0  }
0xc4: {  	s3 =	rddreg [dreg:$0x2];
	[bflag:$0x3] =	sbarrier.arrive $0xFFFF;
	s2 =	simm.s32 @!p0 $0x1C07  }
0xc5: {  	[timem:s3], [sflag:s2] =	dma.local @!p0 [hbm:s0], s1  }
0xc6: {  	s0 =	simm.s32 @!p0 $0x7  }
0xc7: {  	_ =	swait.ge @!p0 [sflag:s0], s1  }
0xc8: {  	s1 =	ssub.s32 @!p0 $0x0, s1;
	[sflag:s0] =	ssyncset.done @!p0 $0x0  }
0xc9: {  	[sflag:s0] =	ssyncadd.s32 @!p0 s1  }
0xca: {  	[bflag:$0x3] =	sbarrier.arrive $0xFFFF  }
0xcb: {  	_ =	shalt  }

// kernel: kernel.8.cloned.1.call-start
scs
__scs_entry_jumppad:
0x0: {  	(pc) =	sbr.rel $0x88, $3  }
0x1: {  	(tag) =	ssettag $0x0;
	lr =	simm.s32 $0x1  }
0x2: {  	[smem:$0x3F92] =	sst lr;
	_ =	strace $0xD0000000  }
0x3: {  	_ = 	snop  }
0x4: {  	_ = 	snop  }
0x5: {  	_ = 	snop  }
0x6: {  	_ = 	snop  }
0x7: {  	_ = 	snop  }
__scs_overlays_trampoline_lowered:
0x8: {  	[smem:$0x3FA1] =	sst s0  }
0x9: {  	[smem:$0x3FA2] =	sst s1  }
0xa: {  	[smem:$0x3FA3] =	sst s2  }
0xb: {  	[smem:$0x3FA4] =	sst s3  }
0xc: {  	[smem:$0x3FA5] =	sst s4  }
0xd: {  	[smem:$0x3FA6] =	sst s5  }
0xe: {  	[smem:$0x3FA7] =	sst s6  }
0xf: {  	[smem:$0x3FA8] =	sst s7  }
0x10: {  	[smem:$0x3FA9] =	sst s8  }
0x11: {  	[smem:$0x3FAA] =	sst s9;
	s0 =	simm.s32 @!p0 $0x0  }
0x12: {  	s1 =	sld [smem:$0x3F90];
	s0 =	simm.s32 @p0 $0x1  }
0x13: {  	[smem:$0x3FAB] =	sst s0;
	s0 =	simm.s32 @!p1 $0x0  }
0x14: {  	s2 =	sld [smem:$0x3F8F];
	s0 =	simm.s32 @p1 $0x1  }
0x15: {  	[smem:$0x3FAC] =	sst s0;
	s0 =	simm.s32 @!p2 $0x0  }
0x16: {  	s3 =	sld [smem:$0x3FDB];
	s0 =	simm.s32 @p2 $0x1  }
0x17: {  	s4 =	simm.s32 $0x1BF5;
	[smem:$0x3FAE] =	sst s0  }
0x18: {  	s0 =	sld [smem:$0x3F91];
	_ =	swait.ge [sflag:s4], $0x0  }
0x19: {  	s7 =	sld [smem:$0x3F92]  }
0x1a: {  	s8 =	sadd.s32 $0xFFFFE003, lr  }
0x1b: {  	s9 =	sadd.s32 $0xFFFFFEF7, lr;
	s5 =	simm.s32 $0xFFFFFFFF;
	p2 =	slt.u32 s8, $0xFFFFF086  }
0x1c: {  	p1 =	slt.u32 s9, $0xF7A;
	s5 =	simm.s32 @!p2 $0x0  }
0x1d: {  	s5 =	simm.s32 @p1 $0x1;
	p0 =	seq.s32 s7, s2  }
0x1e: {  	s7 =	smul.u32 @!p0 $0xF7A, s2;
	p2 =	seq.s32 @!p0 s5, $0x0  }
0x1f: {  	s9 =	smul.u32 $0xF7A, s1;
	s8 =	simm.s32 @!p0 $0x1BF5;
	p2 =	por !p2, p0  }
0x20: {  	[sflag:s8] =	ssyncset.s32 @!p0 $0xFFFFF086;
	s6 =	sadd.s32 @!p0 s3, s7;
	s7 =	simm.s32 @!p0 $0x108  }
0x21: {  	s3 =	sadd.s32 s3, s9;
	s6 =	sadd.s32 @!p0 $0x88, s6;
	s7 =	simm.s32 @p2 $0x1082  }
0x22: {  	[simem:s7], [sflag:s8] =	dma.local @!p0 [hbm:s6], $0xF7A  }
0x23: {  	s9 =	sor.u32 $0xD0000000, s2;
	s6 =	simm.s32 $0x108;
	_ =	swait.ge @!p0 [sflag:s8], $0x0  }
0x24: {  	s3 =	sadd.s32 $0x88, s3;
	s6 =	simm.s32 @!p1 $0x1082;
	[sflag:s4] =	ssyncset.s32 $0xFFFFF086  }
0x25: {  	[simem:s6], [sflag:s4] =	dma.local [hbm:s3], $0xF7A  }
0x26: {  	[smem:$0x3F92] =	sst s1;
	(tag) =	ssettag s2;
	_ =	strace s9  }
0x27: {  	s1 =	sld [smem:$0x3FA2]  }
0x28: {  	s2 =	sld [smem:$0x3FA3]  }
0x29: {  	s4 =	sld [smem:$0x3FA5]  }
0x2a: {  	p0 =	seq.s32 s5, $0x0;
	s5 =	sld [smem:$0x3FA6]  }
0x2b: {  	s6 =	sld [smem:$0x3FA7]  }
0x2c: {  	s7 =	sld [smem:$0x3FA8]  }
0x2d: {  	s3 =	simm.s32 $0x108;
	s8 =	sld [smem:$0x3FA9]  }
0x2e: {  	s3 =	simm.s32 @!p0 $0x1082;
	s9 =	sld [smem:$0x3FAA]  }
0x2f: {  	lr =	sadd.s32 s0, s3;
	s0 =	sld [smem:$0x3FA1]  }
0x30: {  	s3 =	sld [smem:$0x3FA4]  }
0x31: {  	[smem:$0x3FAD] =	sst s10  }
0x32: {  	s10 =	sld [smem:$0x3FAB];
	_ =	sdelay $0x3  }
0x33: {  	p0 =	seq.s32 s10, $0x1;
	s10 =	sld [smem:$0x3FAD];
	_ =	sdelay $0x3  }
0x34: {  	[smem:$0x3FAD] =	sst s10  }
0x35: {  	s10 =	sld [smem:$0x3FAC];
	_ =	sdelay $0x3  }
0x36: {  	p1 =	seq.s32 s10, $0x1;
	s10 =	sld [smem:$0x3FAD];
	_ =	sdelay $0x3  }
0x37: {  	[smem:$0x3FAD] =	sst s10  }
0x38: {  	s10 =	sld [smem:$0x3FAE]  }
0x39: {  	_ = 	snop;
	(pc) =	sbr.ind lr, $3  }
0x3a: {  	_ = 	snop  }
0x3b: {  	_ = 	snop  }
0x3c: {  	p2 =	seq.s32 s10, $0x1;
	s10 =	sld [smem:$0x3FAD]  }
0x3d: {  	_ =	shalt  }
0x3e: {  	_ =	shalt  }
0x3f: {  	_ =	shalt  }
0x40: {  	_ =	shalt  }
0x41: {  	_ =	shalt  }
0x42: {  	_ =	shalt  }
0x43: {  	_ =	shalt  }
0x44: {  	_ =	shalt  }
0x45: {  	_ =	shalt  }
0x46: {  	_ =	shalt  }
0x47: {  	_ =	shalt  }
0x48: {  	_ =	shalt  }
0x49: {  	_ =	shalt  }
0x4a: {  	_ =	shalt  }
0x4b: {  	_ =	shalt  }
0x4c: {  	_ =	shalt  }
0x4d: {  	_ =	shalt  }
0x4e: {  	_ =	shalt  }
0x4f: {  	_ =	shalt  }
0x50: {  	_ =	shalt  }
0x51: {  	_ =	shalt  }
0x52: {  	_ =	shalt  }
0x53: {  	_ =	shalt  }
0x54: {  	_ =	shalt  }
0x55: {  	_ =	shalt  }
0x56: {  	_ =	shalt  }
0x57: {  	_ =	shalt  }
0x58: {  	_ =	shalt  }
0x59: {  	_ =	shalt  }
0x5a: {  	_ =	shalt  }
0x5b: {  	_ =	shalt  }
0x5c: {  	_ =	shalt  }
0x5d: {  	_ =	shalt  }
0x5e: {  	_ =	shalt  }
0x5f: {  	_ =	shalt  }
0x60: {  	_ =	shalt  }
0x61: {  	_ =	shalt  }
0x62: {  	_ =	shalt  }
0x63: {  	_ =	shalt  }
0x64: {  	_ =	shalt  }
0x65: {  	_ =	shalt  }
0x66: {  	_ =	shalt  }
0x67: {  	_ =	shalt  }
0x68: {  	_ =	shalt  }
0x69: {  	_ =	shalt  }
0x6a: {  	_ =	shalt  }
0x6b: {  	_ =	shalt  }
0x6c: {  	_ =	shalt  }
0x6d: {  	_ =	shalt  }
0x6e: {  	_ =	shalt  }
0x6f: {  	_ =	shalt  }
0x70: {  	_ =	shalt  }
0x71: {  	_ =	shalt  }
0x72: {  	_ =	shalt  }
0x73: {  	_ =	shalt  }
0x74: {  	_ =	shalt  }
0x75: {  	_ =	shalt  }
0x76: {  	_ =	shalt  }
0x77: {  	_ =	shalt  }
0x78: {  	_ =	shalt  }
0x79: {  	_ =	shalt  }
0x7a: {  	_ =	shalt  }
0x7b: {  	_ =	shalt  }
0x7c: {  	_ =	shalt  }
0x7d: {  	_ =	shalt  }
0x7e: {  	_ =	shalt  }
0x7f: {  	_ =	shalt  }
0x80: {  	_ =	shalt  }
0x81: {  	_ =	shalt  }
0x82: {  	_ =	shalt  }
0x83: {  	_ =	shalt  }
0x84: {  	_ =	shalt  }
0x85: {  	_ =	shalt  }
0x86: {  	_ =	shalt  }
0x87: {  	_ =	shalt  }
.Lfunc_end0:
.L_simem_size_0:
called_computation_lowered:
.L_overlay_start_0:
0x88: {  	s2 =	sld [smem:$0x3FD9]  }
0x89: {  	s3 =	sld [smem:$0x3FFE];
	_ =	sdelay $0x1  }
0x8a: {  	s1 =	srdreg.scid  }
0x8b: {  	s0 =	sand.u32 $0x1, s1  }
0x8c: {  	s14 =	sshll.u32 s0, $0xA;
	s2 =	sadd.s32 s3, s2  }
0x8d: {  	s2 =	sadd.s32 s2, s14  }
0x8e: {  	[smem:$0x3FB9] =	sst s2  }
0x8f: {  	_ = 	snop  }
0x90: {  	s2 =	sld [smem:$0x3FD0];
	_ =	sdelay $0x2  }
0x91: {  	s15 =	simm.s32 $0xB;
	s4 =	simm.s32 $0x10  }
0x92: {  	[smem:s4], [sflag:s15] =	dma.local [hbm:s2], $0x1  }
0x93: {  	_ =	swait.eq [sflag:s15], $0x1  }
0x94: {  	[sflag:s15] =	ssyncset.done $0x0  }
0x95: {  	[sflag:s15] =	ssyncadd.s32 $0xFFFFFFFF  }
0x96: {  	s16 =	sld [smem:$0x10];
	(tm) =	ssettm $0x1  }
0x97: {  	s17 =	sld [smem:$0x3FFB];
	_ =	sdelay $0x3  }
0x98: {  	_ =	strace s17  }
0x99: {  	s3 =	sld [smem:$0x3FFC];
	_ =	sdelay $0x3  }
0x9a: {  	_ =	strace s3  }
0x9b: {  	s3 =	sld [smem:$0x3FFD];
	_ =	sdelay $0x3  }
0x9c: {  	_ =	strace s3  }
0x9d: {  	_ =	strace $0x8FFFFFFF  }
0x9e: {  	s18 =	sld [smem:$0x3FDB];
	_ =	sdelay $0x1  }
0x9f: {  	s19 =	simm.s32 $_scs_section_size  }
0xa0: {  	s5 =	simm.s32 $_size__tile_overlayer_lowered;
	s6 =	simm.s32 $_tile_overlayer_lowered  }
0xa1: {  	s22 =	simm.s32 $0x1BFF;
	s21 =	sshll.u32 s6, $0x1;
	s3 =	sadd.s32 s19, s18  }
0xa2: {  	s7 =	simm.s32 $0x0;
	s20 =	sshll.u32 s5, $0x1;
	s5 =	sadd.s32 s21, s3  }
0xa3: {  	[timem:s7], [sflag:s22] =	dma.local [hbm:s5], s20  }
0xa4: {  	_ =	swait.ge [sflag:s22], s20  }
0xa5: {  	s4 =	ssub.s32 $0x0, s20;
	[sflag:s22] =	ssyncset.done $0x0  }
0xa6: {  	[sflag:s22] =	ssyncadd.s32 s4;
	_ =	sdelay $0x1  }
0xa7: {  	s23 =	simm.s32 $0x1B8B  }
0xa8: {  	_ =	swait.ge [sflag:s23], $0x1  }
0xa9: {  	[sflag:s23] =	ssyncset.done $0x0  }
0xaa: {  	s25 =	simm.s32 $0x1B8E;
	s24 =	sld [smem:$0x3FFE];
	[sflag:s23] =	ssyncadd.s32 $0xFFFFFFFF  }
0xab: {  	s26 =	simm.s32 $execute0_lowered;
	[smem:$0x3FD2] =	sst s25  }
0xac: {  	s5 =	sshll.u32 s26, $0x1;
	_ =	strace $0x80000046;
	[dreg:$0x1] =	wrdreg $0xFFFFFFFF  }
0xad: {  	s28 =	simm.s32 $_size_execute0_lowered;
	s3 =	sadd.s32 s3, s5;
	[dreg:$0x0] =	wrdreg $0x0  }
0xae: {  	s5 =	sshll.u32 s28, $0x1;
	[dreg:$0x2] =	wrdreg s3  }
0xaf: {  	[dreg:$0x3] =	wrdreg s5  }
0xb0: {  	[dreg:$0x4] =	wrdreg $0xC0  }
0xb1: {  	_ =	task [dreg:s7], $0x5FFFF  }
0xb2: {  	[dreg:$0x1] =	wrdreg $0xFFFFFFFF  }
0xb3: {  	[dreg:$0x0] =	wrdreg $0x60  }
0xb4: {  	[dreg:$0x2] =	wrdreg s16  }
0xb5: {  	[dreg:$0x3] =	wrdreg s24  }
0xb6: {  	[dreg:$0x4] =	wrdreg $0xA  }
0xb7: {  	_ =	task.clear_ibuf [dreg:s7], $0x5FFFF;
	_ =	strace $0x90000046  }
0xb8: {  	s29 =	simm.s32 $0xA;
	_ =	strace $0x80000048  }
0xb9: {  	_ =	swait.ge [sflag:s29], $0x1  }
0xba: {  	[sflag:s29] =	ssyncadd.s32 $0xFFFFFFFF  }
0xbb: {  	_ =	strace $0x90000048  }
0xbc: {  	_ =	sfence  }
0xbd: {  	s30 =	sld [smem:$0x0];
	_ =	sdelay $0x2  }
0xbe: {  	s31 =	sshll.u32 s1, $0xD;
	s1 =	sshrl.u32 s1, $0x2  }
0xbf: {  	s3 =	sand.u32 $0x4000, s31;
	s1 =	sadd.s32 s1, s30  }
0xc0: {  	s0 =	sor.u32 s3, s0;
	s1 =	sshll.u32 s1, $0x11  }
0xc1: {  	s0 =	sor.u32 s1, s0  }
0xc2: {  	s0 =	sadd.s32 $0x8F2B, s0  }
0xc3: {  	[sflag:s0] =	ssyncadd.remote.s32 $0x1  }
0xc4: {  	_ =	sfence.sel $0xFFFF  }
0xc5: {  	[dreg:$0x0] =	wrdreg $0xFFFFFFFF;
	(pc) =	sbr.abs _section_cstart, $3  }
0xc6: {  	[dreg:$0x1] =	wrdreg $0xFFFFFFFF  }
0xc7: {  	_ =	task.clear_ibuf [dreg:s7], $0x2FFFF;
	_ =	strace $0x9FFFFFFF  }
0xc8: {  	(tm) =	ssettm $0x7FFFFFFF  }
0xc9: {  	_ =	shalt  }
tec
execute0_lowered:
.L_overlay_start_1:
0x0: {  	(tag) =	ssettag $0x1  }
0x1: {  	s1 =	rddreg [dreg:$0x0]  }
0x2: {  	s5 =	rddreg [dreg:$0x1]  }
0x3: {  	s0 =	rddreg [dreg:$0x2];
	s3 =	simm.s32 $0x0  }
0x4: {  	s4 =	srdreg.scid;
	s2 =	stileid.u32;
	s19 =	simm.s32 $0x3  }
0x5: {  	s20 =	simm.s32 $0x4;
	s21 =	simm.s32 $0x5;
	s22 =	simm.s32 $0x6  }
0x6: {  	s23 =	simm.s32 $0x0;
	[smem:$0x7FF] =	sst s3;
	s10 =	sand.u32 $0x1, s4  }
0x7: {  	s6 =	sshll.u32 s2, $0x1;
	s4 =	sadd.s32 $0x4E00, s5;
	s16 =	smul.u32 $0x50000, s2  }
0x8: {  	s13 =	sadd.s32 $0x36000, s5;
	s12 =	sadd.s32 $0x2C000, s5;
	s17 =	smul.u32 $0x5000, s2  }
0x9: {  	s11 =	sadd.s32 $0x4A000, s5;
	s15 =	sadd.s32 $0x54A000, s5;
	s18 =	smul.u32 $0x2800, s10  }
0xa: {  	s6 =	sor.u32 s10, s6;
	s7 =	ssub.s32 $0x2, s10;
	s10 =	smul.u32 $0x28000, s10  }
0xb: {  	_ =	strace $0x80000047;
	s8 =	smul.u32 $0x2800, s6;
	s9 =	sshrl.u32 s7, $0x1  }
0xc: {  	s14 =	smul.u32 $0x28000, s6;
	s29 =	sadd.s32 s16, s15;
	s26 =	ssub.s32 s7, s9  }
0xd: {  	s30 =	sadd.s32 s18, s17;
	s17 =	simm.s32 $0x2;
	s18 =	simm.s32 $0x8200  }
0xe: {  	s5 =	smax.u32 s26, $0x1;
	s28 =	sshrl.u32 s8, $0x3;
	s8 =	sadd.s32 s11, s14  }
0xf: {  	s9 =	sadd.s32 s15, s14;
	s11 =	sadd.s32 s16, s11;
	s14 =	sadd.s32 s10, s29  }
0x10: {  	s15 =	sor.u32 $0x100, s30;
	s16 =	simm.s32 $0x200;
	s6 =	sadd.s32 s13, s28  }
0x11: {  	s7 =	sadd.s32 s12, s28;
	s11 =	sadd.s32 s10, s11;
	s31 =	sshrl.u32 s15, $0x3  }
0x12: {  	s15 =	simm.s32 $0x1;
	s10 =	sadd.s32 $0x1000, s11;
	s11 =	sadd.s32 $0x1000, s14  }
0x13: {  	s12 =	sadd.s32 s31, s12;
	s13 =	sadd.s32 s31, s13;
	s14 =	simm.s32 $0x100  }
.LBB2_1:
0x14: {  	[tilespmem:s3], [sflag:$0x1] =	stream.linear.gather [hbm4b:s6+s3], $0x100, $0x38;
	[tilespmem:$0x10200] =	vst v63  }
0x15: {  	_ = 	snop  }
0x16: {  	[tilespmem:s14], [sflag:$0x2] =	stream.linear.gather [hbm4b:s7+s3], $0x100, $0x38;
	[tilespmem:$0x10200] =	vst v63  }
0x17: {  	_ =	swait.ge [sflag:s15], $0x100  }
0x18: {  	[sflag:s15] =	ssyncset.done $0x0  }
0x19: {  	[sflag:s15] =	ssyncadd.s32 $0xFFFFFF00  }
0x1a: {  	[tilespmem:s16], [sflag:$0x3] =	stream.indirect.gather [hbm4b:s1+s14], $0x80, s3, s14, $0xb8;
	[tilespmem:$0x10200] =	vst v63  }
0x1b: {  	_ =	swait.ge [sflag:s17], $0x100  }
0x1c: {  	[sflag:s17] =	ssyncset.done $0x0  }
0x1d: {  	[sflag:s17] =	ssyncadd.s32 $0xFFFFFF00  }
0x1e: {  	[tilespmem:s18], [sflag:$0x4] =	stream.indirect.gather [hbm4b:s4+s14], $0x80, s14, s14, $0xb8;
	[tilespmem:$0x10200] =	vst v63  }
0x1f: {  	_ =	swait.ge [sflag:s19], $0x8000  }
0x20: {  	[sflag:s19] =	ssyncset.done $0x0  }
0x21: {  	[sflag:s19] =	ssyncadd.s32 $0xFFFF8000  }
0x22: {  	[hbm4b:s8+s3] =	stream.linear.scatter [tilespmem:s16], [sflag:$0x5], $0x8000, $0x38;
	[tilespmem:$0x10200] =	vst v63  }
0x23: {  	_ =	swait.ge [sflag:s20], $0x8000  }
0x24: {  	[sflag:s20] =	ssyncset.done $0x0  }
0x25: {  	[sflag:s20] =	ssyncadd.s32 $0xFFFF8000  }
0x26: {  	[hbm4b:s9+s3] =	stream.linear.scatter [tilespmem:s18], [sflag:$0x6], $0x8000, $0x38;
	[tilespmem:$0x10200] =	vst v63  }
0x27: {  	s24 =	sadd.s32 $0x0, s13  }
0x28: {  	[tilespmem:s3], [sflag:$0x1] =	stream.linear.gather [hbm4b:s24+s3], $0x100, $0x38;
	[tilespmem:$0x10200] =	vst v63  }
0x29: {  	s31 =	sadd.s32 $0x0, s12  }
0x2a: {  	[tilespmem:s14], [sflag:$0x2] =	stream.linear.gather [hbm4b:s31+s3], $0x100, $0x38;
	[tilespmem:$0x10200] =	vst v63  }
0x2b: {  	_ =	swait.ge [sflag:s21], $0x8000  }
0x2c: {  	[sflag:s21] =	ssyncset.done $0x0  }
0x2d: {  	[sflag:s21] =	ssyncadd.s32 $0xFFFF8000  }
0x2e: {  	_ =	swait.ge [sflag:s22], $0x8000  }
0x2f: {  	[sflag:s22] =	ssyncset.done $0x0  }
0x30: {  	[sflag:s22] =	ssyncadd.s32 $0xFFFF8000  }
0x31: {  	_ =	swait.ge [sflag:s15], $0x100  }
0x32: {  	[sflag:s15] =	ssyncset.done $0x0  }
0x33: {  	[sflag:s15] =	ssyncadd.s32 $0xFFFFFF00  }
0x34: {  	[tilespmem:s16], [sflag:$0x3] =	stream.indirect.gather [hbm4b:s1+s14], $0x80, s3, s14, $0xb8;
	[tilespmem:$0x10200] =	vst v63  }
0x35: {  	_ =	swait.ge [sflag:s17], $0x100  }
0x36: {  	[sflag:s17] =	ssyncset.done $0x0  }
0x37: {  	[sflag:s17] =	ssyncadd.s32 $0xFFFFFF00  }
0x38: {  	[tilespmem:s18], [sflag:$0x4] =	stream.indirect.gather [hbm4b:s4+s14], $0x80, s14, s14, $0xb8;
	[tilespmem:$0x10200] =	vst v63  }
0x39: {  	_ =	swait.ge [sflag:s19], $0x8000  }
0x3a: {  	[sflag:s19] =	ssyncset.done $0x0  }
0x3b: {  	[sflag:s19] =	ssyncadd.s32 $0xFFFF8000  }
0x3c: {  	[hbm4b:s10+s3] =	stream.linear.scatter [tilespmem:s16], [sflag:$0x5], $0x8000, $0x38;
	[tilespmem:$0x10200] =	vst v63  }
0x3d: {  	_ =	swait.ge [sflag:s20], $0x8000  }
0x3e: {  	s25 =	sadd.s32 $0x1000, s10;
	s26 =	sadd.s32 $0x1000, s11;
	[sflag:s20] =	ssyncset.done $0x0  }
0x3f: {  	s28 =	smov.u32 s11;
	s24 =	simm.s32 $0x20;
	[sflag:s20] =	ssyncadd.s32 $0xFFFF8000  }
.LBB2_2:
0x40: {  	[hbm4b:s28+s3] =	stream.linear.scatter [tilespmem:s18], [sflag:$0x6], $0x8000, $0x38;
	[tilespmem:$0x10200] =	vst v63  }
0x41: {  	s29 =	smov.u32 s24;
	s28 =	smov.u32 s26  }
0x42: {  	p0 =	sne.s32 s24, $0x4C0;
	s24 =	sadd.s32 $0x20, s24;
	s30 =	sadd.s32 s29, s13  }
0x43: {  	[tilespmem:s3], [sflag:$0x1] =	stream.linear.gather [hbm4b:s30+s3], $0x100, $0x38;
	[tilespmem:$0x10200] =	vst v63  }
0x44: {  	s29 =	sadd.s32 s29, s12  }
0x45: {  	[tilespmem:s14], [sflag:$0x2] =	stream.linear.gather [hbm4b:s29+s3], $0x100, $0x38;
	[tilespmem:$0x10200] =	vst v63  }
0x46: {  	_ =	swait.ge [sflag:s21], $0x8000  }
0x47: {  	[sflag:s21] =	ssyncset.done $0x0  }
0x48: {  	[sflag:s21] =	ssyncadd.s32 $0xFFFF8000  }
0x49: {  	_ =	swait.ge [sflag:s22], $0x8000  }
0x4a: {  	[sflag:s22] =	ssyncset.done $0x0  }
0x4b: {  	[sflag:s22] =	ssyncadd.s32 $0xFFFF8000  }
0x4c: {  	_ =	swait.ge [sflag:s15], $0x100  }
0x4d: {  	[sflag:s15] =	ssyncset.done $0x0  }
0x4e: {  	[sflag:s15] =	ssyncadd.s32 $0xFFFFFF00  }
0x4f: {  	[tilespmem:s16], [sflag:$0x3] =	stream.indirect.gather [hbm4b:s1+s14], $0x80, s3, s14, $0xb8;
	[tilespmem:$0x10200] =	vst v63  }
0x50: {  	_ =	swait.ge [sflag:s17], $0x100  }
0x51: {  	[sflag:s17] =	ssyncset.done $0x0  }
0x52: {  	[sflag:s17] =	ssyncadd.s32 $0xFFFFFF00  }
0x53: {  	[tilespmem:s18], [sflag:$0x4] =	stream.indirect.gather [hbm4b:s4+s14], $0x80, s14, s14, $0xb8;
	[tilespmem:$0x10200] =	vst v63  }
0x54: {  	_ =	swait.ge [sflag:s19], $0x8000  }
0x55: {  	[sflag:s19] =	ssyncset.done $0x0  }
.Ltmp0:
0x56: {  	[sflag:s19] =	ssyncadd.s32 $0xFFFF8000;
	(pc) =	sbr.rel @p0 .LBB2_2-.Ltmp0, $4  }
0x57: {  	[hbm4b:s25+s3] =	stream.linear.scatter [tilespmem:s16], [sflag:$0x5], $0x8000, $0x38;
	[tilespmem:$0x10200] =	vst v63  }
0x58: {  	_ =	swait.ge [sflag:s20], $0x8000  }
0x59: {  	[sflag:s20] =	ssyncset.done $0x0  }
0x5a: {  	s26 =	sadd.s32 $0x1000, s26;
	s25 =	sadd.s32 $0x1000, s25;
	[sflag:s20] =	ssyncadd.s32 $0xFFFF8000  }
0x5b: {  	[hbm4b:s28+s3] =	stream.linear.scatter [tilespmem:s18], [sflag:$0x6], $0x8000, $0x38;
	[tilespmem:$0x10200] =	vst v63  }
0x5c: {  	s23 =	sadd.s32 $0x1, s23  }
0x5d: {  	_ =	swait.ge [sflag:s21], $0x8000;
	p0 =	sne.s32 s23, s5  }
.Ltmp1:
0x5e: {  	[sflag:s21] =	ssyncset.done $0x0;
	(pc) =	sbr.rel @p0 .LBB2_1-.Ltmp1, $4  }
0x5f: {  	[sflag:s21] =	ssyncadd.s32 $0xFFFF8000  }
0x60: {  	_ =	swait.ge [sflag:s22], $0x8000  }
0x61: {  	[sflag:s22] =	ssyncset.done $0x0  }
0x62: {  	[sflag:s22] =	ssyncadd.s32 $0xFFFF8000  }
0x63: {  	_ =	sfence.sel $0x180000  }
0x64: {  	[bflag:$0x0] =	sbarrier.arrive $0xFFFF  }
0x65: {  	p0 =	sne.s32 s2, $0x0;
	_ =	strace $0x90000047  }
0x66: {  	s0 =	sadd.s32 @!p0 $0x100000, s0;
	[bflag:$0x2] =	sbarrier.arrive $0xFFFF  }
0x67: {  	[sflag:s0] =	ssyncadd.tile.s32 @!p0 $0x1;
	_ =	shalt  }
.Lfunc_end2:
_tile_overlayer_lowered:
.L_overlay_start_2:
0x68: {  	(tag) =	ssettag $0x2  }
0x69: {  	s0 =	rddreg [dreg:$0x0];
	s2 =	stileid.u32  }
0x6a: {  	s1 =	rddreg [dreg:$0x1];
	p0 =	sne.s32 s2, $0x0  }
0x6b: {  	s3 =	rddreg [dreg:$0x2];
	[bflag:$0x3] =	sbarrier.arrive $0xFFFF;
	s2 =	simm.s32 @!p0 $0x1C07  }
0x6c: {  	[timem:s3], [sflag:s2] =	dma.local @!p0 [hbm:s0], s1  }
0x6d: {  	s0 =	simm.s32 @!p0 $0x7  }
0x6e: {  	_ =	swait.ge @!p0 [sflag:s0], s1  }
0x6f: {  	s1 =	ssub.s32 @!p0 $0x0, s1;
	[sflag:s0] =	ssyncset.done @!p0 $0x0  }
0x70: {  	[sflag:s0] =	ssyncadd.s32 @!p0 s1  }
0x71: {  	[bflag:$0x3] =	sbarrier.arrive $0xFFFF  }
0x72: {  	_ =	shalt  }

</sc_bundles>
